<compile_context>
chip_gen: v7x
topology: tpu7x:2x2x1
jax: 0.10.2.dev20260603
libtpu: 0.0.44.dev20260713+nightly
codegen_flags: <defaults>
</compile_context>

<pallas_src>
import functools

import jax
import jax.numpy as jnp
from jax import lax
from jax.experimental import pallas as pl
from jax.experimental.pallas import tpu as pltpu
from jax.experimental.pallas import tpu_sc as plsc

E = 64
TOP_K = 2
H = 1024
FF = 512
T = 2048
CAP = 128
PAD_ROW = E * CAP


def _build_dispatch(x, gw, gidx_s, ws_s, s0_ref, s1_ref):
    logits = lax.dot_general(x, gw, (((1,), (1,)), ((), ())),
                             preferred_element_type=jnp.float32)
    p = jax.nn.softmax(logits, axis=-1)

    eids = lax.broadcasted_iota(jnp.int32, (T, E), 1)
    m0 = jnp.max(p, axis=1, keepdims=True)
    idx0 = jnp.min(jnp.where(p >= m0, eids, E), axis=1, keepdims=True)
    oh0 = eids == idx0
    p1 = jnp.where(oh0, -jnp.inf, p)
    m1 = jnp.max(p1, axis=1, keepdims=True)
    idx1 = jnp.min(jnp.where(p1 >= m1, eids, E), axis=1, keepdims=True)
    oh1 = eids == idx1

    s = m0 + m1
    w0 = m0 / s
    w1 = m1 / s

    oh0f = oh0.astype(jnp.float32)
    oh1f = oh1.astype(jnp.float32)
    a = oh0f + oh1f

    chunk = 1024
    r = lax.broadcasted_iota(jnp.int32, (chunk, chunk), 0)
    c = lax.broadcasted_iota(jnp.int32, (chunk, chunk), 1)
    ltri = (r > c).astype(jnp.float32)
    carry = jnp.zeros((1, E), jnp.float32)
    parts = []
    for i in range(T // chunk):
        ai = lax.slice(a, (i * chunk, 0), ((i + 1) * chunk, E))
        ci = lax.dot_general(ltri, ai, (((1,), (0,)), ((), ())),
                             preferred_element_type=jnp.float32) + carry
        parts.append(ci)
        carry = carry + jnp.sum(ai, axis=0, keepdims=True)
    cum = jnp.concatenate(parts, axis=0)

    pos0 = jnp.sum(jnp.where(oh0, cum, 0.0), axis=1, keepdims=True)
    pos1 = jnp.sum(jnp.where(oh1, cum, 0.0), axis=1, keepdims=True)
    pos0i = pos0.astype(jnp.int32)
    pos1i = pos1.astype(jnp.int32)

    jidx = lax.broadcasted_iota(jnp.int32, (T, CAP), 1)
    ohj0 = (jidx == pos0i).astype(jnp.float32)
    ohj1 = (jidx == pos1i).astype(jnp.float32)

    ws_s[...] = (lax.dot_general(oh0f * w0, ohj0, (((0,), (0,)), ((), ())),
                                 preferred_element_type=jnp.float32) +
                 lax.dot_general(oh1f * w1, ohj1, (((0,), (0,)), ((), ())),
                                 preferred_element_type=jnp.float32))

    ti = lax.broadcasted_iota(jnp.int32, (T, 1), 0)
    thi = (ti // 16).astype(jnp.float32)
    tlo = (ti % 16).astype(jnp.float32)

    def _slotdot(v):
        return (lax.dot_general(oh0f * v, ohj0, (((0,), (0,)), ((), ())),
                                preferred_element_type=jnp.float32) +
                lax.dot_general(oh1f * v, ohj1, (((0,), (0,)), ((), ())),
                                preferred_element_type=jnp.float32))

    gidx = 16.0 * _slotdot(thi) + _slotdot(tlo)
    gidx_s[...] = jnp.round(gidx).astype(jnp.int32)

    s0_ref[...] = jnp.where(pos0i < CAP, idx0 * CAP + pos0i, PAD_ROW)
    s1_ref[...] = jnp.where(pos1i < CAP, idx1 * CAP + pos1i, PAD_ROW)


def _moe_body(x_ref, gw_ref, wg_ref, wu_ref, wd_ref,
              outd_ref, s0_ref, s1_ref, gidx_s, ws_s):
    e = pl.program_id(0)

    @pl.when(e == 0)
    def _():
        _build_dispatch(x_ref[...], gw_ref[...], gidx_s, ws_s, s0_ref, s1_ref)

    @pl.when(e < E)
    def _():
        gv = gidx_s[pl.ds(e, 1), :][0]
        wv = ws_s[pl.ds(e, 1), :][0]
        tids = lax.broadcasted_iota(jnp.int32, (CAP, T), 1)
        onehot = (tids == gv[:, None]).astype(jnp.float32)
        xb = lax.dot_general(onehot, x_ref[...], (((1,), (0,)), ((), ())),
                             preferred_element_type=jnp.float32)
        g = lax.dot_general(xb, wg_ref[0], (((1,), (1,)), ((), ())),
                            preferred_element_type=jnp.float32)
        u = lax.dot_general(xb, wu_ref[0], (((1,), (1,)), ((), ())),
                            preferred_element_type=jnp.float32)
        sact = g * jax.nn.sigmoid(g) * u
        h = lax.dot_general(sact, wd_ref[0], (((1,), (1,)), ((), ())),
                            preferred_element_type=jnp.float32)
        outd_ref[...] = h * wv[:, None]

    @pl.when(e >= E)
    def _():
        outd_ref[...] = jnp.zeros_like(outd_ref)


def _moe_tc(x, gate_w, w_gate, w_up, w_down):
    clamp = lambda e: jnp.minimum(e, E - 1)
    return pl.pallas_call(
        _moe_body,
        grid=(E + 1,),
        in_specs=[
            pl.BlockSpec((T, H), lambda e: (0, 0)),
            pl.BlockSpec((E, H), lambda e: (0, 0)),
            pl.BlockSpec((1, FF, H), lambda e: (clamp(e), 0, 0)),
            pl.BlockSpec((1, FF, H), lambda e: (clamp(e), 0, 0)),
            pl.BlockSpec((1, H, FF), lambda e: (clamp(e), 0, 0)),
        ],
        out_specs=(
            pl.BlockSpec((CAP, H), lambda e: (e, 0)),
            pl.BlockSpec((T, 1), lambda e: (0, 0)),
            pl.BlockSpec((T, 1), lambda e: (0, 0)),
        ),
        out_shape=(
            jax.ShapeDtypeStruct(((E + 1) * CAP, H), jnp.float32),
            jax.ShapeDtypeStruct((T, 1), jnp.int32),
            jax.ShapeDtypeStruct((T, 1), jnp.int32),
        ),
        scratch_shapes=[
            pltpu.VMEM((E, CAP), jnp.int32),
            pltpu.VMEM((E, CAP), jnp.float32),
        ],
        compiler_params=pltpu.CompilerParams(
            dimension_semantics=("arbitrary",)),
    )(x, gate_w, w_gate, w_up, w_down)


def _sc_combine(outd, slot0, slot1):
    info = plsc.get_sparse_core_info()
    nc, ns = info.num_cores, info.num_subcores
    nw = nc * ns
    tok_per_w = T // nw
    chunk = 32

    mesh = plsc.VectorSubcoreMesh(core_axis_name="c", subcore_axis_name="s")

    @functools.partial(
        pl.kernel, mesh=mesh,
        out_type=jax.ShapeDtypeStruct((T, H), jnp.float32),
        scratch_types=[
            pltpu.VMEM((tok_per_w,), jnp.int32),
            pltpu.VMEM((tok_per_w,), jnp.int32),
            pltpu.VMEM((chunk, H), jnp.float32),
            pltpu.VMEM((chunk, H), jnp.float32),
            pltpu.VMEM((chunk, H), jnp.float32),
            pltpu.SemaphoreType.DMA,
        ],
    )
    def k(outd_hbm, s0_hbm, s1_hbm, out_hbm, i0_v, i1_v, b0, b1, ob, sem):
        wid = lax.axis_index("s") * nc + lax.axis_index("c")
        base = wid * tok_per_w
        pltpu.sync_copy(s0_hbm.at[pl.ds(base, tok_per_w)], i0_v)
        pltpu.sync_copy(s1_hbm.at[pl.ds(base, tok_per_w)], i1_v)
        for ci in range(tok_per_w // chunk):
            pltpu.async_copy(outd_hbm.at[i0_v.at[pl.ds(ci * chunk, chunk)]],
                             b0, sem).wait()
            pltpu.async_copy(outd_hbm.at[i1_v.at[pl.ds(ci * chunk, chunk)]],
                             b1, sem).wait()

            def row(rr, _):
                for v in range(H // 16):
                    sl = pl.ds(v * 16, 16)
                    ob[rr, sl] = b0[rr, sl] + b1[rr, sl]
                return 0

            lax.fori_loop(0, chunk, row, 0)
            pltpu.sync_copy(ob, out_hbm.at[pl.ds(base + ci * chunk, chunk)])

    return k(outd, slot0, slot1)


def kernel(hidden_states, gate_w, w_gate, w_up, w_down):
    outd, slot0, slot1 = _moe_tc(hidden_states, gate_w, w_gate, w_up, w_down)
    return _sc_combine(outd, slot0.reshape(T), slot1.reshape(T))

# --- scband reference (transcript-rebuilt; emitter-appended) ---
"""Pipeline reference for scband-qwen3-sparse-moe-block-90134183674315 (READ-ONLY COPY).

The authoritative reference and input builder live on the scoring server;
editing this copy changes nothing except your own understanding.
"""

import jax, jax.numpy as jnp
import numpy as np

E = 64
TOP_K = 2
H = 1024
FF = 512
T = 2048
CAP = 128  # capacity per expert; E[tokens/expert] = T*TOP_K/E = 64, CAP=2x mean -> overflow prob ~1e-11


def setup_inputs(seed: int = 0) -> dict:
    key = jax.random.key(seed)
    k1, k2, k3, k4, k5 = jax.random.split(key, 5)
    return {
        "hidden_states": jax.random.normal(k1, (T, H), dtype=jnp.float32),
        "gate_w": jax.random.normal(k2, (E, H), dtype=jnp.float32) * 0.02,
        "w_gate": jax.random.normal(k3, (E, FF, H), dtype=jnp.float32) * 0.02,
        "w_up": jax.random.normal(k4, (E, FF, H), dtype=jnp.float32) * 0.02,
        "w_down": jax.random.normal(k5, (E, H, FF), dtype=jnp.float32) * 0.02,
    }


def reference(hidden_states, gate_w, w_gate, w_up, w_down):
    flat = hidden_states  # [T, H]
    Ttok = flat.shape[0]
    # router
    router_logits = flat @ gate_w.T  # [T, E]
    routing_weights = jax.nn.softmax(router_logits.astype(jnp.float32), axis=-1)
    routing_weights, selected_experts = jax.lax.top_k(routing_weights, TOP_K)
    # norm_topk_prob = True
    routing_weights = routing_weights / jnp.sum(routing_weights, axis=-1, keepdims=True)
    routing_weights = routing_weights.astype(flat.dtype)

    def body(expert_idx, final_hidden_states):
        mask = selected_experts == expert_idx  # [T, TOP_K]
        tok_idx, tk_pos = jnp.nonzero(mask, size=CAP, fill_value=Ttok)
        valid = tok_idx < Ttok
        st = jnp.where(valid, tok_idx, 0)
        sp = jnp.where(valid, tk_pos, 0)
        x_e = flat[st]  # gather [CAP, H]
        g = x_e @ w_gate[expert_idx].T
        u = x_e @ w_up[expert_idx].T
        h = (jax.nn.silu(g) * u) @ w_down[expert_idx].T  # [CAP, H]
        w = routing_weights[st, sp] * valid.astype(flat.dtype)
        return final_hidden_states.at[st].add(h * w[:, None])  # scatter-add

    final_hidden_states = jax.lax.fori_loop(0, w_gate.shape[0], body, jnp.zeros_like(flat))
    return final_hidden_states

if __name__ == "__main__":
    import jax
    _d = setup_inputs()
    print(jax.jit(kernel)(*tuple(_d.values())))

</pallas_src>

<mosaic_0001>
#map = affine_map<(d0, d1) -> (0, 0)>
#map1 = affine_map<(d0, d1) -> (0)>
module attributes {stable_mosaic.version = 14 : i64} {
  func.func @k(%arg0: i32, %arg1: i32, %arg2: memref<8320x1024xf32, #tpu.memory_space<hbm>>, %arg3: memref<2048xi32, #tpu.memory_space<hbm>>, %arg4: memref<2048xi32, #tpu.memory_space<hbm>>, %arg5: memref<2048x1024xf32, #tpu.memory_space<hbm>>, %arg6: memref<64xi32, #tpu.memory_space<vmem>>, %arg7: memref<64xi32, #tpu.memory_space<vmem>>, %arg8: memref<32x1024xf32, #tpu.memory_space<vmem>>, %arg9: memref<32x1024xf32, #tpu.memory_space<vmem>>, %arg10: memref<32x1024xf32, #tpu.memory_space<vmem>>, %arg11: memref<!tpu.dma_semaphore, #tpu.memory_space<semaphore_mem>>) attributes {dimension_semantics = [#tpu.dimension_semantics<core_parallel>, #tpu.dimension_semantics<subcore_parallel>], iteration_bounds = array<i64: 2, 16>, scalar_prefetch = 0 : i64, scratch_operands = 6 : i64, tpu.core_type = #tpu.core_type<sc_vector_subcore>, window_params = [{transform_indices = #map}, {transform_indices = #map1}, {transform_indices = #map1}, {transform_indices = #map}]} {
    %mul3A = arith.constant 2 : i32
    %mul3A_0 = arith.muli %arg1, %mul3A : i32
    %add3A = arith.addi %mul3A_0, %arg0 : i32
    %mul3A_1 = arith.constant 64 : i32
    %mul3A_2 = arith.muli %add3A, %mul3A_1 : i32
    "tpu.region"() ({
      %run_scoped3A = tpu.sem_alloc : memref<!tpu.dma_semaphore, #tpu.memory_space<semaphore_mem>>
      %dma_start3A_58 = tpu.memref_slice %arg3[%mul3A_2] : memref<2048xi32, #tpu.memory_space<hbm>> -> memref<64xi32, #tpu.memory_space<hbm>>
      %dma_start3A_59 = tpu.memref_slice %arg3[%mul3A_2] : memref<2048xi32, #tpu.memory_space<hbm>> -> memref<64xi32, #tpu.memory_space<hbm>>
      tpu.enqueue_dma source(%dma_start3A_59 : memref<64xi32, #tpu.memory_space<hbm>>) target(%arg6 : memref<64xi32, #tpu.memory_space<vmem>>) target_semaphore(%run_scoped3A : memref<!tpu.dma_semaphore, #tpu.memory_space<semaphore_mem>>)
      %dma_wait3A_60 = tpu.memref_slice %arg3[%mul3A_2] : memref<2048xi32, #tpu.memory_space<hbm>> -> memref<64xi32, #tpu.memory_space<hbm>>
      %dma_wait3A_61 = tpu.memref_slice %arg3[%mul3A_2] : memref<2048xi32, #tpu.memory_space<hbm>> -> memref<64xi32, #tpu.memory_space<hbm>>
      tpu.wait_dma2 semaphore(%run_scoped3A : memref<!tpu.dma_semaphore, #tpu.memory_space<semaphore_mem>>) src(%dma_wait3A_61 : memref<64xi32, #tpu.memory_space<hbm>>) dst(%arg6 : memref<64xi32, #tpu.memory_space<vmem>>)
      tpu.yield
    }) : () -> ()
    "tpu.region"() ({
      %run_scoped3A = tpu.sem_alloc : memref<!tpu.dma_semaphore, #tpu.memory_space<semaphore_mem>>
      %dma_start3A_58 = tpu.memref_slice %arg4[%mul3A_2] : memref<2048xi32, #tpu.memory_space<hbm>> -> memref<64xi32, #tpu.memory_space<hbm>>
      %dma_start3A_59 = tpu.memref_slice %arg4[%mul3A_2] : memref<2048xi32, #tpu.memory_space<hbm>> -> memref<64xi32, #tpu.memory_space<hbm>>
      tpu.enqueue_dma source(%dma_start3A_59 : memref<64xi32, #tpu.memory_space<hbm>>) target(%arg7 : memref<64xi32, #tpu.memory_space<vmem>>) target_semaphore(%run_scoped3A : memref<!tpu.dma_semaphore, #tpu.memory_space<semaphore_mem>>)
      %dma_wait3A_60 = tpu.memref_slice %arg4[%mul3A_2] : memref<2048xi32, #tpu.memory_space<hbm>> -> memref<64xi32, #tpu.memory_space<hbm>>
      %dma_wait3A_61 = tpu.memref_slice %arg4[%mul3A_2] : memref<2048xi32, #tpu.memory_space<hbm>> -> memref<64xi32, #tpu.memory_space<hbm>>
      tpu.wait_dma2 semaphore(%run_scoped3A : memref<!tpu.dma_semaphore, #tpu.memory_space<semaphore_mem>>) src(%dma_wait3A_61 : memref<64xi32, #tpu.memory_space<hbm>>) dst(%arg7 : memref<64xi32, #tpu.memory_space<vmem>>)
      tpu.yield
    }) : () -> ()
    %dma_start3A = arith.constant 0 : i32
    %dma_start3A_3 = tpu.memref_slice %arg6[%dma_start3A] : memref<64xi32, #tpu.memory_space<vmem>> -> memref<32xi32, #tpu.memory_space<vmem>>
    %dma_start3A_4 = arith.constant 0 : i32
    %dma_start3A_5 = arith.constant 0 : i32
    %dma_start3A_6 = tpu.memref_slice %arg2[%dma_start3A_4, %dma_start3A_5] : memref<8320x1024xf32, #tpu.memory_space<hbm>> -> memref<8320x1024xf32, #tpu.memory_space<hbm>>
    tpu.enqueue_indirect_dma source(%dma_start3A_6 : memref<8320x1024xf32, #tpu.memory_space<hbm>>) target(%arg8 : memref<32x1024xf32, #tpu.memory_space<vmem>>) offsets(%dma_start3A_3 : memref<32xi32, #tpu.memory_space<vmem>>) semaphore(%arg11 : memref<!tpu.dma_semaphore, #tpu.memory_space<semaphore_mem>>)
    %dma_wait3A = arith.constant 0 : i32
    %dma_wait3A_7 = tpu.memref_slice %arg6[%dma_wait3A] : memref<64xi32, #tpu.memory_space<vmem>> -> memref<32xi32, #tpu.memory_space<vmem>>
    %dma_wait3A_8 = arith.constant 0 : i32
    %dma_wait3A_9 = arith.constant 0 : i32
    %dma_wait3A_10 = tpu.memref_slice %arg2[%dma_wait3A_8, %dma_wait3A_9] : memref<8320x1024xf32, #tpu.memory_space<hbm>> -> memref<8320x1024xf32, #tpu.memory_space<hbm>>
    tpu.wait_indirect_dma semaphore(%arg11 : memref<!tpu.dma_semaphore, #tpu.memory_space<semaphore_mem>>) src(%dma_wait3A_10 : memref<8320x1024xf32, #tpu.memory_space<hbm>>) dst(%arg8 : memref<32x1024xf32, #tpu.memory_space<vmem>>)
    %dma_start3A_11 = arith.constant 0 : i32
    %dma_start3A_12 = tpu.memref_slice %arg7[%dma_start3A_11] : memref<64xi32, #tpu.memory_space<vmem>> -> memref<32xi32, #tpu.memory_space<vmem>>
    %dma_start3A_13 = arith.constant 0 : i32
    %dma_start3A_14 = arith.constant 0 : i32
    %dma_start3A_15 = tpu.memref_slice %arg2[%dma_start3A_13, %dma_start3A_14] : memref<8320x1024xf32, #tpu.memory_space<hbm>> -> memref<8320x1024xf32, #tpu.memory_space<hbm>>
    tpu.enqueue_indirect_dma source(%dma_start3A_15 : memref<8320x1024xf32, #tpu.memory_space<hbm>>) target(%arg9 : memref<32x1024xf32, #tpu.memory_space<vmem>>) offsets(%dma_start3A_12 : memref<32xi32, #tpu.memory_space<vmem>>) semaphore(%arg11 : memref<!tpu.dma_semaphore, #tpu.memory_space<semaphore_mem>>)
    %dma_wait3A_16 = arith.constant 0 : i32
    %dma_wait3A_17 = tpu.memref_slice %arg7[%dma_wait3A_16] : memref<64xi32, #tpu.memory_space<vmem>> -> memref<32xi32, #tpu.memory_space<vmem>>
    %dma_wait3A_18 = arith.constant 0 : i32
    %dma_wait3A_19 = arith.constant 0 : i32
    %dma_wait3A_20 = tpu.memref_slice %arg2[%dma_wait3A_18, %dma_wait3A_19] : memref<8320x1024xf32, #tpu.memory_space<hbm>> -> memref<8320x1024xf32, #tpu.memory_space<hbm>>
    tpu.wait_indirect_dma semaphore(%arg11 : memref<!tpu.dma_semaphore, #tpu.memory_space<semaphore_mem>>) src(%dma_wait3A_20 : memref<8320x1024xf32, #tpu.memory_space<hbm>>) dst(%arg9 : memref<32x1024xf32, #tpu.memory_space<vmem>>)
    %scan3A = arith.constant 0 : i32
    %scan3A_21 = arith.constant 0 : i32
    %scan3A_22 = arith.constant 32 : i32
    %scan3A_23 = arith.addi %scan3A_21, %scan3A_22 : i32
    %scan3A_24 = arith.constant 1 : i32
    %scan3A_25 = scf.for %scan3A_58 = %scan3A_21 to %scan3A_23 step %scan3A_24 iter_args(%scan3A_59 = %scan3A) -> (i32)  : i32 {
      %get3A = arith.index_cast %scan3A_58 : i32 to index
      %get3A_60 = arith.constant 0 : index
      %get3A_61 = tpu.vector_load %arg8[%get3A, %get3A_60] {strides = array<i32>} : memref<32x1024xf32, #tpu.memory_space<vmem>>, vector<1x16xf32>,
      %get3A_62 = vector.shape_cast %get3A_61 : vector<1x16xf32> to vector<16xf32>
      %get3A_63 = arith.index_cast %scan3A_58 : i32 to index
      %get3A_64 = arith.constant 0 : index
      %get3A_65 = tpu.vector_load %arg9[%get3A_63, %get3A_64] {strides = array<i32>} : memref<32x1024xf32, #tpu.memory_space<vmem>>, vector<1x16xf32>,
      %get3A_66 = vector.shape_cast %get3A_65 : vector<1x16xf32> to vector<16xf32>
      %add3A_67 = arith.addf %get3A_62, %get3A_66 : vector<16xf32>
      %swap3A = arith.index_cast %scan3A_58 : i32 to index
      %swap3A_68 = arith.constant 0 : index
      %swap3A_69 = tpu.vector_load %arg10[%swap3A, %swap3A_68] {strides = array<i32>} : memref<32x1024xf32, #tpu.memory_space<vmem>>, vector<1x16xf32>,
      %swap3A_70 = vector.shape_cast %swap3A_69 : vector<1x16xf32> to vector<16xf32>
      %swap3A_71 = vector.shape_cast %add3A_67 : vector<16xf32> to vector<1x16xf32>
      tpu.vector_store %arg10[%swap3A, %swap3A_68], %swap3A_71 {strides = array<i32>} : memref<32x1024xf32, #tpu.memory_space<vmem>>, vector<1x16xf32>,
      %get3A_72 = arith.index_cast %scan3A_58 : i32 to index
      %get3A_73 = arith.constant 16 : index
      %get3A_74 = tpu.vector_load %arg8[%get3A_72, %get3A_73] {strides = array<i32>} : memref<32x1024xf32, #tpu.memory_space<vmem>>, vector<1x16xf32>,
      %get3A_75 = vector.shape_cast %get3A_74 : vector<1x16xf32> to vector<16xf32>
      %get3A_76 = arith.index_cast %scan3A_58 : i32 to index
      %get3A_77 = arith.constant 16 : index
      %get3A_78 = tpu.vector_load %arg9[%get3A_76, %get3A_77] {strides = array<i32>} : memref<32x1024xf32, #tpu.memory_space<vmem>>, vector<1x16xf32>,
      %get3A_79 = vector.shape_cast %get3A_78 : vector<1x16xf32> to vector<16xf32>
      %add3A_80 = arith.addf %get3A_75, %get3A_79 : vector<16xf32>
      %swap3A_81 = arith.index_cast %scan3A_58 : i32 to index
      %swap3A_82 = arith.constant 16 : index
      %swap3A_83 = tpu.vector_load %arg10[%swap3A_81, %swap3A_82] {strides = array<i32>} : memref<32x1024xf32, #tpu.memory_space<vmem>>, vector<1x16xf32>,
      %swap3A_84 = vector.shape_cast %swap3A_83 : vector<1x16xf32> to vector<16xf32>
      %swap3A_85 = vector.shape_cast %add3A_80 : vector<16xf32> to vector<1x16xf32>
      tpu.vector_store %arg10[%swap3A_81, %swap3A_82], %swap3A_85 {strides = array<i32>} : memref<32x1024xf32, #tpu.memory_space<vmem>>, vector<1x16xf32>,
      %get3A_86 = arith.index_cast %scan3A_58 : i32 to index
      %get3A_87 = arith.constant 32 : index
      %get3A_88 = tpu.vector_load %arg8[%get3A_86, %get3A_87] {strides = array<i32>} : memref<32x1024xf32, #tpu.memory_space<vmem>>, vector<1x16xf32>,
      %get3A_89 = vector.shape_cast %get3A_88 : vector<1x16xf32> to vector<16xf32>
      %get3A_90 = arith.index_cast %scan3A_58 : i32 to index
      %get3A_91 = arith.constant 32 : index
      %get3A_92 = tpu.vector_load %arg9[%get3A_90, %get3A_91] {strides = array<i32>} : memref<32x1024xf32, #tpu.memory_space<vmem>>, vector<1x16xf32>,
      %get3A_93 = vector.shape_cast %get3A_92 : vector<1x16xf32> to vector<16xf32>
      %add3A_94 = arith.addf %get3A_89, %get3A_93 : vector<16xf32>
      %swap3A_95 = arith.index_cast %scan3A_58 : i32 to index
      %swap3A_96 = arith.constant 32 : index
      %swap3A_97 = tpu.vector_load %arg10[%swap3A_95, %swap3A_96] {strides = array<i32>} : memref<32x1024xf32, #tpu.memory_space<vmem>>, vector<1x16xf32>,
      %swap3A_98 = vector.shape_cast %swap3A_97 : vector<1x16xf32> to vector<16xf32>
      %swap3A_99 = vector.shape_cast %add3A_94 : vector<16xf32> to vector<1x16xf32>
      tpu.vector_store %arg10[%swap3A_95, %swap3A_96], %swap3A_99 {strides = array<i32>} : memref<32x1024xf32, #tpu.memory_space<vmem>>, vector<1x16xf32>,
      %get3A_100 = arith.index_cast %scan3A_58 : i32 to index
      %get3A_101 = arith.constant 48 : index
      %get3A_102 = tpu.vector_load %arg8[%get3A_100, %get3A_101] {strides = array<i32>} : memref<32x1024xf32, #tpu.memory_space<vmem>>, vector<1x16xf32>,
      %get3A_103 = vector.shape_cast %get3A_102 : vector<1x16xf32> to vector<16xf32>
      %get3A_104 = arith.index_cast %scan3A_58 : i32 to index
      %get3A_105 = arith.constant 48 : index
      %get3A_106 = tpu.vector_load %arg9[%get3A_104, %get3A_105] {strides = array<i32>} : memref<32x1024xf32, #tpu.memory_space<vmem>>, vector<1x16xf32>,
      %get3A_107 = vector.shape_cast %get3A_106 : vector<1x16xf32> to vector<16xf32>
      %add3A_108 = arith.addf %get3A_103, %get3A_107 : vector<16xf32>
      %swap3A_109 = arith.index_cast %scan3A_58 : i32 to index
      %swap3A_110 = arith.constant 48 : index
      %swap3A_111 = tpu.vector_load %arg10[%swap3A_109, %swap3A_110] {strides = array<i32>} : memref<32x1024xf32, #tpu.memory_space<vmem>>, vector<1x16xf32>,
      %swap3A_112 = vector.shape_cast %swap3A_111 : vector<1x16xf32> to vector<16xf32>
      %swap3A_113 = vector.shape_cast %add3A_108 : vector<16xf32> to vector<1x16xf32>
      tpu.vector_store %arg10[%swap3A_109, %swap3A_110], %swap3A_113 {strides = array<i32>} : memref<32x1024xf32, #tpu.memory_space<vmem>>, vector<1x16xf32>,
      %get3A_114 = arith.index_cast %scan3A_58 : i32 to index
      %get3A_115 = arith.constant 64 : index
      %get3A_116 = tpu.vector_load %arg8[%get3A_114, %get3A_115] {strides = array<i32>} : memref<32x1024xf32, #tpu.memory_space<vmem>>, vector<1x16xf32>,
      %get3A_117 = vector.shape_cast %get3A_116 : vector<1x16xf32> to vector<16xf32>
      %get3A_118 = arith.index_cast %scan3A_58 : i32 to index
      %get3A_119 = arith.constant 64 : index
      %get3A_120 = tpu.vector_load %arg9[%get3A_118, %get3A_119] {strides = array<i32>} : memref<32x1024xf32, #tpu.memory_space<vmem>>, vector<1x16xf32>,
      %get3A_121 = vector.shape_cast %get3A_120 : vector<1x16xf32> to vector<16xf32>
      %add3A_122 = arith.addf %get3A_117, %get3A_121 : vector<16xf32>
      %swap3A_123 = arith.index_cast %scan3A_58 : i32 to index
      %swap3A_124 = arith.constant 64 : index
      %swap3A_125 = tpu.vector_load %arg10[%swap3A_123, %swap3A_124] {strides = array<i32>} : memref<32x1024xf32, #tpu.memory_space<vmem>>, vector<1x16xf32>,
      %swap3A_126 = vector.shape_cast %swap3A_125 : vector<1x16xf32> to vector<16xf32>
      %swap3A_127 = vector.shape_cast %add3A_122 : vector<16xf32> to vector<1x16xf32>
      tpu.vector_store %arg10[%swap3A_123, %swap3A_124], %swap3A_127 {strides = array<i32>} : memref<32x1024xf32, #tpu.memory_space<vmem>>, vector<1x16xf32>,
      %get3A_128 = arith.index_cast %scan3A_58 : i32 to index
      %get3A_129 = arith.constant 80 : index
      %get3A_130 = tpu.vector_load %arg8[%get3A_128, %get3A_129] {strides = array<i32>} : memref<32x1024xf32, #tpu.memory_space<vmem>>, vector<1x16xf32>,
      %get3A_131 = vector.shape_cast %get3A_130 : vector<1x16xf32> to vector<16xf32>
      %get3A_132 = arith.index_cast %scan3A_58 : i32 to index
      %get3A_133 = arith.constant 80 : index
      %get3A_134 = tpu.vector_load %arg9[%get3A_132, %get3A_133] {strides = array<i32>} : memref<32x1024xf32, #tpu.memory_space<vmem>>, vector<1x16xf32>,
      %get3A_135 = vector.shape_cast %get3A_134 : vector<1x16xf32> to vector<16xf32>
      %add3A_136 = arith.addf %get3A_131, %get3A_135 : vector<16xf32>
      %swap3A_137 = arith.index_cast %scan3A_58 : i32 to index
      %swap3A_138 = arith.constant 80 : index
      %swap3A_139 = tpu.vector_load %arg10[%swap3A_137, %swap3A_138] {strides = array<i32>} : memref<32x1024xf32, #tpu.memory_space<vmem>>, vector<1x16xf32>,
      %swap3A_140 = vector.shape_cast %swap3A_139 : vector<1x16xf32> to vector<16xf32>
      %swap3A_141 = vector.shape_cast %add3A_136 : vector<16xf32> to vector<1x16xf32>
      tpu.vector_store %arg10[%swap3A_137, %swap3A_138], %swap3A_141 {strides = array<i32>} : memref<32x1024xf32, #tpu.memory_space<vmem>>, vector<1x16xf32>,
      %get3A_142 = arith.index_cast %scan3A_58 : i32 to index
      %get3A_143 = arith.constant 96 : index
      %get3A_144 = tpu.vector_load %arg8[%get3A_142, %get3A_143] {strides = array<i32>} : memref<32x1024xf32, #tpu.memory_space<vmem>>, vector<1x16xf32>,
      %get3A_145 = vector.shape_cast %get3A_144 : vector<1x16xf32> to vector<16xf32>
      %get3A_146 = arith.index_cast %scan3A_58 : i32 to index
      %get3A_147 = arith.constant 96 : index
      %get3A_148 = tpu.vector_load %arg9[%get3A_146, %get3A_147] {strides = array<i32>} : memref<32x1024xf32, #tpu.memory_space<vmem>>, vector<1x16xf32>,
      %get3A_149 = vector.shape_cast %get3A_148 : vector<1x16xf32> to vector<16xf32>
      %add3A_150 = arith.addf %get3A_145, %get3A_149 : vector<16xf32>
      %swap3A_151 = arith.index_cast %scan3A_58 : i32 to index
      %swap3A_152 = arith.constant 96 : index
      %swap3A_153 = tpu.vector_load %arg10[%swap3A_151, %swap3A_152] {strides = array<i32>} : memref<32x1024xf32, #tpu.memory_space<vmem>>, vector<1x16xf32>,
      %swap3A_154 = vector.shape_cast %swap3A_153 : vector<1x16xf32> to vector<16xf32>
      %swap3A_155 = vector.shape_cast %add3A_150 : vector<16xf32> to vector<1x16xf32>
      tpu.vector_store %arg10[%swap3A_151, %swap3A_152], %swap3A_155 {strides = array<i32>} : memref<32x1024xf32, #tpu.memory_space<vmem>>, vector<1x16xf32>,
      %get3A_156 = arith.index_cast %scan3A_58 : i32 to index
      %get3A_157 = arith.constant 112 : index
      %get3A_158 = tpu.vector_load %arg8[%get3A_156, %get3A_157] {strides = array<i32>} : memref<32x1024xf32, #tpu.memory_space<vmem>>, vector<1x16xf32>,
      %get3A_159 = vector.shape_cast %get3A_158 : vector<1x16xf32> to vector<16xf32>
      %get3A_160 = arith.index_cast %scan3A_58 : i32 to index
      %get3A_161 = arith.constant 112 : index
      %get3A_162 = tpu.vector_load %arg9[%get3A_160, %get3A_161] {strides = array<i32>} : memref<32x1024xf32, #tpu.memory_space<vmem>>, vector<1x16xf32>,
      %get3A_163 = vector.shape_cast %get3A_162 : vector<1x16xf32> to vector<16xf32>
      %add3A_164 = arith.addf %get3A_159, %get3A_163 : vector<16xf32>
      %swap3A_165 = arith.index_cast %scan3A_58 : i32 to index
      %swap3A_166 = arith.constant 112 : index
      %swap3A_167 = tpu.vector_load %arg10[%swap3A_165, %swap3A_166] {strides = array<i32>} : memref<32x1024xf32, #tpu.memory_space<vmem>>, vector<1x16xf32>,
      %swap3A_168 = vector.shape_cast %swap3A_167 : vector<1x16xf32> to vector<16xf32>
      %swap3A_169 = vector.shape_cast %add3A_164 : vector<16xf32> to vector<1x16xf32>
      tpu.vector_store %arg10[%swap3A_165, %swap3A_166], %swap3A_169 {strides = array<i32>} : memref<32x1024xf32, #tpu.memory_space<vmem>>, vector<1x16xf32>,
      %get3A_170 = arith.index_cast %scan3A_58 : i32 to index
      %get3A_171 = arith.constant 128 : index
      %get3A_172 = tpu.vector_load %arg8[%get3A_170, %get3A_171] {strides = array<i32>} : memref<32x1024xf32, #tpu.memory_space<vmem>>, vector<1x16xf32>,
      %get3A_173 = vector.shape_cast %get3A_172 : vector<1x16xf32> to vector<16xf32>
      %get3A_174 = arith.index_cast %scan3A_58 : i32 to index
      %get3A_175 = arith.constant 128 : index
      %get3A_176 = tpu.vector_load %arg9[%get3A_174, %get3A_175] {strides = array<i32>} : memref<32x1024xf32, #tpu.memory_space<vmem>>, vector<1x16xf32>,
      %get3A_177 = vector.shape_cast %get3A_176 : vector<1x16xf32> to vector<16xf32>
      %add3A_178 = arith.addf %get3A_173, %get3A_177 : vector<16xf32>
      %swap3A_179 = arith.index_cast %scan3A_58 : i32 to index
      %swap3A_180 = arith.constant 128 : index
      %swap3A_181 = tpu.vector_load %arg10[%swap3A_179, %swap3A_180] {strides = array<i32>} : memref<32x1024xf32, #tpu.memory_space<vmem>>, vector<1x16xf32>,
      %swap3A_182 = vector.shape_cast %swap3A_181 : vector<1x16xf32> to vector<16xf32>
      %swap3A_183 = vector.shape_cast %add3A_178 : vector<16xf32> to vector<1x16xf32>
      tpu.vector_store %arg10[%swap3A_179, %swap3A_180], %swap3A_183 {strides = array<i32>} : memref<32x1024xf32, #tpu.memory_space<vmem>>, vector<1x16xf32>,
      %get3A_184 = arith.index_cast %scan3A_58 : i32 to index
      %get3A_185 = arith.constant 144 : index
      %get3A_186 = tpu.vector_load %arg8[%get3A_184, %get3A_185] {strides = array<i32>} : memref<32x1024xf32, #tpu.memory_space<vmem>>, vector<1x16xf32>,
      %get3A_187 = vector.shape_cast %get3A_186 : vector<1x16xf32> to vector<16xf32>
      %get3A_188 = arith.index_cast %scan3A_58 : i32 to index
      %get3A_189 = arith.constant 144 : index
      %get3A_190 = tpu.vector_load %arg9[%get3A_188, %get3A_189] {strides = array<i32>} : memref<32x1024xf32, #tpu.memory_space<vmem>>, vector<1x16xf32>,
      %get3A_191 = vector.shape_cast %get3A_190 : vector<1x16xf32> to vector<16xf32>
      %add3A_192 = arith.addf %get3A_187, %get3A_191 : vector<16xf32>
      %swap3A_193 = arith.index_cast %scan3A_58 : i32 to index
      %swap3A_194 = arith.constant 144 : index
      %swap3A_195 = tpu.vector_load %arg10[%swap3A_193, %swap3A_194] {strides = array<i32>} : memref<32x1024xf32, #tpu.memory_space<vmem>>, vector<1x16xf32>,
      %swap3A_196 = vector.shape_cast %swap3A_195 : vector<1x16xf32> to vector<16xf32>
      %swap3A_197 = vector.shape_cast %add3A_192 : vector<16xf32> to vector<1x16xf32>
      tpu.vector_store %arg10[%swap3A_193, %swap3A_194], %swap3A_197 {strides = array<i32>} : memref<32x1024xf32, #tpu.memory_space<vmem>>, vector<1x16xf32>,
      %get3A_198 = arith.index_cast %scan3A_58 : i32 to index
      %get3A_199 = arith.constant 160 : index
      %get3A_200 = tpu.vector_load %arg8[%get3A_198, %get3A_199] {strides = array<i32>} : memref<32x1024xf32, #tpu.memory_space<vmem>>, vector<1x16xf32>,
      %get3A_201 = vector.shape_cast %get3A_200 : vector<1x16xf32> to vector<16xf32>
      %get3A_202 = arith.index_cast %scan3A_58 : i32 to index
      %get3A_203 = arith.constant 160 : index
      %get3A_204 = tpu.vector_load %arg9[%get3A_202, %get3A_203] {strides = array<i32>} : memref<32x1024xf32, #tpu.memory_space<vmem>>, vector<1x16xf32>,
      %get3A_205 = vector.shape_cast %get3A_204 : vector<1x16xf32> to vector<16xf32>
      %add3A_206 = arith.addf %get3A_201, %get3A_205 : vector<16xf32>
      %swap3A_207 = arith.index_cast %scan3A_58 : i32 to index
      %swap3A_208 = arith.constant 160 : index
      %swap3A_209 = tpu.vector_load %arg10[%swap3A_207, %swap3A_208] {strides = array<i32>} : memref<32x1024xf32, #tpu.memory_space<vmem>>, vector<1x16xf32>,
      %swap3A_210 = vector.shape_cast %swap3A_209 : vector<1x16xf32> to vector<16xf32>
      %swap3A_211 = vector.shape_cast %add3A_206 : vector<16xf32> to vector<1x16xf32>
      tpu.vector_store %arg10[%swap3A_207, %swap3A_208], %swap3A_211 {strides = array<i32>} : memref<32x1024xf32, #tpu.memory_space<vmem>>, vector<1x16xf32>,
      %get3A_212 = arith.index_cast %scan3A_58 : i32 to index
      %get3A_213 = arith.constant 176 : index
      %get3A_214 = tpu.vector_load %arg8[%get3A_212, %get3A_213] {strides = array<i32>} : memref<32x1024xf32, #tpu.memory_space<vmem>>, vector<1x16xf32>,
      %get3A_215 = vector.shape_cast %get3A_214 : vector<1x16xf32> to vector<16xf32>
      %get3A_216 = arith.index_cast %scan3A_58 : i32 to index
      %get3A_217 = arith.constant 176 : index
      %get3A_218 = tpu.vector_load %arg9[%get3A_216, %get3A_217] {strides = array<i32>} : memref<32x1024xf32, #tpu.memory_space<vmem>>, vector<1x16xf32>,
      %get3A_219 = vector.shape_cast %get3A_218 : vector<1x16xf32> to vector<16xf32>
      %add3A_220 = arith.addf %get3A_215, %get3A_219 : vector<16xf32>
      %swap3A_221 = arith.index_cast %scan3A_58 : i32 to index
      %swap3A_222 = arith.constant 176 : index
      %swap3A_223 = tpu.vector_load %arg10[%swap3A_221, %swap3A_222] {strides = array<i32>} : memref<32x1024xf32, #tpu.memory_space<vmem>>, vector<1x16xf32>,
      %swap3A_224 = vector.shape_cast %swap3A_223 : vector<1x16xf32> to vector<16xf32>
      %swap3A_225 = vector.shape_cast %add3A_220 : vector<16xf32> to vector<1x16xf32>
      tpu.vector_store %arg10[%swap3A_221, %swap3A_222], %swap3A_225 {strides = array<i32>} : memref<32x1024xf32, #tpu.memory_space<vmem>>, vector<1x16xf32>,
      %get3A_226 = arith.index_cast %scan3A_58 : i32 to index
      %get3A_227 = arith.constant 192 : index
      %get3A_228 = tpu.vector_load %arg8[%get3A_226, %get3A_227] {strides = array<i32>} : memref<32x1024xf32, #tpu.memory_space<vmem>>, vector<1x16xf32>,
      %get3A_229 = vector.shape_cast %get3A_228 : vector<1x16xf32> to vector<16xf32>
      %get3A_230 = arith.index_cast %scan3A_58 : i32 to index
      %get3A_231 = arith.constant 192 : index
      %get3A_232 = tpu.vector_load %arg9[%get3A_230, %get3A_231] {strides = array<i32>} : memref<32x1024xf32, #tpu.memory_space<vmem>>, vector<1x16xf32>,
      %get3A_233 = vector.shape_cast %get3A_232 : vector<1x16xf32> to vector<16xf32>
      %add3A_234 = arith.addf %get3A_229, %get3A_233 : vector<16xf32>
      %swap3A_235 = arith.index_cast %scan3A_58 : i32 to index
      %swap3A_236 = arith.constant 192 : index
      %swap3A_237 = tpu.vector_load %arg10[%swap3A_235, %swap3A_236] {strides = array<i32>} : memref<32x1024xf32, #tpu.memory_space<vmem>>, vector<1x16xf32>,
      %swap3A_238 = vector.shape_cast %swap3A_237 : vector<1x16xf32> to vector<16xf32>
      %swap3A_239 = vector.shape_cast %add3A_234 : vector<16xf32> to vector<1x16xf32>
      tpu.vector_store %arg10[%swap3A_235, %swap3A_236], %swap3A_239 {strides = array<i32>} : memref<32x1024xf32, #tpu.memory_space<vmem>>, vector<1x16xf32>,
      %get3A_240 = arith.index_cast %scan3A_58 : i32 to index
      %get3A_241 = arith.constant 208 : index
      %get3A_242 = tpu.vector_load %arg8[%get3A_240, %get3A_241] {strides = array<i32>} : memref<32x1024xf32, #tpu.memory_space<vmem>>, vector<1x16xf32>,
      %get3A_243 = vector.shape_cast %get3A_242 : vector<1x16xf32> to vector<16xf32>
      %get3A_244 = arith.index_cast %scan3A_58 : i32 to index
      %get3A_245 = arith.constant 208 : index
      %get3A_246 = tpu.vector_load %arg9[%get3A_244, %get3A_245] {strides = array<i32>} : memref<32x1024xf32, #tpu.memory_space<vmem>>, vector<1x16xf32>,
      %get3A_247 = vector.shape_cast %get3A_246 : vector<1x16xf32> to vector<16xf32>
      %add3A_248 = arith.addf %get3A_243, %get3A_247 : vector<16xf32>
      %swap3A_249 = arith.index_cast %scan3A_58 : i32 to index
      %swap3A_250 = arith.constant 208 : index
      %swap3A_251 = tpu.vector_load %arg10[%swap3A_249, %swap3A_250] {strides = array<i32>} : memref<32x1024xf32, #tpu.memory_space<vmem>>, vector<1x16xf32>,
      %swap3A_252 = vector.shape_cast %swap3A_251 : vector<1x16xf32> to vector<16xf32>
      %swap3A_253 = vector.shape_cast %add3A_248 : vector<16xf32> to vector<1x16xf32>
      tpu.vector_store %arg10[%swap3A_249, %swap3A_250], %swap3A_253 {strides = array<i32>} : memref<32x1024xf32, #tpu.memory_space<vmem>>, vector<1x16xf32>,
      %get3A_254 = arith.index_cast %scan3A_58 : i32 to index
      %get3A_255 = arith.constant 224 : index
      %get3A_256 = tpu.vector_load %arg8[%get3A_254, %get3A_255] {strides = array<i32>} : memref<32x1024xf32, #tpu.memory_space<vmem>>, vector<1x16xf32>,
      %get3A_257 = vector.shape_cast %get3A_256 : vector<1x16xf32> to vector<16xf32>
      %get3A_258 = arith.index_cast %scan3A_58 : i32 to index
      %get3A_259 = arith.constant 224 : index
      %get3A_260 = tpu.vector_load %arg9[%get3A_258, %get3A_259] {strides = array<i32>} : memref<32x1024xf32, #tpu.memory_space<vmem>>, vector<1x16xf32>,
      %get3A_261 = vector.shape_cast %get3A_260 : vector<1x16xf32> to vector<16xf32>
      %add3A_262 = arith.addf %get3A_257, %get3A_261 : vector<16xf32>
      %swap3A_263 = arith.index_cast %scan3A_58 : i32 to index
      %swap3A_264 = arith.constant 224 : index
      %swap3A_265 = tpu.vector_load %arg10[%swap3A_263, %swap3A_264] {strides = array<i32>} : memref<32x1024xf32, #tpu.memory_space<vmem>>, vector<1x16xf32>,
      %swap3A_266 = vector.shape_cast %swap3A_265 : vector<1x16xf32> to vector<16xf32>
      %swap3A_267 = vector.shape_cast %add3A_262 : vector<16xf32> to vector<1x16xf32>
      tpu.vector_store %arg10[%swap3A_263, %swap3A_264], %swap3A_267 {strides = array<i32>} : memref<32x1024xf32, #tpu.memory_space<vmem>>, vector<1x16xf32>,
      %get3A_268 = arith.index_cast %scan3A_58 : i32 to index
      %get3A_269 = arith.constant 240 : index
      %get3A_270 = tpu.vector_load %arg8[%get3A_268, %get3A_269] {strides = array<i32>} : memref<32x1024xf32, #tpu.memory_space<vmem>>, vector<1x16xf32>,
      %get3A_271 = vector.shape_cast %get3A_270 : vector<1x16xf32> to vector<16xf32>
      %get3A_272 = arith.index_cast %scan3A_58 : i32 to index
      %get3A_273 = arith.constant 240 : index
      %get3A_274 = tpu.vector_load %arg9[%get3A_272, %get3A_273] {strides = array<i32>} : memref<32x1024xf32, #tpu.memory_space<vmem>>, vector<1x16xf32>,
      %get3A_275 = vector.shape_cast %get3A_274 : vector<1x16xf32> to vector<16xf32>
      %add3A_276 = arith.addf %get3A_271, %get3A_275 : vector<16xf32>
      %swap3A_277 = arith.index_cast %scan3A_58 : i32 to index
      %swap3A_278 = arith.constant 240 : index
      %swap3A_279 = tpu.vector_load %arg10[%swap3A_277, %swap3A_278] {strides = array<i32>} : memref<32x1024xf32, #tpu.memory_space<vmem>>, vector<1x16xf32>,
      %swap3A_280 = vector.shape_cast %swap3A_279 : vector<1x16xf32> to vector<16xf32>
      %swap3A_281 = vector.shape_cast %add3A_276 : vector<16xf32> to vector<1x16xf32>
      tpu.vector_store %arg10[%swap3A_277, %swap3A_278], %swap3A_281 {strides = array<i32>} : memref<32x1024xf32, #tpu.memory_space<vmem>>, vector<1x16xf32>,
      %get3A_282 = arith.index_cast %scan3A_58 : i32 to index
      %get3A_283 = arith.constant 256 : index
      %get3A_284 = tpu.vector_load %arg8[%get3A_282, %get3A_283] {strides = array<i32>} : memref<32x1024xf32, #tpu.memory_space<vmem>>, vector<1x16xf32>,
      %get3A_285 = vector.shape_cast %get3A_284 : vector<1x16xf32> to vector<16xf32>
      %get3A_286 = arith.index_cast %scan3A_58 : i32 to index
      %get3A_287 = arith.constant 256 : index
      %get3A_288 = tpu.vector_load %arg9[%get3A_286, %get3A_287] {strides = array<i32>} : memref<32x1024xf32, #tpu.memory_space<vmem>>, vector<1x16xf32>,
      %get3A_289 = vector.shape_cast %get3A_288 : vector<1x16xf32> to vector<16xf32>
      %add3A_290 = arith.addf %get3A_285, %get3A_289 : vector<16xf32>
      %swap3A_291 = arith.index_cast %scan3A_58 : i32 to index
      %swap3A_292 = arith.constant 256 : index
      %swap3A_293 = tpu.vector_load %arg10[%swap3A_291, %swap3A_292] {strides = array<i32>} : memref<32x1024xf32, #tpu.memory_space<vmem>>, vector<1x16xf32>,
      %swap3A_294 = vector.shape_cast %swap3A_293 : vector<1x16xf32> to vector<16xf32>
      %swap3A_295 = vector.shape_cast %add3A_290 : vector<16xf32> to vector<1x16xf32>
      tpu.vector_store %arg10[%swap3A_291, %swap3A_292], %swap3A_295 {strides = array<i32>} : memref<32x1024xf32, #tpu.memory_space<vmem>>, vector<1x16xf32>,
      %get3A_296 = arith.index_cast %scan3A_58 : i32 to index
      %get3A_297 = arith.constant 272 : index
      %get3A_298 = tpu.vector_load %arg8[%get3A_296, %get3A_297] {strides = array<i32>} : memref<32x1024xf32, #tpu.memory_space<vmem>>, vector<1x16xf32>,
      %get3A_299 = vector.shape_cast %get3A_298 : vector<1x16xf32> to vector<16xf32>
      %get3A_300 = arith.index_cast %scan3A_58 : i32 to index
      %get3A_301 = arith.constant 272 : index
      %get3A_302 = tpu.vector_load %arg9[%get3A_300, %get3A_301] {strides = array<i32>} : memref<32x1024xf32, #tpu.memory_space<vmem>>, vector<1x16xf32>,
      %get3A_303 = vector.shape_cast %get3A_302 : vector<1x16xf32> to vector<16xf32>
      %add3A_304 = arith.addf %get3A_299, %get3A_303 : vector<16xf32>
      %swap3A_305 = arith.index_cast %scan3A_58 : i32 to index
      %swap3A_306 = arith.constant 272 : index
      %swap3A_307 = tpu.vector_load %arg10[%swap3A_305, %swap3A_306] {strides = array<i32>} : memref<32x1024xf32, #tpu.memory_space<vmem>>, vector<1x16xf32>,
      %swap3A_308 = vector.shape_cast %swap3A_307 : vector<1x16xf32> to vector<16xf32>
      %swap3A_309 = vector.shape_cast %add3A_304 : vector<16xf32> to vector<1x16xf32>
      tpu.vector_store %arg10[%swap3A_305, %swap3A_306], %swap3A_309 {strides = array<i32>} : memref<32x1024xf32, #tpu.memory_space<vmem>>, vector<1x16xf32>,
      %get3A_310 = arith.index_cast %scan3A_58 : i32 to index
      %get3A_311 = arith.constant 288 : index
      %get3A_312 = tpu.vector_load %arg8[%get3A_310, %get3A_311] {strides = array<i32>} : memref<32x1024xf32, #tpu.memory_space<vmem>>, vector<1x16xf32>,
      %get3A_313 = vector.shape_cast %get3A_312 : vector<1x16xf32> to vector<16xf32>
      %get3A_314 = arith.index_cast %scan3A_58 : i32 to index
      %get3A_315 = arith.constant 288 : index
      %get3A_316 = tpu.vector_load %arg9[%get3A_314, %get3A_315] {strides = array<i32>} : memref<32x1024xf32, #tpu.memory_space<vmem>>, vector<1x16xf32>,
      %get3A_317 = vector.shape_cast %get3A_316 : vector<1x16xf32> to vector<16xf32>
      %add3A_318 = arith.addf %get3A_313, %get3A_317 : vector<16xf32>
      %swap3A_319 = arith.index_cast %scan3A_58 : i32 to index
      %swap3A_320 = arith.constant 288 : index
      %swap3A_321 = tpu.vector_load %arg10[%swap3A_319, %swap3A_320] {strides = array<i32>} : memref<32x1024xf32, #tpu.memory_space<vmem>>, vector<1x16xf32>,
      %swap3A_322 = vector.shape_cast %swap3A_321 : vector<1x16xf32> to vector<16xf32>
      %swap3A_323 = vector.shape_cast %add3A_318 : vector<16xf32> to vector<1x16xf32>
      tpu.vector_store %arg10[%swap3A_319, %swap3A_320], %swap3A_323 {strides = array<i32>} : memref<32x1024xf32, #tpu.memory_space<vmem>>, vector<1x16xf32>,
      %get3A_324 = arith.index_cast %scan3A_58 : i32 to index
      %get3A_325 = arith.constant 304 : index
      %get3A_326 = tpu.vector_load %arg8[%get3A_324, %get3A_325] {strides = array<i32>} : memref<32x1024xf32, #tpu.memory_space<vmem>>, vector<1x16xf32>,
      %get3A_327 = vector.shape_cast %get3A_326 : vector<1x16xf32> to vector<16xf32>
      %get3A_328 = arith.index_cast %scan3A_58 : i32 to index
      %get3A_329 = arith.constant 304 : index
      %get3A_330 = tpu.vector_load %arg9[%get3A_328, %get3A_329] {strides = array<i32>} : memref<32x1024xf32, #tpu.memory_space<vmem>>, vector<1x16xf32>,
      %get3A_331 = vector.shape_cast %get3A_330 : vector<1x16xf32> to vector<16xf32>
      %add3A_332 = arith.addf %get3A_327, %get3A_331 : vector<16xf32>
      %swap3A_333 = arith.index_cast %scan3A_58 : i32 to index
      %swap3A_334 = arith.constant 304 : index
      %swap3A_335 = tpu.vector_load %arg10[%swap3A_333, %swap3A_334] {strides = array<i32>} : memref<32x1024xf32, #tpu.memory_space<vmem>>, vector<1x16xf32>,
      %swap3A_336 = vector.shape_cast %swap3A_335 : vector<1x16xf32> to vector<16xf32>
      %swap3A_337 = vector.shape_cast %add3A_332 : vector<16xf32> to vector<1x16xf32>
      tpu.vector_store %arg10[%swap3A_333, %swap3A_334], %swap3A_337 {strides = array<i32>} : memref<32x1024xf32, #tpu.memory_space<vmem>>, vector<1x16xf32>,
      %get3A_338 = arith.index_cast %scan3A_58 : i32 to index
      %get3A_339 = arith.constant 320 : index
      %get3A_340 = tpu.vector_load %arg8[%get3A_338, %get3A_339] {strides = array<i32>} : memref<32x1024xf32, #tpu.memory_space<vmem>>, vector<1x16xf32>,
      %get3A_341 = vector.shape_cast %get3A_340 : vector<1x16xf32> to vector<16xf32>
      %get3A_342 = arith.index_cast %scan3A_58 : i32 to index
      %get3A_343 = arith.constant 320 : index
      %get3A_344 = tpu.vector_load %arg9[%get3A_342, %get3A_343] {strides = array<i32>} : memref<32x1024xf32, #tpu.memory_space<vmem>>, vector<1x16xf32>,
      %get3A_345 = vector.shape_cast %get3A_344 : vector<1x16xf32> to vector<16xf32>
      %add3A_346 = arith.addf %get3A_341, %get3A_345 : vector<16xf32>
      %swap3A_347 = arith.index_cast %scan3A_58 : i32 to index
      %swap3A_348 = arith.constant 320 : index
      %swap3A_349 = tpu.vector_load %arg10[%swap3A_347, %swap3A_348] {strides = array<i32>} : memref<32x1024xf32, #tpu.memory_space<vmem>>, vector<1x16xf32>,
      %swap3A_350 = vector.shape_cast %swap3A_349 : vector<1x16xf32> to vector<16xf32>
      %swap3A_351 = vector.shape_cast %add3A_346 : vector<16xf32> to vector<1x16xf32>
      tpu.vector_store %arg10[%swap3A_347, %swap3A_348], %swap3A_351 {strides = array<i32>} : memref<32x1024xf32, #tpu.memory_space<vmem>>, vector<1x16xf32>,
      %get3A_352 = arith.index_cast %scan3A_58 : i32 to index
      %get3A_353 = arith.constant 336 : index
      %get3A_354 = tpu.vector_load %arg8[%get3A_352, %get3A_353] {strides = array<i32>} : memref<32x1024xf32, #tpu.memory_space<vmem>>, vector<1x16xf32>,
      %get3A_355 = vector.shape_cast %get3A_354 : vector<1x16xf32> to vector<16xf32>
      %get3A_356 = arith.index_cast %scan3A_58 : i32 to index
      %get3A_357 = arith.constant 336 : index
      %get3A_358 = tpu.vector_load %arg9[%get3A_356, %get3A_357] {strides = array<i32>} : memref<32x1024xf32, #tpu.memory_space<vmem>>, vector<1x16xf32>,
      %get3A_359 = vector.shape_cast %get3A_358 : vector<1x16xf32> to vector<16xf32>
      %add3A_360 = arith.addf %get3A_355, %get3A_359 : vector<16xf32>
      %swap3A_361 = arith.index_cast %scan3A_58 : i32 to index
      %swap3A_362 = arith.constant 336 : index
      %swap3A_363 = tpu.vector_load %arg10[%swap3A_361, %swap3A_362] {strides = array<i32>} : memref<32x1024xf32, #tpu.memory_space<vmem>>, vector<1x16xf32>,
      %swap3A_364 = vector.shape_cast %swap3A_363 : vector<1x16xf32> to vector<16xf32>
      %swap3A_365 = vector.shape_cast %add3A_360 : vector<16xf32> to vector<1x16xf32>
      tpu.vector_store %arg10[%swap3A_361, %swap3A_362], %swap3A_365 {strides = array<i32>} : memref<32x1024xf32, #tpu.memory_space<vmem>>, vector<1x16xf32>,
      %get3A_366 = arith.index_cast %scan3A_58 : i32 to index
      %get3A_367 = arith.constant 352 : index
      %get3A_368 = tpu.vector_load %arg8[%get3A_366, %get3A_367] {strides = array<i32>} : memref<32x1024xf32, #tpu.memory_space<vmem>>, vector<1x16xf32>,
      %get3A_369 = vector.shape_cast %get3A_368 : vector<1x16xf32> to vector<16xf32>
      %get3A_370 = arith.index_cast %scan3A_58 : i32 to index
      %get3A_371 = arith.constant 352 : index
      %get3A_372 = tpu.vector_load %arg9[%get3A_370, %get3A_371] {strides = array<i32>} : memref<32x1024xf32, #tpu.memory_space<vmem>>, vector<1x16xf32>,
      %get3A_373 = vector.shape_cast %get3A_372 : vector<1x16xf32> to vector<16xf32>
      %add3A_374 = arith.addf %get3A_369, %get3A_373 : vector<16xf32>
      %swap3A_375 = arith.index_cast %scan3A_58 : i32 to index
      %swap3A_376 = arith.constant 352 : index
      %swap3A_377 = tpu.vector_load %arg10[%swap3A_375, %swap3A_376] {strides = array<i32>} : memref<32x1024xf32, #tpu.memory_space<vmem>>, vector<1x16xf32>,
      %swap3A_378 = vector.shape_cast %swap3A_377 : vector<1x16xf32> to vector<16xf32>
      %swap3A_379 = vector.shape_cast %add3A_374 : vector<16xf32> to vector<1x16xf32>
      tpu.vector_store %arg10[%swap3A_375, %swap3A_376], %swap3A_379 {strides = array<i32>} : memref<32x1024xf32, #tpu.memory_space<vmem>>, vector<1x16xf32>,
      %get3A_380 = arith.index_cast %scan3A_58 : i32 to index
      %get3A_381 = arith.constant 368 : index
      %get3A_382 = tpu.vector_load %arg8[%get3A_380, %get3A_381] {strides = array<i32>} : memref<32x1024xf32, #tpu.memory_space<vmem>>, vector<1x16xf32>,
      %get3A_383 = vector.shape_cast %get3A_382 : vector<1x16xf32> to vector<16xf32>
      %get3A_384 = arith.index_cast %scan3A_58 : i32 to index
      %get3A_385 = arith.constant 368 : index
      %get3A_386 = tpu.vector_load %arg9[%get3A_384, %get3A_385] {strides = array<i32>} : memref<32x1024xf32, #tpu.memory_space<vmem>>, vector<1x16xf32>,
      %get3A_387 = vector.shape_cast %get3A_386 : vector<1x16xf32> to vector<16xf32>
      %add3A_388 = arith.addf %get3A_383, %get3A_387 : vector<16xf32>
      %swap3A_389 = arith.index_cast %scan3A_58 : i32 to index
      %swap3A_390 = arith.constant 368 : index
      %swap3A_391 = tpu.vector_load %arg10[%swap3A_389, %swap3A_390] {strides = array<i32>} : memref<32x1024xf32, #tpu.memory_space<vmem>>, vector<1x16xf32>,
      %swap3A_392 = vector.shape_cast %swap3A_391 : vector<1x16xf32> to vector<16xf32>
      %swap3A_393 = vector.shape_cast %add3A_388 : vector<16xf32> to vector<1x16xf32>
      tpu.vector_store %arg10[%swap3A_389, %swap3A_390], %swap3A_393 {strides = array<i32>} : memref<32x1024xf32, #tpu.memory_space<vmem>>, vector<1x16xf32>,
      %get3A_394 = arith.index_cast %scan3A_58 : i32 to index
      %get3A_395 = arith.constant 384 : index
      %get3A_396 = tpu.vector_load %arg8[%get3A_394, %get3A_395] {strides = array<i32>} : memref<32x1024xf32, #tpu.memory_space<vmem>>, vector<1x16xf32>,
      %get3A_397 = vector.shape_cast %get3A_396 : vector<1x16xf32> to vector<16xf32>
      %get3A_398 = arith.index_cast %scan3A_58 : i32 to index
      %get3A_399 = arith.constant 384 : index
      %get3A_400 = tpu.vector_load %arg9[%get3A_398, %get3A_399] {strides = array<i32>} : memref<32x1024xf32, #tpu.memory_space<vmem>>, vector<1x16xf32>,
      %get3A_401 = vector.shape_cast %get3A_400 : vector<1x16xf32> to vector<16xf32>
      %add3A_402 = arith.addf %get3A_397, %get3A_401 : vector<16xf32>
      %swap3A_403 = arith.index_cast %scan3A_58 : i32 to index
      %swap3A_404 = arith.constant 384 : index
      %swap3A_405 = tpu.vector_load %arg10[%swap3A_403, %swap3A_404] {strides = array<i32>} : memref<32x1024xf32, #tpu.memory_space<vmem>>, vector<1x16xf32>,
      %swap3A_406 = vector.shape_cast %swap3A_405 : vector<1x16xf32> to vector<16xf32>
      %swap3A_407 = vector.shape_cast %add3A_402 : vector<16xf32> to vector<1x16xf32>
      tpu.vector_store %arg10[%swap3A_403, %swap3A_404], %swap3A_407 {strides = array<i32>} : memref<32x1024xf32, #tpu.memory_space<vmem>>, vector<1x16xf32>,
      %get3A_408 = arith.index_cast %scan3A_58 : i32 to index
      %get3A_409 = arith.constant 400 : index
      %get3A_410 = tpu.vector_load %arg8[%get3A_408, %get3A_409] {strides = array<i32>} : memref<32x1024xf32, #tpu.memory_space<vmem>>, vector<1x16xf32>,
      %get3A_411 = vector.shape_cast %get3A_410 : vector<1x16xf32> to vector<16xf32>
      %get3A_412 = arith.index_cast %scan3A_58 : i32 to index
      %get3A_413 = arith.constant 400 : index
      %get3A_414 = tpu.vector_load %arg9[%get3A_412, %get3A_413] {strides = array<i32>} : memref<32x1024xf32, #tpu.memory_space<vmem>>, vector<1x16xf32>,
      %get3A_415 = vector.shape_cast %get3A_414 : vector<1x16xf32> to vector<16xf32>
      %add3A_416 = arith.addf %get3A_411, %get3A_415 : vector<16xf32>
      %swap3A_417 = arith.index_cast %scan3A_58 : i32 to index
      %swap3A_418 = arith.constant 400 : index
      %swap3A_419 = tpu.vector_load %arg10[%swap3A_417, %swap3A_418] {strides = array<i32>} : memref<32x1024xf32, #tpu.memory_space<vmem>>, vector<1x16xf32>,
      %swap3A_420 = vector.shape_cast %swap3A_419 : vector<1x16xf32> to vector<16xf32>
      %swap3A_421 = vector.shape_cast %add3A_416 : vector<16xf32> to vector<1x16xf32>
      tpu.vector_store %arg10[%swap3A_417, %swap3A_418], %swap3A_421 {strides = array<i32>} : memref<32x1024xf32, #tpu.memory_space<vmem>>, vector<1x16xf32>,
      %get3A_422 = arith.index_cast %scan3A_58 : i32 to index
      %get3A_423 = arith.constant 416 : index
      %get3A_424 = tpu.vector_load %arg8[%get3A_422, %get3A_423] {strides = array<i32>} : memref<32x1024xf32, #tpu.memory_space<vmem>>, vector<1x16xf32>,
      %get3A_425 = vector.shape_cast %get3A_424 : vector<1x16xf32> to vector<16xf32>
      %get3A_426 = arith.index_cast %scan3A_58 : i32 to index
      %get3A_427 = arith.constant 416 : index
      %get3A_428 = tpu.vector_load %arg9[%get3A_426, %get3A_427] {strides = array<i32>} : memref<32x1024xf32, #tpu.memory_space<vmem>>, vector<1x16xf32>,
      %get3A_429 = vector.shape_cast %get3A_428 : vector<1x16xf32> to vector<16xf32>
      %add3A_430 = arith.addf %get3A_425, %get3A_429 : vector<16xf32>
      %swap3A_431 = arith.index_cast %scan3A_58 : i32 to index
      %swap3A_432 = arith.constant 416 : index
      %swap3A_433 = tpu.vector_load %arg10[%swap3A_431, %swap3A_432] {strides = array<i32>} : memref<32x1024xf32, #tpu.memory_space<vmem>>, vector<1x16xf32>,
      %swap3A_434 = vector.shape_cast %swap3A_433 : vector<1x16xf32> to vector<16xf32>
      %swap3A_435 = vector.shape_cast %add3A_430 : vector<16xf32> to vector<1x16xf32>
      tpu.vector_store %arg10[%swap3A_431, %swap3A_432], %swap3A_435 {strides = array<i32>} : memref<32x1024xf32, #tpu.memory_space<vmem>>, vector<1x16xf32>,
      %get3A_436 = arith.index_cast %scan3A_58 : i32 to index
      %get3A_437 = arith.constant 432 : index
      %get3A_438 = tpu.vector_load %arg8[%get3A_436, %get3A_437] {strides = array<i32>} : memref<32x1024xf32, #tpu.memory_space<vmem>>, vector<1x16xf32>,
      %get3A_439 = vector.shape_cast %get3A_438 : vector<1x16xf32> to vector<16xf32>
      %get3A_440 = arith.index_cast %scan3A_58 : i32 to index
      %get3A_441 = arith.constant 432 : index
      %get3A_442 = tpu.vector_load %arg9[%get3A_440, %get3A_441] {strides = array<i32>} : memref<32x1024xf32, #tpu.memory_space<vmem>>, vector<1x16xf32>,
      %get3A_443 = vector.shape_cast %get3A_442 : vector<1x16xf32> to vector<16xf32>
      %add3A_444 = arith.addf %get3A_439, %get3A_443 : vector<16xf32>
      %swap3A_445 = arith.index_cast %scan3A_58 : i32 to index
      %swap3A_446 = arith.constant 432 : index
      %swap3A_447 = tpu.vector_load %arg10[%swap3A_445, %swap3A_446] {strides = array<i32>} : memref<32x1024xf32, #tpu.memory_space<vmem>>, vector<1x16xf32>,
      %swap3A_448 = vector.shape_cast %swap3A_447 : vector<1x16xf32> to vector<16xf32>
      %swap3A_449 = vector.shape_cast %add3A_444 : vector<16xf32> to vector<1x16xf32>
      tpu.vector_store %arg10[%swap3A_445, %swap3A_446], %swap3A_449 {strides = array<i32>} : memref<32x1024xf32, #tpu.memory_space<vmem>>, vector<1x16xf32>,
      %get3A_450 = arith.index_cast %scan3A_58 : i32 to index
      %get3A_451 = arith.constant 448 : index
      %get3A_452 = tpu.vector_load %arg8[%get3A_450, %get3A_451] {strides = array<i32>} : memref<32x1024xf32, #tpu.memory_space<vmem>>, vector<1x16xf32>,
      %get3A_453 = vector.shape_cast %get3A_452 : vector<1x16xf32> to vector<16xf32>
      %get3A_454 = arith.index_cast %scan3A_58 : i32 to index
      %get3A_455 = arith.constant 448 : index
      %get3A_456 = tpu.vector_load %arg9[%get3A_454, %get3A_455] {strides = array<i32>} : memref<32x1024xf32, #tpu.memory_space<vmem>>, vector<1x16xf32>,
      %get3A_457 = vector.shape_cast %get3A_456 : vector<1x16xf32> to vector<16xf32>
      %add3A_458 = arith.addf %get3A_453, %get3A_457 : vector<16xf32>
      %swap3A_459 = arith.index_cast %scan3A_58 : i32 to index
      %swap3A_460 = arith.constant 448 : index
      %swap3A_461 = tpu.vector_load %arg10[%swap3A_459, %swap3A_460] {strides = array<i32>} : memref<32x1024xf32, #tpu.memory_space<vmem>>, vector<1x16xf32>,
      %swap3A_462 = vector.shape_cast %swap3A_461 : vector<1x16xf32> to vector<16xf32>
      %swap3A_463 = vector.shape_cast %add3A_458 : vector<16xf32> to vector<1x16xf32>
      tpu.vector_store %arg10[%swap3A_459, %swap3A_460], %swap3A_463 {strides = array<i32>} : memref<32x1024xf32, #tpu.memory_space<vmem>>, vector<1x16xf32>,
      %get3A_464 = arith.index_cast %scan3A_58 : i32 to index
      %get3A_465 = arith.constant 464 : index
      %get3A_466 = tpu.vector_load %arg8[%get3A_464, %get3A_465] {strides = array<i32>} : memref<32x1024xf32, #tpu.memory_space<vmem>>, vector<1x16xf32>,
      %get3A_467 = vector.shape_cast %get3A_466 : vector<1x16xf32> to vector<16xf32>
      %get3A_468 = arith.index_cast %scan3A_58 : i32 to index
      %get3A_469 = arith.constant 464 : index
      %get3A_470 = tpu.vector_load %arg9[%get3A_468, %get3A_469] {strides = array<i32>} : memref<32x1024xf32, #tpu.memory_space<vmem>>, vector<1x16xf32>,
      %get3A_471 = vector.shape_cast %get3A_470 : vector<1x16xf32> to vector<16xf32>
      %add3A_472 = arith.addf %get3A_467, %get3A_471 : vector<16xf32>
      %swap3A_473 = arith.index_cast %scan3A_58 : i32 to index
      %swap3A_474 = arith.constant 464 : index
      %swap3A_475 = tpu.vector_load %arg10[%swap3A_473, %swap3A_474] {strides = array<i32>} : memref<32x1024xf32, #tpu.memory_space<vmem>>, vector<1x16xf32>,
      %swap3A_476 = vector.shape_cast %swap3A_475 : vector<1x16xf32> to vector<16xf32>
      %swap3A_477 = vector.shape_cast %add3A_472 : vector<16xf32> to vector<1x16xf32>
      tpu.vector_store %arg10[%swap3A_473, %swap3A_474], %swap3A_477 {strides = array<i32>} : memref<32x1024xf32, #tpu.memory_space<vmem>>, vector<1x16xf32>,
      %get3A_478 = arith.index_cast %scan3A_58 : i32 to index
      %get3A_479 = arith.constant 480 : index
      %get3A_480 = tpu.vector_load %arg8[%get3A_478, %get3A_479] {strides = array<i32>} : memref<32x1024xf32, #tpu.memory_space<vmem>>, vector<1x16xf32>,
      %get3A_481 = vector.shape_cast %get3A_480 : vector<1x16xf32> to vector<16xf32>
      %get3A_482 = arith.index_cast %scan3A_58 : i32 to index
      %get3A_483 = arith.constant 480 : index
      %get3A_484 = tpu.vector_load %arg9[%get3A_482, %get3A_483] {strides = array<i32>} : memref<32x1024xf32, #tpu.memory_space<vmem>>, vector<1x16xf32>,
      %get3A_485 = vector.shape_cast %get3A_484 : vector<1x16xf32> to vector<16xf32>
      %add3A_486 = arith.addf %get3A_481, %get3A_485 : vector<16xf32>
      %swap3A_487 = arith.index_cast %scan3A_58 : i32 to index
      %swap3A_488 = arith.constant 480 : index
      %swap3A_489 = tpu.vector_load %arg10[%swap3A_487, %swap3A_488] {strides = array<i32>} : memref<32x1024xf32, #tpu.memory_space<vmem>>, vector<1x16xf32>,
      %swap3A_490 = vector.shape_cast %swap3A_489 : vector<1x16xf32> to vector<16xf32>
      %swap3A_491 = vector.shape_cast %add3A_486 : vector<16xf32> to vector<1x16xf32>
      tpu.vector_store %arg10[%swap3A_487, %swap3A_488], %swap3A_491 {strides = array<i32>} : memref<32x1024xf32, #tpu.memory_space<vmem>>, vector<1x16xf32>,
      %get3A_492 = arith.index_cast %scan3A_58 : i32 to index
      %get3A_493 = arith.constant 496 : index
      %get3A_494 = tpu.vector_load %arg8[%get3A_492, %get3A_493] {strides = array<i32>} : memref<32x1024xf32, #tpu.memory_space<vmem>>, vector<1x16xf32>,
      %get3A_495 = vector.shape_cast %get3A_494 : vector<1x16xf32> to vector<16xf32>
      %get3A_496 = arith.index_cast %scan3A_58 : i32 to index
      %get3A_497 = arith.constant 496 : index
      %get3A_498 = tpu.vector_load %arg9[%get3A_496, %get3A_497] {strides = array<i32>} : memref<32x1024xf32, #tpu.memory_space<vmem>>, vector<1x16xf32>,
      %get3A_499 = vector.shape_cast %get3A_498 : vector<1x16xf32> to vector<16xf32>
      %add3A_500 = arith.addf %get3A_495, %get3A_499 : vector<16xf32>
      %swap3A_501 = arith.index_cast %scan3A_58 : i32 to index
      %swap3A_502 = arith.constant 496 : index
      %swap3A_503 = tpu.vector_load %arg10[%swap3A_501, %swap3A_502] {strides = array<i32>} : memref<32x1024xf32, #tpu.memory_space<vmem>>, vector<1x16xf32>,
      %swap3A_504 = vector.shape_cast %swap3A_503 : vector<1x16xf32> to vector<16xf32>
      %swap3A_505 = vector.shape_cast %add3A_500 : vector<16xf32> to vector<1x16xf32>
      tpu.vector_store %arg10[%swap3A_501, %swap3A_502], %swap3A_505 {strides = array<i32>} : memref<32x1024xf32, #tpu.memory_space<vmem>>, vector<1x16xf32>,
      %get3A_506 = arith.index_cast %scan3A_58 : i32 to index
      %get3A_507 = arith.constant 512 : index
      %get3A_508 = tpu.vector_load %arg8[%get3A_506, %get3A_507] {strides = array<i32>} : memref<32x1024xf32, #tpu.memory_space<vmem>>, vector<1x16xf32>,
      %get3A_509 = vector.shape_cast %get3A_508 : vector<1x16xf32> to vector<16xf32>
      %get3A_510 = arith.index_cast %scan3A_58 : i32 to index
      %get3A_511 = arith.constant 512 : index
      %get3A_512 = tpu.vector_load %arg9[%get3A_510, %get3A_511] {strides = array<i32>} : memref<32x1024xf32, #tpu.memory_space<vmem>>, vector<1x16xf32>,
      %get3A_513 = vector.shape_cast %get3A_512 : vector<1x16xf32> to vector<16xf32>
      %add3A_514 = arith.addf %get3A_509, %get3A_513 : vector<16xf32>
      %swap3A_515 = arith.index_cast %scan3A_58 : i32 to index
      %swap3A_516 = arith.constant 512 : index
      %swap3A_517 = tpu.vector_load %arg10[%swap3A_515, %swap3A_516] {strides = array<i32>} : memref<32x1024xf32, #tpu.memory_space<vmem>>, vector<1x16xf32>,
      %swap3A_518 = vector.shape_cast %swap3A_517 : vector<1x16xf32> to vector<16xf32>
      %swap3A_519 = vector.shape_cast %add3A_514 : vector<16xf32> to vector<1x16xf32>
      tpu.vector_store %arg10[%swap3A_515, %swap3A_516], %swap3A_519 {strides = array<i32>} : memref<32x1024xf32, #tpu.memory_space<vmem>>, vector<1x16xf32>,
      %get3A_520 = arith.index_cast %scan3A_58 : i32 to index
      %get3A_521 = arith.constant 528 : index
      %get3A_522 = tpu.vector_load %arg8[%get3A_520, %get3A_521] {strides = array<i32>} : memref<32x1024xf32, #tpu.memory_space<vmem>>, vector<1x16xf32>,
      %get3A_523 = vector.shape_cast %get3A_522 : vector<1x16xf32> to vector<16xf32>
      %get3A_524 = arith.index_cast %scan3A_58 : i32 to index
      %get3A_525 = arith.constant 528 : index
      %get3A_526 = tpu.vector_load %arg9[%get3A_524, %get3A_525] {strides = array<i32>} : memref<32x1024xf32, #tpu.memory_space<vmem>>, vector<1x16xf32>,
      %get3A_527 = vector.shape_cast %get3A_526 : vector<1x16xf32> to vector<16xf32>
      %add3A_528 = arith.addf %get3A_523, %get3A_527 : vector<16xf32>
      %swap3A_529 = arith.index_cast %scan3A_58 : i32 to index
      %swap3A_530 = arith.constant 528 : index
      %swap3A_531 = tpu.vector_load %arg10[%swap3A_529, %swap3A_530] {strides = array<i32>} : memref<32x1024xf32, #tpu.memory_space<vmem>>, vector<1x16xf32>,
      %swap3A_532 = vector.shape_cast %swap3A_531 : vector<1x16xf32> to vector<16xf32>
      %swap3A_533 = vector.shape_cast %add3A_528 : vector<16xf32> to vector<1x16xf32>
      tpu.vector_store %arg10[%swap3A_529, %swap3A_530], %swap3A_533 {strides = array<i32>} : memref<32x1024xf32, #tpu.memory_space<vmem>>, vector<1x16xf32>,
      %get3A_534 = arith.index_cast %scan3A_58 : i32 to index
      %get3A_535 = arith.constant 544 : index
      %get3A_536 = tpu.vector_load %arg8[%get3A_534, %get3A_535] {strides = array<i32>} : memref<32x1024xf32, #tpu.memory_space<vmem>>, vector<1x16xf32>,
      %get3A_537 = vector.shape_cast %get3A_536 : vector<1x16xf32> to vector<16xf32>
      %get3A_538 = arith.index_cast %scan3A_58 : i32 to index
      %get3A_539 = arith.constant 544 : index
      %get3A_540 = tpu.vector_load %arg9[%get3A_538, %get3A_539] {strides = array<i32>} : memref<32x1024xf32, #tpu.memory_space<vmem>>, vector<1x16xf32>,
      %get3A_541 = vector.shape_cast %get3A_540 : vector<1x16xf32> to vector<16xf32>
      %add3A_542 = arith.addf %get3A_537, %get3A_541 : vector<16xf32>
      %swap3A_543 = arith.index_cast %scan3A_58 : i32 to index
      %swap3A_544 = arith.constant 544 : index
      %swap3A_545 = tpu.vector_load %arg10[%swap3A_543, %swap3A_544] {strides = array<i32>} : memref<32x1024xf32, #tpu.memory_space<vmem>>, vector<1x16xf32>,
      %swap3A_546 = vector.shape_cast %swap3A_545 : vector<1x16xf32> to vector<16xf32>
      %swap3A_547 = vector.shape_cast %add3A_542 : vector<16xf32> to vector<1x16xf32>
      tpu.vector_store %arg10[%swap3A_543, %swap3A_544], %swap3A_547 {strides = array<i32>} : memref<32x1024xf32, #tpu.memory_space<vmem>>, vector<1x16xf32>,
      %get3A_548 = arith.index_cast %scan3A_58 : i32 to index
      %get3A_549 = arith.constant 560 : index
      %get3A_550 = tpu.vector_load %arg8[%get3A_548, %get3A_549] {strides = array<i32>} : memref<32x1024xf32, #tpu.memory_space<vmem>>, vector<1x16xf32>,
      %get3A_551 = vector.shape_cast %get3A_550 : vector<1x16xf32> to vector<16xf32>
      %get3A_552 = arith.index_cast %scan3A_58 : i32 to index
      %get3A_553 = arith.constant 560 : index
      %get3A_554 = tpu.vector_load %arg9[%get3A_552, %get3A_553] {strides = array<i32>} : memref<32x1024xf32, #tpu.memory_space<vmem>>, vector<1x16xf32>,
      %get3A_555 = vector.shape_cast %get3A_554 : vector<1x16xf32> to vector<16xf32>
      %add3A_556 = arith.addf %get3A_551, %get3A_555 : vector<16xf32>
      %swap3A_557 = arith.index_cast %scan3A_58 : i32 to index
      %swap3A_558 = arith.constant 560 : index
      %swap3A_559 = tpu.vector_load %arg10[%swap3A_557, %swap3A_558] {strides = array<i32>} : memref<32x1024xf32, #tpu.memory_space<vmem>>, vector<1x16xf32>,
      %swap3A_560 = vector.shape_cast %swap3A_559 : vector<1x16xf32> to vector<16xf32>
      %swap3A_561 = vector.shape_cast %add3A_556 : vector<16xf32> to vector<1x16xf32>
      tpu.vector_store %arg10[%swap3A_557, %swap3A_558], %swap3A_561 {strides = array<i32>} : memref<32x1024xf32, #tpu.memory_space<vmem>>, vector<1x16xf32>,
      %get3A_562 = arith.index_cast %scan3A_58 : i32 to index
      %get3A_563 = arith.constant 576 : index
      %get3A_564 = tpu.vector_load %arg8[%get3A_562, %get3A_563] {strides = array<i32>} : memref<32x1024xf32, #tpu.memory_space<vmem>>, vector<1x16xf32>,
      %get3A_565 = vector.shape_cast %get3A_564 : vector<1x16xf32> to vector<16xf32>
      %get3A_566 = arith.index_cast %scan3A_58 : i32 to index
      %get3A_567 = arith.constant 576 : index
      %get3A_568 = tpu.vector_load %arg9[%get3A_566, %get3A_567] {strides = array<i32>} : memref<32x1024xf32, #tpu.memory_space<vmem>>, vector<1x16xf32>,
      %get3A_569 = vector.shape_cast %get3A_568 : vector<1x16xf32> to vector<16xf32>
      %add3A_570 = arith.addf %get3A_565, %get3A_569 : vector<16xf32>
      %swap3A_571 = arith.index_cast %scan3A_58 : i32 to index
      %swap3A_572 = arith.constant 576 : index
      %swap3A_573 = tpu.vector_load %arg10[%swap3A_571, %swap3A_572] {strides = array<i32>} : memref<32x1024xf32, #tpu.memory_space<vmem>>, vector<1x16xf32>,
      %swap3A_574 = vector.shape_cast %swap3A_573 : vector<1x16xf32> to vector<16xf32>
      %swap3A_575 = vector.shape_cast %add3A_570 : vector<16xf32> to vector<1x16xf32>
      tpu.vector_store %arg10[%swap3A_571, %swap3A_572], %swap3A_575 {strides = array<i32>} : memref<32x1024xf32, #tpu.memory_space<vmem>>, vector<1x16xf32>,
      %get3A_576 = arith.index_cast %scan3A_58 : i32 to index
      %get3A_577 = arith.constant 592 : index
      %get3A_578 = tpu.vector_load %arg8[%get3A_576, %get3A_577] {strides = array<i32>} : memref<32x1024xf32, #tpu.memory_space<vmem>>, vector<1x16xf32>,
      %get3A_579 = vector.shape_cast %get3A_578 : vector<1x16xf32> to vector<16xf32>
      %get3A_580 = arith.index_cast %scan3A_58 : i32 to index
      %get3A_581 = arith.constant 592 : index
      %get3A_582 = tpu.vector_load %arg9[%get3A_580, %get3A_581] {strides = array<i32>} : memref<32x1024xf32, #tpu.memory_space<vmem>>, vector<1x16xf32>,
      %get3A_583 = vector.shape_cast %get3A_582 : vector<1x16xf32> to vector<16xf32>
      %add3A_584 = arith.addf %get3A_579, %get3A_583 : vector<16xf32>
      %swap3A_585 = arith.index_cast %scan3A_58 : i32 to index
      %swap3A_586 = arith.constant 592 : index
      %swap3A_587 = tpu.vector_load %arg10[%swap3A_585, %swap3A_586] {strides = array<i32>} : memref<32x1024xf32, #tpu.memory_space<vmem>>, vector<1x16xf32>,
      %swap3A_588 = vector.shape_cast %swap3A_587 : vector<1x16xf32> to vector<16xf32>
      %swap3A_589 = vector.shape_cast %add3A_584 : vector<16xf32> to vector<1x16xf32>
      tpu.vector_store %arg10[%swap3A_585, %swap3A_586], %swap3A_589 {strides = array<i32>} : memref<32x1024xf32, #tpu.memory_space<vmem>>, vector<1x16xf32>,
      %get3A_590 = arith.index_cast %scan3A_58 : i32 to index
      %get3A_591 = arith.constant 608 : index
      %get3A_592 = tpu.vector_load %arg8[%get3A_590, %get3A_591] {strides = array<i32>} : memref<32x1024xf32, #tpu.memory_space<vmem>>, vector<1x16xf32>,
      %get3A_593 = vector.shape_cast %get3A_592 : vector<1x16xf32> to vector<16xf32>
      %get3A_594 = arith.index_cast %scan3A_58 : i32 to index
      %get3A_595 = arith.constant 608 : index
      %get3A_596 = tpu.vector_load %arg9[%get3A_594, %get3A_595] {strides = array<i32>} : memref<32x1024xf32, #tpu.memory_space<vmem>>, vector<1x16xf32>,
      %get3A_597 = vector.shape_cast %get3A_596 : vector<1x16xf32> to vector<16xf32>
      %add3A_598 = arith.addf %get3A_593, %get3A_597 : vector<16xf32>
      %swap3A_599 = arith.index_cast %scan3A_58 : i32 to index
      %swap3A_600 = arith.constant 608 : index
      %swap3A_601 = tpu.vector_load %arg10[%swap3A_599, %swap3A_600] {strides = array<i32>} : memref<32x1024xf32, #tpu.memory_space<vmem>>, vector<1x16xf32>,
      %swap3A_602 = vector.shape_cast %swap3A_601 : vector<1x16xf32> to vector<16xf32>
      %swap3A_603 = vector.shape_cast %add3A_598 : vector<16xf32> to vector<1x16xf32>
      tpu.vector_store %arg10[%swap3A_599, %swap3A_600], %swap3A_603 {strides = array<i32>} : memref<32x1024xf32, #tpu.memory_space<vmem>>, vector<1x16xf32>,
      %get3A_604 = arith.index_cast %scan3A_58 : i32 to index
      %get3A_605 = arith.constant 624 : index
      %get3A_606 = tpu.vector_load %arg8[%get3A_604, %get3A_605] {strides = array<i32>} : memref<32x1024xf32, #tpu.memory_space<vmem>>, vector<1x16xf32>,
      %get3A_607 = vector.shape_cast %get3A_606 : vector<1x16xf32> to vector<16xf32>
      %get3A_608 = arith.index_cast %scan3A_58 : i32 to index
      %get3A_609 = arith.constant 624 : index
      %get3A_610 = tpu.vector_load %arg9[%get3A_608, %get3A_609] {strides = array<i32>} : memref<32x1024xf32, #tpu.memory_space<vmem>>, vector<1x16xf32>,
      %get3A_611 = vector.shape_cast %get3A_610 : vector<1x16xf32> to vector<16xf32>
      %add3A_612 = arith.addf %get3A_607, %get3A_611 : vector<16xf32>
      %swap3A_613 = arith.index_cast %scan3A_58 : i32 to index
      %swap3A_614 = arith.constant 624 : index
      %swap3A_615 = tpu.vector_load %arg10[%swap3A_613, %swap3A_614] {strides = array<i32>} : memref<32x1024xf32, #tpu.memory_space<vmem>>, vector<1x16xf32>,
      %swap3A_616 = vector.shape_cast %swap3A_615 : vector<1x16xf32> to vector<16xf32>
      %swap3A_617 = vector.shape_cast %add3A_612 : vector<16xf32> to vector<1x16xf32>
      tpu.vector_store %arg10[%swap3A_613, %swap3A_614], %swap3A_617 {strides = array<i32>} : memref<32x1024xf32, #tpu.memory_space<vmem>>, vector<1x16xf32>,
      %get3A_618 = arith.index_cast %scan3A_58 : i32 to index
      %get3A_619 = arith.constant 640 : index
      %get3A_620 = tpu.vector_load %arg8[%get3A_618, %get3A_619] {strides = array<i32>} : memref<32x1024xf32, #tpu.memory_space<vmem>>, vector<1x16xf32>,
      %get3A_621 = vector.shape_cast %get3A_620 : vector<1x16xf32> to vector<16xf32>
      %get3A_622 = arith.index_cast %scan3A_58 : i32 to index
      %get3A_623 = arith.constant 640 : index
      %get3A_624 = tpu.vector_load %arg9[%get3A_622, %get3A_623] {strides = array<i32>} : memref<32x1024xf32, #tpu.memory_space<vmem>>, vector<1x16xf32>,
      %get3A_625 = vector.shape_cast %get3A_624 : vector<1x16xf32> to vector<16xf32>
      %add3A_626 = arith.addf %get3A_621, %get3A_625 : vector<16xf32>
      %swap3A_627 = arith.index_cast %scan3A_58 : i32 to index
      %swap3A_628 = arith.constant 640 : index
      %swap3A_629 = tpu.vector_load %arg10[%swap3A_627, %swap3A_628] {strides = array<i32>} : memref<32x1024xf32, #tpu.memory_space<vmem>>, vector<1x16xf32>,
      %swap3A_630 = vector.shape_cast %swap3A_629 : vector<1x16xf32> to vector<16xf32>
      %swap3A_631 = vector.shape_cast %add3A_626 : vector<16xf32> to vector<1x16xf32>
      tpu.vector_store %arg10[%swap3A_627, %swap3A_628], %swap3A_631 {strides = array<i32>} : memref<32x1024xf32, #tpu.memory_space<vmem>>, vector<1x16xf32>,
      %get3A_632 = arith.index_cast %scan3A_58 : i32 to index
      %get3A_633 = arith.constant 656 : index
      %get3A_634 = tpu.vector_load %arg8[%get3A_632, %get3A_633] {strides = array<i32>} : memref<32x1024xf32, #tpu.memory_space<vmem>>, vector<1x16xf32>,
      %get3A_635 = vector.shape_cast %get3A_634 : vector<1x16xf32> to vector<16xf32>
      %get3A_636 = arith.index_cast %scan3A_58 : i32 to index
      %get3A_637 = arith.constant 656 : index
      %get3A_638 = tpu.vector_load %arg9[%get3A_636, %get3A_637] {strides = array<i32>} : memref<32x1024xf32, #tpu.memory_space<vmem>>, vector<1x16xf32>,
      %get3A_639 = vector.shape_cast %get3A_638 : vector<1x16xf32> to vector<16xf32>
      %add3A_640 = arith.addf %get3A_635, %get3A_639 : vector<16xf32>
      %swap3A_641 = arith.index_cast %scan3A_58 : i32 to index
      %swap3A_642 = arith.constant 656 : index
      %swap3A_643 = tpu.vector_load %arg10[%swap3A_641, %swap3A_642] {strides = array<i32>} : memref<32x1024xf32, #tpu.memory_space<vmem>>, vector<1x16xf32>,
      %swap3A_644 = vector.shape_cast %swap3A_643 : vector<1x16xf32> to vector<16xf32>
      %swap3A_645 = vector.shape_cast %add3A_640 : vector<16xf32> to vector<1x16xf32>
      tpu.vector_store %arg10[%swap3A_641, %swap3A_642], %swap3A_645 {strides = array<i32>} : memref<32x1024xf32, #tpu.memory_space<vmem>>, vector<1x16xf32>,
      %get3A_646 = arith.index_cast %scan3A_58 : i32 to index
      %get3A_647 = arith.constant 672 : index
      %get3A_648 = tpu.vector_load %arg8[%get3A_646, %get3A_647] {strides = array<i32>} : memref<32x1024xf32, #tpu.memory_space<vmem>>, vector<1x16xf32>,
      %get3A_649 = vector.shape_cast %get3A_648 : vector<1x16xf32> to vector<16xf32>
      %get3A_650 = arith.index_cast %scan3A_58 : i32 to index
      %get3A_651 = arith.constant 672 : index
      %get3A_652 = tpu.vector_load %arg9[%get3A_650, %get3A_651] {strides = array<i32>} : memref<32x1024xf32, #tpu.memory_space<vmem>>, vector<1x16xf32>,
      %get3A_653 = vector.shape_cast %get3A_652 : vector<1x16xf32> to vector<16xf32>
      %add3A_654 = arith.addf %get3A_649, %get3A_653 : vector<16xf32>
      %swap3A_655 = arith.index_cast %scan3A_58 : i32 to index
      %swap3A_656 = arith.constant 672 : index
      %swap3A_657 = tpu.vector_load %arg10[%swap3A_655, %swap3A_656] {strides = array<i32>} : memref<32x1024xf32, #tpu.memory_space<vmem>>, vector<1x16xf32>,
      %swap3A_658 = vector.shape_cast %swap3A_657 : vector<1x16xf32> to vector<16xf32>
      %swap3A_659 = vector.shape_cast %add3A_654 : vector<16xf32> to vector<1x16xf32>
      tpu.vector_store %arg10[%swap3A_655, %swap3A_656], %swap3A_659 {strides = array<i32>} : memref<32x1024xf32, #tpu.memory_space<vmem>>, vector<1x16xf32>,
      %get3A_660 = arith.index_cast %scan3A_58 : i32 to index
      %get3A_661 = arith.constant 688 : index
      %get3A_662 = tpu.vector_load %arg8[%get3A_660, %get3A_661] {strides = array<i32>} : memref<32x1024xf32, #tpu.memory_space<vmem>>, vector<1x16xf32>,
      %get3A_663 = vector.shape_cast %get3A_662 : vector<1x16xf32> to vector<16xf32>
      %get3A_664 = arith.index_cast %scan3A_58 : i32 to index
      %get3A_665 = arith.constant 688 : index
      %get3A_666 = tpu.vector_load %arg9[%get3A_664, %get3A_665] {strides = array<i32>} : memref<32x1024xf32, #tpu.memory_space<vmem>>, vector<1x16xf32>,
      %get3A_667 = vector.shape_cast %get3A_666 : vector<1x16xf32> to vector<16xf32>
      %add3A_668 = arith.addf %get3A_663, %get3A_667 : vector<16xf32>
      %swap3A_669 = arith.index_cast %scan3A_58 : i32 to index
      %swap3A_670 = arith.constant 688 : index
      %swap3A_671 = tpu.vector_load %arg10[%swap3A_669, %swap3A_670] {strides = array<i32>} : memref<32x1024xf32, #tpu.memory_space<vmem>>, vector<1x16xf32>,
      %swap3A_672 = vector.shape_cast %swap3A_671 : vector<1x16xf32> to vector<16xf32>
      %swap3A_673 = vector.shape_cast %add3A_668 : vector<16xf32> to vector<1x16xf32>
      tpu.vector_store %arg10[%swap3A_669, %swap3A_670], %swap3A_673 {strides = array<i32>} : memref<32x1024xf32, #tpu.memory_space<vmem>>, vector<1x16xf32>,
      %get3A_674 = arith.index_cast %scan3A_58 : i32 to index
      %get3A_675 = arith.constant 704 : index
      %get3A_676 = tpu.vector_load %arg8[%get3A_674, %get3A_675] {strides = array<i32>} : memref<32x1024xf32, #tpu.memory_space<vmem>>, vector<1x16xf32>,
      %get3A_677 = vector.shape_cast %get3A_676 : vector<1x16xf32> to vector<16xf32>
      %get3A_678 = arith.index_cast %scan3A_58 : i32 to index
      %get3A_679 = arith.constant 704 : index
      %get3A_680 = tpu.vector_load %arg9[%get3A_678, %get3A_679] {strides = array<i32>} : memref<32x1024xf32, #tpu.memory_space<vmem>>, vector<1x16xf32>,
      %get3A_681 = vector.shape_cast %get3A_680 : vector<1x16xf32> to vector<16xf32>
      %add3A_682 = arith.addf %get3A_677, %get3A_681 : vector<16xf32>
      %swap3A_683 = arith.index_cast %scan3A_58 : i32 to index
      %swap3A_684 = arith.constant 704 : index
      %swap3A_685 = tpu.vector_load %arg10[%swap3A_683, %swap3A_684] {strides = array<i32>} : memref<32x1024xf32, #tpu.memory_space<vmem>>, vector<1x16xf32>,
      %swap3A_686 = vector.shape_cast %swap3A_685 : vector<1x16xf32> to vector<16xf32>
      %swap3A_687 = vector.shape_cast %add3A_682 : vector<16xf32> to vector<1x16xf32>
      tpu.vector_store %arg10[%swap3A_683, %swap3A_684], %swap3A_687 {strides = array<i32>} : memref<32x1024xf32, #tpu.memory_space<vmem>>, vector<1x16xf32>,
      %get3A_688 = arith.index_cast %scan3A_58 : i32 to index
      %get3A_689 = arith.constant 720 : index
      %get3A_690 = tpu.vector_load %arg8[%get3A_688, %get3A_689] {strides = array<i32>} : memref<32x1024xf32, #tpu.memory_space<vmem>>, vector<1x16xf32>,
      %get3A_691 = vector.shape_cast %get3A_690 : vector<1x16xf32> to vector<16xf32>
      %get3A_692 = arith.index_cast %scan3A_58 : i32 to index
      %get3A_693 = arith.constant 720 : index
      %get3A_694 = tpu.vector_load %arg9[%get3A_692, %get3A_693] {strides = array<i32>} : memref<32x1024xf32, #tpu.memory_space<vmem>>, vector<1x16xf32>,
      %get3A_695 = vector.shape_cast %get3A_694 : vector<1x16xf32> to vector<16xf32>
      %add3A_696 = arith.addf %get3A_691, %get3A_695 : vector<16xf32>
      %swap3A_697 = arith.index_cast %scan3A_58 : i32 to index
      %swap3A_698 = arith.constant 720 : index
      %swap3A_699 = tpu.vector_load %arg10[%swap3A_697, %swap3A_698] {strides = array<i32>} : memref<32x1024xf32, #tpu.memory_space<vmem>>, vector<1x16xf32>,
      %swap3A_700 = vector.shape_cast %swap3A_699 : vector<1x16xf32> to vector<16xf32>
      %swap3A_701 = vector.shape_cast %add3A_696 : vector<16xf32> to vector<1x16xf32>
      tpu.vector_store %arg10[%swap3A_697, %swap3A_698], %swap3A_701 {strides = array<i32>} : memref<32x1024xf32, #tpu.memory_space<vmem>>, vector<1x16xf32>,
      %get3A_702 = arith.index_cast %scan3A_58 : i32 to index
      %get3A_703 = arith.constant 736 : index
      %get3A_704 = tpu.vector_load %arg8[%get3A_702, %get3A_703] {strides = array<i32>} : memref<32x1024xf32, #tpu.memory_space<vmem>>, vector<1x16xf32>,
      %get3A_705 = vector.shape_cast %get3A_704 : vector<1x16xf32> to vector<16xf32>
      %get3A_706 = arith.index_cast %scan3A_58 : i32 to index
      %get3A_707 = arith.constant 736 : index
      %get3A_708 = tpu.vector_load %arg9[%get3A_706, %get3A_707] {strides = array<i32>} : memref<32x1024xf32, #tpu.memory_space<vmem>>, vector<1x16xf32>,
      %get3A_709 = vector.shape_cast %get3A_708 : vector<1x16xf32> to vector<16xf32>
      %add3A_710 = arith.addf %get3A_705, %get3A_709 : vector<16xf32>
      %swap3A_711 = arith.index_cast %scan3A_58 : i32 to index
      %swap3A_712 = arith.constant 736 : index
      %swap3A_713 = tpu.vector_load %arg10[%swap3A_711, %swap3A_712] {strides = array<i32>} : memref<32x1024xf32, #tpu.memory_space<vmem>>, vector<1x16xf32>,
      %swap3A_714 = vector.shape_cast %swap3A_713 : vector<1x16xf32> to vector<16xf32>
      %swap3A_715 = vector.shape_cast %add3A_710 : vector<16xf32> to vector<1x16xf32>
      tpu.vector_store %arg10[%swap3A_711, %swap3A_712], %swap3A_715 {strides = array<i32>} : memref<32x1024xf32, #tpu.memory_space<vmem>>, vector<1x16xf32>,
      %get3A_716 = arith.index_cast %scan3A_58 : i32 to index
      %get3A_717 = arith.constant 752 : index
      %get3A_718 = tpu.vector_load %arg8[%get3A_716, %get3A_717] {strides = array<i32>} : memref<32x1024xf32, #tpu.memory_space<vmem>>, vector<1x16xf32>,
      %get3A_719 = vector.shape_cast %get3A_718 : vector<1x16xf32> to vector<16xf32>
      %get3A_720 = arith.index_cast %scan3A_58 : i32 to index
      %get3A_721 = arith.constant 752 : index
      %get3A_722 = tpu.vector_load %arg9[%get3A_720, %get3A_721] {strides = array<i32>} : memref<32x1024xf32, #tpu.memory_space<vmem>>, vector<1x16xf32>,
      %get3A_723 = vector.shape_cast %get3A_722 : vector<1x16xf32> to vector<16xf32>
      %add3A_724 = arith.addf %get3A_719, %get3A_723 : vector<16xf32>
      %swap3A_725 = arith.index_cast %scan3A_58 : i32 to index
      %swap3A_726 = arith.constant 752 : index
      %swap3A_727 = tpu.vector_load %arg10[%swap3A_725, %swap3A_726] {strides = array<i32>} : memref<32x1024xf32, #tpu.memory_space<vmem>>, vector<1x16xf32>,
      %swap3A_728 = vector.shape_cast %swap3A_727 : vector<1x16xf32> to vector<16xf32>
      %swap3A_729 = vector.shape_cast %add3A_724 : vector<16xf32> to vector<1x16xf32>
      tpu.vector_store %arg10[%swap3A_725, %swap3A_726], %swap3A_729 {strides = array<i32>} : memref<32x1024xf32, #tpu.memory_space<vmem>>, vector<1x16xf32>,
      %get3A_730 = arith.index_cast %scan3A_58 : i32 to index
      %get3A_731 = arith.constant 768 : index
      %get3A_732 = tpu.vector_load %arg8[%get3A_730, %get3A_731] {strides = array<i32>} : memref<32x1024xf32, #tpu.memory_space<vmem>>, vector<1x16xf32>,
      %get3A_733 = vector.shape_cast %get3A_732 : vector<1x16xf32> to vector<16xf32>
      %get3A_734 = arith.index_cast %scan3A_58 : i32 to index
      %get3A_735 = arith.constant 768 : index
      %get3A_736 = tpu.vector_load %arg9[%get3A_734, %get3A_735] {strides = array<i32>} : memref<32x1024xf32, #tpu.memory_space<vmem>>, vector<1x16xf32>,
      %get3A_737 = vector.shape_cast %get3A_736 : vector<1x16xf32> to vector<16xf32>
      %add3A_738 = arith.addf %get3A_733, %get3A_737 : vector<16xf32>
      %swap3A_739 = arith.index_cast %scan3A_58 : i32 to index
      %swap3A_740 = arith.constant 768 : index
      %swap3A_741 = tpu.vector_load %arg10[%swap3A_739, %swap3A_740] {strides = array<i32>} : memref<32x1024xf32, #tpu.memory_space<vmem>>, vector<1x16xf32>,
      %swap3A_742 = vector.shape_cast %swap3A_741 : vector<1x16xf32> to vector<16xf32>
      %swap3A_743 = vector.shape_cast %add3A_738 : vector<16xf32> to vector<1x16xf32>
      tpu.vector_store %arg10[%swap3A_739, %swap3A_740], %swap3A_743 {strides = array<i32>} : memref<32x1024xf32, #tpu.memory_space<vmem>>, vector<1x16xf32>,
      %get3A_744 = arith.index_cast %scan3A_58 : i32 to index
      %get3A_745 = arith.constant 784 : index
      %get3A_746 = tpu.vector_load %arg8[%get3A_744, %get3A_745] {strides = array<i32>} : memref<32x1024xf32, #tpu.memory_space<vmem>>, vector<1x16xf32>,
      %get3A_747 = vector.shape_cast %get3A_746 : vector<1x16xf32> to vector<16xf32>
      %get3A_748 = arith.index_cast %scan3A_58 : i32 to index
      %get3A_749 = arith.constant 784 : index
      %get3A_750 = tpu.vector_load %arg9[%get3A_748, %get3A_749] {strides = array<i32>} : memref<32x1024xf32, #tpu.memory_space<vmem>>, vector<1x16xf32>,
      %get3A_751 = vector.shape_cast %get3A_750 : vector<1x16xf32> to vector<16xf32>
      %add3A_752 = arith.addf %get3A_747, %get3A_751 : vector<16xf32>
      %swap3A_753 = arith.index_cast %scan3A_58 : i32 to index
      %swap3A_754 = arith.constant 784 : index
      %swap3A_755 = tpu.vector_load %arg10[%swap3A_753, %swap3A_754] {strides = array<i32>} : memref<32x1024xf32, #tpu.memory_space<vmem>>, vector<1x16xf32>,
      %swap3A_756 = vector.shape_cast %swap3A_755 : vector<1x16xf32> to vector<16xf32>
      %swap3A_757 = vector.shape_cast %add3A_752 : vector<16xf32> to vector<1x16xf32>
      tpu.vector_store %arg10[%swap3A_753, %swap3A_754], %swap3A_757 {strides = array<i32>} : memref<32x1024xf32, #tpu.memory_space<vmem>>, vector<1x16xf32>,
      %get3A_758 = arith.index_cast %scan3A_58 : i32 to index
      %get3A_759 = arith.constant 800 : index
      %get3A_760 = tpu.vector_load %arg8[%get3A_758, %get3A_759] {strides = array<i32>} : memref<32x1024xf32, #tpu.memory_space<vmem>>, vector<1x16xf32>,
      %get3A_761 = vector.shape_cast %get3A_760 : vector<1x16xf32> to vector<16xf32>
      %get3A_762 = arith.index_cast %scan3A_58 : i32 to index
      %get3A_763 = arith.constant 800 : index
      %get3A_764 = tpu.vector_load %arg9[%get3A_762, %get3A_763] {strides = array<i32>} : memref<32x1024xf32, #tpu.memory_space<vmem>>, vector<1x16xf32>,
      %get3A_765 = vector.shape_cast %get3A_764 : vector<1x16xf32> to vector<16xf32>
      %add3A_766 = arith.addf %get3A_761, %get3A_765 : vector<16xf32>
      %swap3A_767 = arith.index_cast %scan3A_58 : i32 to index
      %swap3A_768 = arith.constant 800 : index
      %swap3A_769 = tpu.vector_load %arg10[%swap3A_767, %swap3A_768] {strides = array<i32>} : memref<32x1024xf32, #tpu.memory_space<vmem>>, vector<1x16xf32>,
      %swap3A_770 = vector.shape_cast %swap3A_769 : vector<1x16xf32> to vector<16xf32>
      %swap3A_771 = vector.shape_cast %add3A_766 : vector<16xf32> to vector<1x16xf32>
      tpu.vector_store %arg10[%swap3A_767, %swap3A_768], %swap3A_771 {strides = array<i32>} : memref<32x1024xf32, #tpu.memory_space<vmem>>, vector<1x16xf32>,
      %get3A_772 = arith.index_cast %scan3A_58 : i32 to index
      %get3A_773 = arith.constant 816 : index
      %get3A_774 = tpu.vector_load %arg8[%get3A_772, %get3A_773] {strides = array<i32>} : memref<32x1024xf32, #tpu.memory_space<vmem>>, vector<1x16xf32>,
      %get3A_775 = vector.shape_cast %get3A_774 : vector<1x16xf32> to vector<16xf32>
      %get3A_776 = arith.index_cast %scan3A_58 : i32 to index
      %get3A_777 = arith.constant 816 : index
      %get3A_778 = tpu.vector_load %arg9[%get3A_776, %get3A_777] {strides = array<i32>} : memref<32x1024xf32, #tpu.memory_space<vmem>>, vector<1x16xf32>,
      %get3A_779 = vector.shape_cast %get3A_778 : vector<1x16xf32> to vector<16xf32>
      %add3A_780 = arith.addf %get3A_775, %get3A_779 : vector<16xf32>
      %swap3A_781 = arith.index_cast %scan3A_58 : i32 to index
      %swap3A_782 = arith.constant 816 : index
      %swap3A_783 = tpu.vector_load %arg10[%swap3A_781, %swap3A_782] {strides = array<i32>} : memref<32x1024xf32, #tpu.memory_space<vmem>>, vector<1x16xf32>,
      %swap3A_784 = vector.shape_cast %swap3A_783 : vector<1x16xf32> to vector<16xf32>
      %swap3A_785 = vector.shape_cast %add3A_780 : vector<16xf32> to vector<1x16xf32>
      tpu.vector_store %arg10[%swap3A_781, %swap3A_782], %swap3A_785 {strides = array<i32>} : memref<32x1024xf32, #tpu.memory_space<vmem>>, vector<1x16xf32>,
      %get3A_786 = arith.index_cast %scan3A_58 : i32 to index
      %get3A_787 = arith.constant 832 : index
      %get3A_788 = tpu.vector_load %arg8[%get3A_786, %get3A_787] {strides = array<i32>} : memref<32x1024xf32, #tpu.memory_space<vmem>>, vector<1x16xf32>,
      %get3A_789 = vector.shape_cast %get3A_788 : vector<1x16xf32> to vector<16xf32>
      %get3A_790 = arith.index_cast %scan3A_58 : i32 to index
      %get3A_791 = arith.constant 832 : index
      %get3A_792 = tpu.vector_load %arg9[%get3A_790, %get3A_791] {strides = array<i32>} : memref<32x1024xf32, #tpu.memory_space<vmem>>, vector<1x16xf32>,
      %get3A_793 = vector.shape_cast %get3A_792 : vector<1x16xf32> to vector<16xf32>
      %add3A_794 = arith.addf %get3A_789, %get3A_793 : vector<16xf32>
      %swap3A_795 = arith.index_cast %scan3A_58 : i32 to index
      %swap3A_796 = arith.constant 832 : index
      %swap3A_797 = tpu.vector_load %arg10[%swap3A_795, %swap3A_796] {strides = array<i32>} : memref<32x1024xf32, #tpu.memory_space<vmem>>, vector<1x16xf32>,
      %swap3A_798 = vector.shape_cast %swap3A_797 : vector<1x16xf32> to vector<16xf32>
      %swap3A_799 = vector.shape_cast %add3A_794 : vector<16xf32> to vector<1x16xf32>
      tpu.vector_store %arg10[%swap3A_795, %swap3A_796], %swap3A_799 {strides = array<i32>} : memref<32x1024xf32, #tpu.memory_space<vmem>>, vector<1x16xf32>,
      %get3A_800 = arith.index_cast %scan3A_58 : i32 to index
      %get3A_801 = arith.constant 848 : index
      %get3A_802 = tpu.vector_load %arg8[%get3A_800, %get3A_801] {strides = array<i32>} : memref<32x1024xf32, #tpu.memory_space<vmem>>, vector<1x16xf32>,
      %get3A_803 = vector.shape_cast %get3A_802 : vector<1x16xf32> to vector<16xf32>
      %get3A_804 = arith.index_cast %scan3A_58 : i32 to index
      %get3A_805 = arith.constant 848 : index
      %get3A_806 = tpu.vector_load %arg9[%get3A_804, %get3A_805] {strides = array<i32>} : memref<32x1024xf32, #tpu.memory_space<vmem>>, vector<1x16xf32>,
      %get3A_807 = vector.shape_cast %get3A_806 : vector<1x16xf32> to vector<16xf32>
      %add3A_808 = arith.addf %get3A_803, %get3A_807 : vector<16xf32>
      %swap3A_809 = arith.index_cast %scan3A_58 : i32 to index
      %swap3A_810 = arith.constant 848 : index
      %swap3A_811 = tpu.vector_load %arg10[%swap3A_809, %swap3A_810] {strides = array<i32>} : memref<32x1024xf32, #tpu.memory_space<vmem>>, vector<1x16xf32>,
      %swap3A_812 = vector.shape_cast %swap3A_811 : vector<1x16xf32> to vector<16xf32>
      %swap3A_813 = vector.shape_cast %add3A_808 : vector<16xf32> to vector<1x16xf32>
      tpu.vector_store %arg10[%swap3A_809, %swap3A_810], %swap3A_813 {strides = array<i32>} : memref<32x1024xf32, #tpu.memory_space<vmem>>, vector<1x16xf32>,
      %get3A_814 = arith.index_cast %scan3A_58 : i32 to index
      %get3A_815 = arith.constant 864 : index
      %get3A_816 = tpu.vector_load %arg8[%get3A_814, %get3A_815] {strides = array<i32>} : memref<32x1024xf32, #tpu.memory_space<vmem>>, vector<1x16xf32>,
      %get3A_817 = vector.shape_cast %get3A_816 : vector<1x16xf32> to vector<16xf32>
      %get3A_818 = arith.index_cast %scan3A_58 : i32 to index
      %get3A_819 = arith.constant 864 : index
      %get3A_820 = tpu.vector_load %arg9[%get3A_818, %get3A_819] {strides = array<i32>} : memref<32x1024xf32, #tpu.memory_space<vmem>>, vector<1x16xf32>,
      %get3A_821 = vector.shape_cast %get3A_820 : vector<1x16xf32> to vector<16xf32>
      %add3A_822 = arith.addf %get3A_817, %get3A_821 : vector<16xf32>
      %swap3A_823 = arith.index_cast %scan3A_58 : i32 to index
      %swap3A_824 = arith.constant 864 : index
      %swap3A_825 = tpu.vector_load %arg10[%swap3A_823, %swap3A_824] {strides = array<i32>} : memref<32x1024xf32, #tpu.memory_space<vmem>>, vector<1x16xf32>,
      %swap3A_826 = vector.shape_cast %swap3A_825 : vector<1x16xf32> to vector<16xf32>
      %swap3A_827 = vector.shape_cast %add3A_822 : vector<16xf32> to vector<1x16xf32>
      tpu.vector_store %arg10[%swap3A_823, %swap3A_824], %swap3A_827 {strides = array<i32>} : memref<32x1024xf32, #tpu.memory_space<vmem>>, vector<1x16xf32>,
      %get3A_828 = arith.index_cast %scan3A_58 : i32 to index
      %get3A_829 = arith.constant 880 : index
      %get3A_830 = tpu.vector_load %arg8[%get3A_828, %get3A_829] {strides = array<i32>} : memref<32x1024xf32, #tpu.memory_space<vmem>>, vector<1x16xf32>,
      %get3A_831 = vector.shape_cast %get3A_830 : vector<1x16xf32> to vector<16xf32>
      %get3A_832 = arith.index_cast %scan3A_58 : i32 to index
      %get3A_833 = arith.constant 880 : index
      %get3A_834 = tpu.vector_load %arg9[%get3A_832, %get3A_833] {strides = array<i32>} : memref<32x1024xf32, #tpu.memory_space<vmem>>, vector<1x16xf32>,
      %get3A_835 = vector.shape_cast %get3A_834 : vector<1x16xf32> to vector<16xf32>
      %add3A_836 = arith.addf %get3A_831, %get3A_835 : vector<16xf32>
      %swap3A_837 = arith.index_cast %scan3A_58 : i32 to index
      %swap3A_838 = arith.constant 880 : index
      %swap3A_839 = tpu.vector_load %arg10[%swap3A_837, %swap3A_838] {strides = array<i32>} : memref<32x1024xf32, #tpu.memory_space<vmem>>, vector<1x16xf32>,
      %swap3A_840 = vector.shape_cast %swap3A_839 : vector<1x16xf32> to vector<16xf32>
      %swap3A_841 = vector.shape_cast %add3A_836 : vector<16xf32> to vector<1x16xf32>
      tpu.vector_store %arg10[%swap3A_837, %swap3A_838], %swap3A_841 {strides = array<i32>} : memref<32x1024xf32, #tpu.memory_space<vmem>>, vector<1x16xf32>,
      %get3A_842 = arith.index_cast %scan3A_58 : i32 to index
      %get3A_843 = arith.constant 896 : index
      %get3A_844 = tpu.vector_load %arg8[%get3A_842, %get3A_843] {strides = array<i32>} : memref<32x1024xf32, #tpu.memory_space<vmem>>, vector<1x16xf32>,
      %get3A_845 = vector.shape_cast %get3A_844 : vector<1x16xf32> to vector<16xf32>
      %get3A_846 = arith.index_cast %scan3A_58 : i32 to index
      %get3A_847 = arith.constant 896 : index
      %get3A_848 = tpu.vector_load %arg9[%get3A_846, %get3A_847] {strides = array<i32>} : memref<32x1024xf32, #tpu.memory_space<vmem>>, vector<1x16xf32>,
      %get3A_849 = vector.shape_cast %get3A_848 : vector<1x16xf32> to vector<16xf32>
      %add3A_850 = arith.addf %get3A_845, %get3A_849 : vector<16xf32>
      %swap3A_851 = arith.index_cast %scan3A_58 : i32 to index
      %swap3A_852 = arith.constant 896 : index
      %swap3A_853 = tpu.vector_load %arg10[%swap3A_851, %swap3A_852] {strides = array<i32>} : memref<32x1024xf32, #tpu.memory_space<vmem>>, vector<1x16xf32>,
      %swap3A_854 = vector.shape_cast %swap3A_853 : vector<1x16xf32> to vector<16xf32>
      %swap3A_855 = vector.shape_cast %add3A_850 : vector<16xf32> to vector<1x16xf32>
      tpu.vector_store %arg10[%swap3A_851, %swap3A_852], %swap3A_855 {strides = array<i32>} : memref<32x1024xf32, #tpu.memory_space<vmem>>, vector<1x16xf32>,
      %get3A_856 = arith.index_cast %scan3A_58 : i32 to index
      %get3A_857 = arith.constant 912 : index
      %get3A_858 = tpu.vector_load %arg8[%get3A_856, %get3A_857] {strides = array<i32>} : memref<32x1024xf32, #tpu.memory_space<vmem>>, vector<1x16xf32>,
      %get3A_859 = vector.shape_cast %get3A_858 : vector<1x16xf32> to vector<16xf32>
      %get3A_860 = arith.index_cast %scan3A_58 : i32 to index
      %get3A_861 = arith.constant 912 : index
      %get3A_862 = tpu.vector_load %arg9[%get3A_860, %get3A_861] {strides = array<i32>} : memref<32x1024xf32, #tpu.memory_space<vmem>>, vector<1x16xf32>,
      %get3A_863 = vector.shape_cast %get3A_862 : vector<1x16xf32> to vector<16xf32>
      %add3A_864 = arith.addf %get3A_859, %get3A_863 : vector<16xf32>
      %swap3A_865 = arith.index_cast %scan3A_58 : i32 to index
      %swap3A_866 = arith.constant 912 : index
      %swap3A_867 = tpu.vector_load %arg10[%swap3A_865, %swap3A_866] {strides = array<i32>} : memref<32x1024xf32, #tpu.memory_space<vmem>>, vector<1x16xf32>,
      %swap3A_868 = vector.shape_cast %swap3A_867 : vector<1x16xf32> to vector<16xf32>
      %swap3A_869 = vector.shape_cast %add3A_864 : vector<16xf32> to vector<1x16xf32>
      tpu.vector_store %arg10[%swap3A_865, %swap3A_866], %swap3A_869 {strides = array<i32>} : memref<32x1024xf32, #tpu.memory_space<vmem>>, vector<1x16xf32>,
      %get3A_870 = arith.index_cast %scan3A_58 : i32 to index
      %get3A_871 = arith.constant 928 : index
      %get3A_872 = tpu.vector_load %arg8[%get3A_870, %get3A_871] {strides = array<i32>} : memref<32x1024xf32, #tpu.memory_space<vmem>>, vector<1x16xf32>,
      %get3A_873 = vector.shape_cast %get3A_872 : vector<1x16xf32> to vector<16xf32>
      %get3A_874 = arith.index_cast %scan3A_58 : i32 to index
      %get3A_875 = arith.constant 928 : index
      %get3A_876 = tpu.vector_load %arg9[%get3A_874, %get3A_875] {strides = array<i32>} : memref<32x1024xf32, #tpu.memory_space<vmem>>, vector<1x16xf32>,
      %get3A_877 = vector.shape_cast %get3A_876 : vector<1x16xf32> to vector<16xf32>
      %add3A_878 = arith.addf %get3A_873, %get3A_877 : vector<16xf32>
      %swap3A_879 = arith.index_cast %scan3A_58 : i32 to index
      %swap3A_880 = arith.constant 928 : index
      %swap3A_881 = tpu.vector_load %arg10[%swap3A_879, %swap3A_880] {strides = array<i32>} : memref<32x1024xf32, #tpu.memory_space<vmem>>, vector<1x16xf32>,
      %swap3A_882 = vector.shape_cast %swap3A_881 : vector<1x16xf32> to vector<16xf32>
      %swap3A_883 = vector.shape_cast %add3A_878 : vector<16xf32> to vector<1x16xf32>
      tpu.vector_store %arg10[%swap3A_879, %swap3A_880], %swap3A_883 {strides = array<i32>} : memref<32x1024xf32, #tpu.memory_space<vmem>>, vector<1x16xf32>,
      %get3A_884 = arith.index_cast %scan3A_58 : i32 to index
      %get3A_885 = arith.constant 944 : index
      %get3A_886 = tpu.vector_load %arg8[%get3A_884, %get3A_885] {strides = array<i32>} : memref<32x1024xf32, #tpu.memory_space<vmem>>, vector<1x16xf32>,
      %get3A_887 = vector.shape_cast %get3A_886 : vector<1x16xf32> to vector<16xf32>
      %get3A_888 = arith.index_cast %scan3A_58 : i32 to index
      %get3A_889 = arith.constant 944 : index
      %get3A_890 = tpu.vector_load %arg9[%get3A_888, %get3A_889] {strides = array<i32>} : memref<32x1024xf32, #tpu.memory_space<vmem>>, vector<1x16xf32>,
      %get3A_891 = vector.shape_cast %get3A_890 : vector<1x16xf32> to vector<16xf32>
      %add3A_892 = arith.addf %get3A_887, %get3A_891 : vector<16xf32>
      %swap3A_893 = arith.index_cast %scan3A_58 : i32 to index
      %swap3A_894 = arith.constant 944 : index
      %swap3A_895 = tpu.vector_load %arg10[%swap3A_893, %swap3A_894] {strides = array<i32>} : memref<32x1024xf32, #tpu.memory_space<vmem>>, vector<1x16xf32>,
      %swap3A_896 = vector.shape_cast %swap3A_895 : vector<1x16xf32> to vector<16xf32>
      %swap3A_897 = vector.shape_cast %add3A_892 : vector<16xf32> to vector<1x16xf32>
      tpu.vector_store %arg10[%swap3A_893, %swap3A_894], %swap3A_897 {strides = array<i32>} : memref<32x1024xf32, #tpu.memory_space<vmem>>, vector<1x16xf32>,
      %get3A_898 = arith.index_cast %scan3A_58 : i32 to index
      %get3A_899 = arith.constant 960 : index
      %get3A_900 = tpu.vector_load %arg8[%get3A_898, %get3A_899] {strides = array<i32>} : memref<32x1024xf32, #tpu.memory_space<vmem>>, vector<1x16xf32>,
      %get3A_901 = vector.shape_cast %get3A_900 : vector<1x16xf32> to vector<16xf32>
      %get3A_902 = arith.index_cast %scan3A_58 : i32 to index
      %get3A_903 = arith.constant 960 : index
      %get3A_904 = tpu.vector_load %arg9[%get3A_902, %get3A_903] {strides = array<i32>} : memref<32x1024xf32, #tpu.memory_space<vmem>>, vector<1x16xf32>,
      %get3A_905 = vector.shape_cast %get3A_904 : vector<1x16xf32> to vector<16xf32>
      %add3A_906 = arith.addf %get3A_901, %get3A_905 : vector<16xf32>
      %swap3A_907 = arith.index_cast %scan3A_58 : i32 to index
      %swap3A_908 = arith.constant 960 : index
      %swap3A_909 = tpu.vector_load %arg10[%swap3A_907, %swap3A_908] {strides = array<i32>} : memref<32x1024xf32, #tpu.memory_space<vmem>>, vector<1x16xf32>,
      %swap3A_910 = vector.shape_cast %swap3A_909 : vector<1x16xf32> to vector<16xf32>
      %swap3A_911 = vector.shape_cast %add3A_906 : vector<16xf32> to vector<1x16xf32>
      tpu.vector_store %arg10[%swap3A_907, %swap3A_908], %swap3A_911 {strides = array<i32>} : memref<32x1024xf32, #tpu.memory_space<vmem>>, vector<1x16xf32>,
      %get3A_912 = arith.index_cast %scan3A_58 : i32 to index
      %get3A_913 = arith.constant 976 : index
      %get3A_914 = tpu.vector_load %arg8[%get3A_912, %get3A_913] {strides = array<i32>} : memref<32x1024xf32, #tpu.memory_space<vmem>>, vector<1x16xf32>,
      %get3A_915 = vector.shape_cast %get3A_914 : vector<1x16xf32> to vector<16xf32>
      %get3A_916 = arith.index_cast %scan3A_58 : i32 to index
      %get3A_917 = arith.constant 976 : index
      %get3A_918 = tpu.vector_load %arg9[%get3A_916, %get3A_917] {strides = array<i32>} : memref<32x1024xf32, #tpu.memory_space<vmem>>, vector<1x16xf32>,
      %get3A_919 = vector.shape_cast %get3A_918 : vector<1x16xf32> to vector<16xf32>
      %add3A_920 = arith.addf %get3A_915, %get3A_919 : vector<16xf32>
      %swap3A_921 = arith.index_cast %scan3A_58 : i32 to index
      %swap3A_922 = arith.constant 976 : index
      %swap3A_923 = tpu.vector_load %arg10[%swap3A_921, %swap3A_922] {strides = array<i32>} : memref<32x1024xf32, #tpu.memory_space<vmem>>, vector<1x16xf32>,
      %swap3A_924 = vector.shape_cast %swap3A_923 : vector<1x16xf32> to vector<16xf32>
      %swap3A_925 = vector.shape_cast %add3A_920 : vector<16xf32> to vector<1x16xf32>
      tpu.vector_store %arg10[%swap3A_921, %swap3A_922], %swap3A_925 {strides = array<i32>} : memref<32x1024xf32, #tpu.memory_space<vmem>>, vector<1x16xf32>,
      %get3A_926 = arith.index_cast %scan3A_58 : i32 to index
      %get3A_927 = arith.constant 992 : index
      %get3A_928 = tpu.vector_load %arg8[%get3A_926, %get3A_927] {strides = array<i32>} : memref<32x1024xf32, #tpu.memory_space<vmem>>, vector<1x16xf32>,
      %get3A_929 = vector.shape_cast %get3A_928 : vector<1x16xf32> to vector<16xf32>
      %get3A_930 = arith.index_cast %scan3A_58 : i32 to index
      %get3A_931 = arith.constant 992 : index
      %get3A_932 = tpu.vector_load %arg9[%get3A_930, %get3A_931] {strides = array<i32>} : memref<32x1024xf32, #tpu.memory_space<vmem>>, vector<1x16xf32>,
      %get3A_933 = vector.shape_cast %get3A_932 : vector<1x16xf32> to vector<16xf32>
      %add3A_934 = arith.addf %get3A_929, %get3A_933 : vector<16xf32>
      %swap3A_935 = arith.index_cast %scan3A_58 : i32 to index
      %swap3A_936 = arith.constant 992 : index
      %swap3A_937 = tpu.vector_load %arg10[%swap3A_935, %swap3A_936] {strides = array<i32>} : memref<32x1024xf32, #tpu.memory_space<vmem>>, vector<1x16xf32>,
      %swap3A_938 = vector.shape_cast %swap3A_937 : vector<1x16xf32> to vector<16xf32>
      %swap3A_939 = vector.shape_cast %add3A_934 : vector<16xf32> to vector<1x16xf32>
      tpu.vector_store %arg10[%swap3A_935, %swap3A_936], %swap3A_939 {strides = array<i32>} : memref<32x1024xf32, #tpu.memory_space<vmem>>, vector<1x16xf32>,
      %get3A_940 = arith.index_cast %scan3A_58 : i32 to index
      %get3A_941 = arith.constant 1008 : index
      %get3A_942 = tpu.vector_load %arg8[%get3A_940, %get3A_941] {strides = array<i32>} : memref<32x1024xf32, #tpu.memory_space<vmem>>, vector<1x16xf32>,
      %get3A_943 = vector.shape_cast %get3A_942 : vector<1x16xf32> to vector<16xf32>
      %get3A_944 = arith.index_cast %scan3A_58 : i32 to index
      %get3A_945 = arith.constant 1008 : index
      %get3A_946 = tpu.vector_load %arg9[%get3A_944, %get3A_945] {strides = array<i32>} : memref<32x1024xf32, #tpu.memory_space<vmem>>, vector<1x16xf32>,
      %get3A_947 = vector.shape_cast %get3A_946 : vector<1x16xf32> to vector<16xf32>
      %add3A_948 = arith.addf %get3A_943, %get3A_947 : vector<16xf32>
      %swap3A_949 = arith.index_cast %scan3A_58 : i32 to index
      %swap3A_950 = arith.constant 1008 : index
      %swap3A_951 = tpu.vector_load %arg10[%swap3A_949, %swap3A_950] {strides = array<i32>} : memref<32x1024xf32, #tpu.memory_space<vmem>>, vector<1x16xf32>,
      %swap3A_952 = vector.shape_cast %swap3A_951 : vector<1x16xf32> to vector<16xf32>
      %swap3A_953 = vector.shape_cast %add3A_948 : vector<16xf32> to vector<1x16xf32>
      tpu.vector_store %arg10[%swap3A_949, %swap3A_950], %swap3A_953 {strides = array<i32>} : memref<32x1024xf32, #tpu.memory_space<vmem>>, vector<1x16xf32>,
      %scan3A_954 = arith.constant 0 : i32
      scf.yield %scan3A_954 : i32
    }
    %scan3A_26 = arith.constant 32 : i32
    %add3A_27 = arith.constant 0 : i32
    %add3A_28 = arith.addi %mul3A_2, %add3A_27 : i32
    "tpu.region"() ({
      %run_scoped3A = tpu.sem_alloc : memref<!tpu.dma_semaphore, #tpu.memory_space<semaphore_mem>>
      %dma_start3A_58 = arith.constant 0 : i32
      %dma_start3A_59 = tpu.memref_slice %arg5[%add3A_28, %dma_start3A_58] : memref<2048x1024xf32, #tpu.memory_space<hbm>> -> memref<32x1024xf32, #tpu.memory_space<hbm>>
      %dma_start3A_60 = arith.constant 0 : i32
      %dma_start3A_61 = tpu.memref_slice %arg5[%add3A_28, %dma_start3A_60] : memref<2048x1024xf32, #tpu.memory_space<hbm>> -> memref<32x1024xf32, #tpu.memory_space<hbm>>
      tpu.enqueue_dma source(%arg10 : memref<32x1024xf32, #tpu.memory_space<vmem>>) target(%dma_start3A_61 : memref<32x1024xf32, #tpu.memory_space<hbm>>) target_semaphore(%run_scoped3A : memref<!tpu.dma_semaphore, #tpu.memory_space<semaphore_mem>>)
      %dma_wait3A_62 = arith.constant 0 : i32
      %dma_wait3A_63 = tpu.memref_slice %arg5[%add3A_28, %dma_wait3A_62] : memref<2048x1024xf32, #tpu.memory_space<hbm>> -> memref<32x1024xf32, #tpu.memory_space<hbm>>
      %dma_wait3A_64 = arith.constant 0 : i32
      %dma_wait3A_65 = tpu.memref_slice %arg5[%add3A_28, %dma_wait3A_64] : memref<2048x1024xf32, #tpu.memory_space<hbm>> -> memref<32x1024xf32, #tpu.memory_space<hbm>>
      tpu.wait_dma2 semaphore(%run_scoped3A : memref<!tpu.dma_semaphore, #tpu.memory_space<semaphore_mem>>) src(%arg10 : memref<32x1024xf32, #tpu.memory_space<vmem>>) dst(%dma_wait3A_65 : memref<32x1024xf32, #tpu.memory_space<hbm>>)
      tpu.yield
    }) : () -> ()
    %dma_start3A_29 = arith.constant 32 : i32
    %dma_start3A_30 = tpu.memref_slice %arg6[%dma_start3A_29] : memref<64xi32, #tpu.memory_space<vmem>> -> memref<32xi32, #tpu.memory_space<vmem>>
    %dma_start3A_31 = arith.constant 0 : i32
    %dma_start3A_32 = arith.constant 0 : i32
    %dma_start3A_33 = tpu.memref_slice %arg2[%dma_start3A_31, %dma_start3A_32] : memref<8320x1024xf32, #tpu.memory_space<hbm>> -> memref<8320x1024xf32, #tpu.memory_space<hbm>>
    tpu.enqueue_indirect_dma source(%dma_start3A_33 : memref<8320x1024xf32, #tpu.memory_space<hbm>>) target(%arg8 : memref<32x1024xf32, #tpu.memory_space<vmem>>) offsets(%dma_start3A_30 : memref<32xi32, #tpu.memory_space<vmem>>) semaphore(%arg11 : memref<!tpu.dma_semaphore, #tpu.memory_space<semaphore_mem>>)
    %dma_wait3A_34 = arith.constant 32 : i32
    %dma_wait3A_35 = tpu.memref_slice %arg6[%dma_wait3A_34] : memref<64xi32, #tpu.memory_space<vmem>> -> memref<32xi32, #tpu.memory_space<vmem>>
    %dma_wait3A_36 = arith.constant 0 : i32
    %dma_wait3A_37 = arith.constant 0 : i32
    %dma_wait3A_38 = tpu.memref_slice %arg2[%dma_wait3A_36, %dma_wait3A_37] : memref<8320x1024xf32, #tpu.memory_space<hbm>> -> memref<8320x1024xf32, #tpu.memory_space<hbm>>
    tpu.wait_indirect_dma semaphore(%arg11 : memref<!tpu.dma_semaphore, #tpu.memory_space<semaphore_mem>>) src(%dma_wait3A_38 : memref<8320x1024xf32, #tpu.memory_space<hbm>>) dst(%arg8 : memref<32x1024xf32, #tpu.memory_space<vmem>>)
    %dma_start3A_39 = arith.constant 32 : i32
    %dma_start3A_40 = tpu.memref_slice %arg7[%dma_start3A_39] : memref<64xi32, #tpu.memory_space<vmem>> -> memref<32xi32, #tpu.memory_space<vmem>>
    %dma_start3A_41 = arith.constant 0 : i32
    %dma_start3A_42 = arith.constant 0 : i32
    %dma_start3A_43 = tpu.memref_slice %arg2[%dma_start3A_41, %dma_start3A_42] : memref<8320x1024xf32, #tpu.memory_space<hbm>> -> memref<8320x1024xf32, #tpu.memory_space<hbm>>
    tpu.enqueue_indirect_dma source(%dma_start3A_43 : memref<8320x1024xf32, #tpu.memory_space<hbm>>) target(%arg9 : memref<32x1024xf32, #tpu.memory_space<vmem>>) offsets(%dma_start3A_40 : memref<32xi32, #tpu.memory_space<vmem>>) semaphore(%arg11 : memref<!tpu.dma_semaphore, #tpu.memory_space<semaphore_mem>>)
    %dma_wait3A_44 = arith.constant 32 : i32
    %dma_wait3A_45 = tpu.memref_slice %arg7[%dma_wait3A_44] : memref<64xi32, #tpu.memory_space<vmem>> -> memref<32xi32, #tpu.memory_space<vmem>>
    %dma_wait3A_46 = arith.constant 0 : i32
    %dma_wait3A_47 = arith.constant 0 : i32
    %dma_wait3A_48 = tpu.memref_slice %arg2[%dma_wait3A_46, %dma_wait3A_47] : memref<8320x1024xf32, #tpu.memory_space<hbm>> -> memref<8320x1024xf32, #tpu.memory_space<hbm>>
    tpu.wait_indirect_dma semaphore(%arg11 : memref<!tpu.dma_semaphore, #tpu.memory_space<semaphore_mem>>) src(%dma_wait3A_48 : memref<8320x1024xf32, #tpu.memory_space<hbm>>) dst(%arg9 : memref<32x1024xf32, #tpu.memory_space<vmem>>)
    %scan3A_49 = arith.constant 0 : i32
    %scan3A_50 = arith.constant 0 : i32
    %scan3A_51 = arith.constant 32 : i32
    %scan3A_52 = arith.addi %scan3A_50, %scan3A_51 : i32
    %scan3A_53 = arith.constant 1 : i32
    %scan3A_54 = scf.for %scan3A_58 = %scan3A_50 to %scan3A_52 step %scan3A_53 iter_args(%scan3A_59 = %scan3A_49) -> (i32)  : i32 {
      %get3A = arith.index_cast %scan3A_58 : i32 to index
      %get3A_60 = arith.constant 0 : index
      %get3A_61 = tpu.vector_load %arg8[%get3A, %get3A_60] {strides = array<i32>} : memref<32x1024xf32, #tpu.memory_space<vmem>>, vector<1x16xf32>,
      %get3A_62 = vector.shape_cast %get3A_61 : vector<1x16xf32> to vector<16xf32>
      %get3A_63 = arith.index_cast %scan3A_58 : i32 to index
      %get3A_64 = arith.constant 0 : index
      %get3A_65 = tpu.vector_load %arg9[%get3A_63, %get3A_64] {strides = array<i32>} : memref<32x1024xf32, #tpu.memory_space<vmem>>, vector<1x16xf32>,
      %get3A_66 = vector.shape_cast %get3A_65 : vector<1x16xf32> to vector<16xf32>
      %add3A_67 = arith.addf %get3A_62, %get3A_66 : vector<16xf32>
      %swap3A = arith.index_cast %scan3A_58 : i32 to index
      %swap3A_68 = arith.constant 0 : index
      %swap3A_69 = tpu.vector_load %arg10[%swap3A, %swap3A_68] {strides = array<i32>} : memref<32x1024xf32, #tpu.memory_space<vmem>>, vector<1x16xf32>,
      %swap3A_70 = vector.shape_cast %swap3A_69 : vector<1x16xf32> to vector<16xf32>
      %swap3A_71 = vector.shape_cast %add3A_67 : vector<16xf32> to vector<1x16xf32>
      tpu.vector_store %arg10[%swap3A, %swap3A_68], %swap3A_71 {strides = array<i32>} : memref<32x1024xf32, #tpu.memory_space<vmem>>, vector<1x16xf32>,
      %get3A_72 = arith.index_cast %scan3A_58 : i32 to index
      %get3A_73 = arith.constant 16 : index
      %get3A_74 = tpu.vector_load %arg8[%get3A_72, %get3A_73] {strides = array<i32>} : memref<32x1024xf32, #tpu.memory_space<vmem>>, vector<1x16xf32>,
      %get3A_75 = vector.shape_cast %get3A_74 : vector<1x16xf32> to vector<16xf32>
      %get3A_76 = arith.index_cast %scan3A_58 : i32 to index
      %get3A_77 = arith.constant 16 : index
      %get3A_78 = tpu.vector_load %arg9[%get3A_76, %get3A_77] {strides = array<i32>} : memref<32x1024xf32, #tpu.memory_space<vmem>>, vector<1x16xf32>,
      %get3A_79 = vector.shape_cast %get3A_78 : vector<1x16xf32> to vector<16xf32>
      %add3A_80 = arith.addf %get3A_75, %get3A_79 : vector<16xf32>
      %swap3A_81 = arith.index_cast %scan3A_58 : i32 to index
      %swap3A_82 = arith.constant 16 : index
      %swap3A_83 = tpu.vector_load %arg10[%swap3A_81, %swap3A_82] {strides = array<i32>} : memref<32x1024xf32, #tpu.memory_space<vmem>>, vector<1x16xf32>,
      %swap3A_84 = vector.shape_cast %swap3A_83 : vector<1x16xf32> to vector<16xf32>
      %swap3A_85 = vector.shape_cast %add3A_80 : vector<16xf32> to vector<1x16xf32>
      tpu.vector_store %arg10[%swap3A_81, %swap3A_82], %swap3A_85 {strides = array<i32>} : memref<32x1024xf32, #tpu.memory_space<vmem>>, vector<1x16xf32>,
      %get3A_86 = arith.index_cast %scan3A_58 : i32 to index
      %get3A_87 = arith.constant 32 : index
      %get3A_88 = tpu.vector_load %arg8[%get3A_86, %get3A_87] {strides = array<i32>} : memref<32x1024xf32, #tpu.memory_space<vmem>>, vector<1x16xf32>,
      %get3A_89 = vector.shape_cast %get3A_88 : vector<1x16xf32> to vector<16xf32>
      %get3A_90 = arith.index_cast %scan3A_58 : i32 to index
      %get3A_91 = arith.constant 32 : index
      %get3A_92 = tpu.vector_load %arg9[%get3A_90, %get3A_91] {strides = array<i32>} : memref<32x1024xf32, #tpu.memory_space<vmem>>, vector<1x16xf32>,
      %get3A_93 = vector.shape_cast %get3A_92 : vector<1x16xf32> to vector<16xf32>
      %add3A_94 = arith.addf %get3A_89, %get3A_93 : vector<16xf32>
      %swap3A_95 = arith.index_cast %scan3A_58 : i32 to index
      %swap3A_96 = arith.constant 32 : index
      %swap3A_97 = tpu.vector_load %arg10[%swap3A_95, %swap3A_96] {strides = array<i32>} : memref<32x1024xf32, #tpu.memory_space<vmem>>, vector<1x16xf32>,
      %swap3A_98 = vector.shape_cast %swap3A_97 : vector<1x16xf32> to vector<16xf32>
      %swap3A_99 = vector.shape_cast %add3A_94 : vector<16xf32> to vector<1x16xf32>
      tpu.vector_store %arg10[%swap3A_95, %swap3A_96], %swap3A_99 {strides = array<i32>} : memref<32x1024xf32, #tpu.memory_space<vmem>>, vector<1x16xf32>,
      %get3A_100 = arith.index_cast %scan3A_58 : i32 to index
      %get3A_101 = arith.constant 48 : index
      %get3A_102 = tpu.vector_load %arg8[%get3A_100, %get3A_101] {strides = array<i32>} : memref<32x1024xf32, #tpu.memory_space<vmem>>, vector<1x16xf32>,
      %get3A_103 = vector.shape_cast %get3A_102 : vector<1x16xf32> to vector<16xf32>
      %get3A_104 = arith.index_cast %scan3A_58 : i32 to index
      %get3A_105 = arith.constant 48 : index
      %get3A_106 = tpu.vector_load %arg9[%get3A_104, %get3A_105] {strides = array<i32>} : memref<32x1024xf32, #tpu.memory_space<vmem>>, vector<1x16xf32>,
      %get3A_107 = vector.shape_cast %get3A_106 : vector<1x16xf32> to vector<16xf32>
      %add3A_108 = arith.addf %get3A_103, %get3A_107 : vector<16xf32>
      %swap3A_109 = arith.index_cast %scan3A_58 : i32 to index
      %swap3A_110 = arith.constant 48 : index
      %swap3A_111 = tpu.vector_load %arg10[%swap3A_109, %swap3A_110] {strides = array<i32>} : memref<32x1024xf32, #tpu.memory_space<vmem>>, vector<1x16xf32>,
      %swap3A_112 = vector.shape_cast %swap3A_111 : vector<1x16xf32> to vector<16xf32>
      %swap3A_113 = vector.shape_cast %add3A_108 : vector<16xf32> to vector<1x16xf32>
      tpu.vector_store %arg10[%swap3A_109, %swap3A_110], %swap3A_113 {strides = array<i32>} : memref<32x1024xf32, #tpu.memory_space<vmem>>, vector<1x16xf32>,
      %get3A_114 = arith.index_cast %scan3A_58 : i32 to index
      %get3A_115 = arith.constant 64 : index
      %get3A_116 = tpu.vector_load %arg8[%get3A_114, %get3A_115] {strides = array<i32>} : memref<32x1024xf32, #tpu.memory_space<vmem>>, vector<1x16xf32>,
      %get3A_117 = vector.shape_cast %get3A_116 : vector<1x16xf32> to vector<16xf32>
      %get3A_118 = arith.index_cast %scan3A_58 : i32 to index
      %get3A_119 = arith.constant 64 : index
      %get3A_120 = tpu.vector_load %arg9[%get3A_118, %get3A_119] {strides = array<i32>} : memref<32x1024xf32, #tpu.memory_space<vmem>>, vector<1x16xf32>,
      %get3A_121 = vector.shape_cast %get3A_120 : vector<1x16xf32> to vector<16xf32>
      %add3A_122 = arith.addf %get3A_117, %get3A_121 : vector<16xf32>
      %swap3A_123 = arith.index_cast %scan3A_58 : i32 to index
      %swap3A_124 = arith.constant 64 : index
      %swap3A_125 = tpu.vector_load %arg10[%swap3A_123, %swap3A_124] {strides = array<i32>} : memref<32x1024xf32, #tpu.memory_space<vmem>>, vector<1x16xf32>,
      %swap3A_126 = vector.shape_cast %swap3A_125 : vector<1x16xf32> to vector<16xf32>
      %swap3A_127 = vector.shape_cast %add3A_122 : vector<16xf32> to vector<1x16xf32>
      tpu.vector_store %arg10[%swap3A_123, %swap3A_124], %swap3A_127 {strides = array<i32>} : memref<32x1024xf32, #tpu.memory_space<vmem>>, vector<1x16xf32>,
      %get3A_128 = arith.index_cast %scan3A_58 : i32 to index
      %get3A_129 = arith.constant 80 : index
      %get3A_130 = tpu.vector_load %arg8[%get3A_128, %get3A_129] {strides = array<i32>} : memref<32x1024xf32, #tpu.memory_space<vmem>>, vector<1x16xf32>,
      %get3A_131 = vector.shape_cast %get3A_130 : vector<1x16xf32> to vector<16xf32>
      %get3A_132 = arith.index_cast %scan3A_58 : i32 to index
      %get3A_133 = arith.constant 80 : index
      %get3A_134 = tpu.vector_load %arg9[%get3A_132, %get3A_133] {strides = array<i32>} : memref<32x1024xf32, #tpu.memory_space<vmem>>, vector<1x16xf32>,
      %get3A_135 = vector.shape_cast %get3A_134 : vector<1x16xf32> to vector<16xf32>
      %add3A_136 = arith.addf %get3A_131, %get3A_135 : vector<16xf32>
      %swap3A_137 = arith.index_cast %scan3A_58 : i32 to index
      %swap3A_138 = arith.constant 80 : index
      %swap3A_139 = tpu.vector_load %arg10[%swap3A_137, %swap3A_138] {strides = array<i32>} : memref<32x1024xf32, #tpu.memory_space<vmem>>, vector<1x16xf32>,
      %swap3A_140 = vector.shape_cast %swap3A_139 : vector<1x16xf32> to vector<16xf32>
      %swap3A_141 = vector.shape_cast %add3A_136 : vector<16xf32> to vector<1x16xf32>
      tpu.vector_store %arg10[%swap3A_137, %swap3A_138], %swap3A_141 {strides = array<i32>} : memref<32x1024xf32, #tpu.memory_space<vmem>>, vector<1x16xf32>,
      %get3A_142 = arith.index_cast %scan3A_58 : i32 to index
      %get3A_143 = arith.constant 96 : index
      %get3A_144 = tpu.vector_load %arg8[%get3A_142, %get3A_143] {strides = array<i32>} : memref<32x1024xf32, #tpu.memory_space<vmem>>, vector<1x16xf32>,
      %get3A_145 = vector.shape_cast %get3A_144 : vector<1x16xf32> to vector<16xf32>
      %get3A_146 = arith.index_cast %scan3A_58 : i32 to index
      %get3A_147 = arith.constant 96 : index
      %get3A_148 = tpu.vector_load %arg9[%get3A_146, %get3A_147] {strides = array<i32>} : memref<32x1024xf32, #tpu.memory_space<vmem>>, vector<1x16xf32>,
      %get3A_149 = vector.shape_cast %get3A_148 : vector<1x16xf32> to vector<16xf32>
      %add3A_150 = arith.addf %get3A_145, %get3A_149 : vector<16xf32>
      %swap3A_151 = arith.index_cast %scan3A_58 : i32 to index
      %swap3A_152 = arith.constant 96 : index
      %swap3A_153 = tpu.vector_load %arg10[%swap3A_151, %swap3A_152] {strides = array<i32>} : memref<32x1024xf32, #tpu.memory_space<vmem>>, vector<1x16xf32>,
      %swap3A_154 = vector.shape_cast %swap3A_153 : vector<1x16xf32> to vector<16xf32>
      %swap3A_155 = vector.shape_cast %add3A_150 : vector<16xf32> to vector<1x16xf32>
      tpu.vector_store %arg10[%swap3A_151, %swap3A_152], %swap3A_155 {strides = array<i32>} : memref<32x1024xf32, #tpu.memory_space<vmem>>, vector<1x16xf32>,
      %get3A_156 = arith.index_cast %scan3A_58 : i32 to index
      %get3A_157 = arith.constant 112 : index
      %get3A_158 = tpu.vector_load %arg8[%get3A_156, %get3A_157] {strides = array<i32>} : memref<32x1024xf32, #tpu.memory_space<vmem>>, vector<1x16xf32>,
      %get3A_159 = vector.shape_cast %get3A_158 : vector<1x16xf32> to vector<16xf32>
      %get3A_160 = arith.index_cast %scan3A_58 : i32 to index
      %get3A_161 = arith.constant 112 : index
      %get3A_162 = tpu.vector_load %arg9[%get3A_160, %get3A_161] {strides = array<i32>} : memref<32x1024xf32, #tpu.memory_space<vmem>>, vector<1x16xf32>,
      %get3A_163 = vector.shape_cast %get3A_162 : vector<1x16xf32> to vector<16xf32>
      %add3A_164 = arith.addf %get3A_159, %get3A_163 : vector<16xf32>
      %swap3A_165 = arith.index_cast %scan3A_58 : i32 to index
      %swap3A_166 = arith.constant 112 : index
      %swap3A_167 = tpu.vector_load %arg10[%swap3A_165, %swap3A_166] {strides = array<i32>} : memref<32x1024xf32, #tpu.memory_space<vmem>>, vector<1x16xf32>,
      %swap3A_168 = vector.shape_cast %swap3A_167 : vector<1x16xf32> to vector<16xf32>
      %swap3A_169 = vector.shape_cast %add3A_164 : vector<16xf32> to vector<1x16xf32>
      tpu.vector_store %arg10[%swap3A_165, %swap3A_166], %swap3A_169 {strides = array<i32>} : memref<32x1024xf32, #tpu.memory_space<vmem>>, vector<1x16xf32>,
      %get3A_170 = arith.index_cast %scan3A_58 : i32 to index
      %get3A_171 = arith.constant 128 : index
      %get3A_172 = tpu.vector_load %arg8[%get3A_170, %get3A_171] {strides = array<i32>} : memref<32x1024xf32, #tpu.memory_space<vmem>>, vector<1x16xf32>,
      %get3A_173 = vector.shape_cast %get3A_172 : vector<1x16xf32> to vector<16xf32>
      %get3A_174 = arith.index_cast %scan3A_58 : i32 to index
      %get3A_175 = arith.constant 128 : index
      %get3A_176 = tpu.vector_load %arg9[%get3A_174, %get3A_175] {strides = array<i32>} : memref<32x1024xf32, #tpu.memory_space<vmem>>, vector<1x16xf32>,
      %get3A_177 = vector.shape_cast %get3A_176 : vector<1x16xf32> to vector<16xf32>
      %add3A_178 = arith.addf %get3A_173, %get3A_177 : vector<16xf32>
      %swap3A_179 = arith.index_cast %scan3A_58 : i32 to index
      %swap3A_180 = arith.constant 128 : index
      %swap3A_181 = tpu.vector_load %arg10[%swap3A_179, %swap3A_180] {strides = array<i32>} : memref<32x1024xf32, #tpu.memory_space<vmem>>, vector<1x16xf32>,
      %swap3A_182 = vector.shape_cast %swap3A_181 : vector<1x16xf32> to vector<16xf32>
      %swap3A_183 = vector.shape_cast %add3A_178 : vector<16xf32> to vector<1x16xf32>
      tpu.vector_store %arg10[%swap3A_179, %swap3A_180], %swap3A_183 {strides = array<i32>} : memref<32x1024xf32, #tpu.memory_space<vmem>>, vector<1x16xf32>,
      %get3A_184 = arith.index_cast %scan3A_58 : i32 to index
      %get3A_185 = arith.constant 144 : index
      %get3A_186 = tpu.vector_load %arg8[%get3A_184, %get3A_185] {strides = array<i32>} : memref<32x1024xf32, #tpu.memory_space<vmem>>, vector<1x16xf32>,
      %get3A_187 = vector.shape_cast %get3A_186 : vector<1x16xf32> to vector<16xf32>
      %get3A_188 = arith.index_cast %scan3A_58 : i32 to index
      %get3A_189 = arith.constant 144 : index
      %get3A_190 = tpu.vector_load %arg9[%get3A_188, %get3A_189] {strides = array<i32>} : memref<32x1024xf32, #tpu.memory_space<vmem>>, vector<1x16xf32>,
      %get3A_191 = vector.shape_cast %get3A_190 : vector<1x16xf32> to vector<16xf32>
      %add3A_192 = arith.addf %get3A_187, %get3A_191 : vector<16xf32>
      %swap3A_193 = arith.index_cast %scan3A_58 : i32 to index
      %swap3A_194 = arith.constant 144 : index
      %swap3A_195 = tpu.vector_load %arg10[%swap3A_193, %swap3A_194] {strides = array<i32>} : memref<32x1024xf32, #tpu.memory_space<vmem>>, vector<1x16xf32>,
      %swap3A_196 = vector.shape_cast %swap3A_195 : vector<1x16xf32> to vector<16xf32>
      %swap3A_197 = vector.shape_cast %add3A_192 : vector<16xf32> to vector<1x16xf32>
      tpu.vector_store %arg10[%swap3A_193, %swap3A_194], %swap3A_197 {strides = array<i32>} : memref<32x1024xf32, #tpu.memory_space<vmem>>, vector<1x16xf32>,
      %get3A_198 = arith.index_cast %scan3A_58 : i32 to index
      %get3A_199 = arith.constant 160 : index
      %get3A_200 = tpu.vector_load %arg8[%get3A_198, %get3A_199] {strides = array<i32>} : memref<32x1024xf32, #tpu.memory_space<vmem>>, vector<1x16xf32>,
      %get3A_201 = vector.shape_cast %get3A_200 : vector<1x16xf32> to vector<16xf32>
      %get3A_202 = arith.index_cast %scan3A_58 : i32 to index
      %get3A_203 = arith.constant 160 : index
      %get3A_204 = tpu.vector_load %arg9[%get3A_202, %get3A_203] {strides = array<i32>} : memref<32x1024xf32, #tpu.memory_space<vmem>>, vector<1x16xf32>,
      %get3A_205 = vector.shape_cast %get3A_204 : vector<1x16xf32> to vector<16xf32>
      %add3A_206 = arith.addf %get3A_201, %get3A_205 : vector<16xf32>
      %swap3A_207 = arith.index_cast %scan3A_58 : i32 to index
      %swap3A_208 = arith.constant 160 : index
      %swap3A_209 = tpu.vector_load %arg10[%swap3A_207, %swap3A_208] {strides = array<i32>} : memref<32x1024xf32, #tpu.memory_space<vmem>>, vector<1x16xf32>,
      %swap3A_210 = vector.shape_cast %swap3A_209 : vector<1x16xf32> to vector<16xf32>
      %swap3A_211 = vector.shape_cast %add3A_206 : vector<16xf32> to vector<1x16xf32>
      tpu.vector_store %arg10[%swap3A_207, %swap3A_208], %swap3A_211 {strides = array<i32>} : memref<32x1024xf32, #tpu.memory_space<vmem>>, vector<1x16xf32>,
      %get3A_212 = arith.index_cast %scan3A_58 : i32 to index
      %get3A_213 = arith.constant 176 : index
      %get3A_214 = tpu.vector_load %arg8[%get3A_212, %get3A_213] {strides = array<i32>} : memref<32x1024xf32, #tpu.memory_space<vmem>>, vector<1x16xf32>,
      %get3A_215 = vector.shape_cast %get3A_214 : vector<1x16xf32> to vector<16xf32>
      %get3A_216 = arith.index_cast %scan3A_58 : i32 to index
      %get3A_217 = arith.constant 176 : index
      %get3A_218 = tpu.vector_load %arg9[%get3A_216, %get3A_217] {strides = array<i32>} : memref<32x1024xf32, #tpu.memory_space<vmem>>, vector<1x16xf32>,
      %get3A_219 = vector.shape_cast %get3A_218 : vector<1x16xf32> to vector<16xf32>
      %add3A_220 = arith.addf %get3A_215, %get3A_219 : vector<16xf32>
      %swap3A_221 = arith.index_cast %scan3A_58 : i32 to index
      %swap3A_222 = arith.constant 176 : index
      %swap3A_223 = tpu.vector_load %arg10[%swap3A_221, %swap3A_222] {strides = array<i32>} : memref<32x1024xf32, #tpu.memory_space<vmem>>, vector<1x16xf32>,
      %swap3A_224 = vector.shape_cast %swap3A_223 : vector<1x16xf32> to vector<16xf32>
      %swap3A_225 = vector.shape_cast %add3A_220 : vector<16xf32> to vector<1x16xf32>
      tpu.vector_store %arg10[%swap3A_221, %swap3A_222], %swap3A_225 {strides = array<i32>} : memref<32x1024xf32, #tpu.memory_space<vmem>>, vector<1x16xf32>,
      %get3A_226 = arith.index_cast %scan3A_58 : i32 to index
      %get3A_227 = arith.constant 192 : index
      %get3A_228 = tpu.vector_load %arg8[%get3A_226, %get3A_227] {strides = array<i32>} : memref<32x1024xf32, #tpu.memory_space<vmem>>, vector<1x16xf32>,
      %get3A_229 = vector.shape_cast %get3A_228 : vector<1x16xf32> to vector<16xf32>
      %get3A_230 = arith.index_cast %scan3A_58 : i32 to index
      %get3A_231 = arith.constant 192 : index
      %get3A_232 = tpu.vector_load %arg9[%get3A_230, %get3A_231] {strides = array<i32>} : memref<32x1024xf32, #tpu.memory_space<vmem>>, vector<1x16xf32>,
      %get3A_233 = vector.shape_cast %get3A_232 : vector<1x16xf32> to vector<16xf32>
      %add3A_234 = arith.addf %get3A_229, %get3A_233 : vector<16xf32>
      %swap3A_235 = arith.index_cast %scan3A_58 : i32 to index
      %swap3A_236 = arith.constant 192 : index
      %swap3A_237 = tpu.vector_load %arg10[%swap3A_235, %swap3A_236] {strides = array<i32>} : memref<32x1024xf32, #tpu.memory_space<vmem>>, vector<1x16xf32>,
      %swap3A_238 = vector.shape_cast %swap3A_237 : vector<1x16xf32> to vector<16xf32>
      %swap3A_239 = vector.shape_cast %add3A_234 : vector<16xf32> to vector<1x16xf32>
      tpu.vector_store %arg10[%swap3A_235, %swap3A_236], %swap3A_239 {strides = array<i32>} : memref<32x1024xf32, #tpu.memory_space<vmem>>, vector<1x16xf32>,
      %get3A_240 = arith.index_cast %scan3A_58 : i32 to index
      %get3A_241 = arith.constant 208 : index
      %get3A_242 = tpu.vector_load %arg8[%get3A_240, %get3A_241] {strides = array<i32>} : memref<32x1024xf32, #tpu.memory_space<vmem>>, vector<1x16xf32>,
      %get3A_243 = vector.shape_cast %get3A_242 : vector<1x16xf32> to vector<16xf32>
      %get3A_244 = arith.index_cast %scan3A_58 : i32 to index
      %get3A_245 = arith.constant 208 : index
      %get3A_246 = tpu.vector_load %arg9[%get3A_244, %get3A_245] {strides = array<i32>} : memref<32x1024xf32, #tpu.memory_space<vmem>>, vector<1x16xf32>,
      %get3A_247 = vector.shape_cast %get3A_246 : vector<1x16xf32> to vector<16xf32>
      %add3A_248 = arith.addf %get3A_243, %get3A_247 : vector<16xf32>
      %swap3A_249 = arith.index_cast %scan3A_58 : i32 to index
      %swap3A_250 = arith.constant 208 : index
      %swap3A_251 = tpu.vector_load %arg10[%swap3A_249, %swap3A_250] {strides = array<i32>} : memref<32x1024xf32, #tpu.memory_space<vmem>>, vector<1x16xf32>,
      %swap3A_252 = vector.shape_cast %swap3A_251 : vector<1x16xf32> to vector<16xf32>
      %swap3A_253 = vector.shape_cast %add3A_248 : vector<16xf32> to vector<1x16xf32>
      tpu.vector_store %arg10[%swap3A_249, %swap3A_250], %swap3A_253 {strides = array<i32>} : memref<32x1024xf32, #tpu.memory_space<vmem>>, vector<1x16xf32>,
      %get3A_254 = arith.index_cast %scan3A_58 : i32 to index
      %get3A_255 = arith.constant 224 : index
      %get3A_256 = tpu.vector_load %arg8[%get3A_254, %get3A_255] {strides = array<i32>} : memref<32x1024xf32, #tpu.memory_space<vmem>>, vector<1x16xf32>,
      %get3A_257 = vector.shape_cast %get3A_256 : vector<1x16xf32> to vector<16xf32>
      %get3A_258 = arith.index_cast %scan3A_58 : i32 to index
      %get3A_259 = arith.constant 224 : index
      %get3A_260 = tpu.vector_load %arg9[%get3A_258, %get3A_259] {strides = array<i32>} : memref<32x1024xf32, #tpu.memory_space<vmem>>, vector<1x16xf32>,
      %get3A_261 = vector.shape_cast %get3A_260 : vector<1x16xf32> to vector<16xf32>
      %add3A_262 = arith.addf %get3A_257, %get3A_261 : vector<16xf32>
      %swap3A_263 = arith.index_cast %scan3A_58 : i32 to index
      %swap3A_264 = arith.constant 224 : index
      %swap3A_265 = tpu.vector_load %arg10[%swap3A_263, %swap3A_264] {strides = array<i32>} : memref<32x1024xf32, #tpu.memory_space<vmem>>, vector<1x16xf32>,
      %swap3A_266 = vector.shape_cast %swap3A_265 : vector<1x16xf32> to vector<16xf32>
      %swap3A_267 = vector.shape_cast %add3A_262 : vector<16xf32> to vector<1x16xf32>
      tpu.vector_store %arg10[%swap3A_263, %swap3A_264], %swap3A_267 {strides = array<i32>} : memref<32x1024xf32, #tpu.memory_space<vmem>>, vector<1x16xf32>,
      %get3A_268 = arith.index_cast %scan3A_58 : i32 to index
      %get3A_269 = arith.constant 240 : index
      %get3A_270 = tpu.vector_load %arg8[%get3A_268, %get3A_269] {strides = array<i32>} : memref<32x1024xf32, #tpu.memory_space<vmem>>, vector<1x16xf32>,
      %get3A_271 = vector.shape_cast %get3A_270 : vector<1x16xf32> to vector<16xf32>
      %get3A_272 = arith.index_cast %scan3A_58 : i32 to index
      %get3A_273 = arith.constant 240 : index
      %get3A_274 = tpu.vector_load %arg9[%get3A_272, %get3A_273] {strides = array<i32>} : memref<32x1024xf32, #tpu.memory_space<vmem>>, vector<1x16xf32>,
      %get3A_275 = vector.shape_cast %get3A_274 : vector<1x16xf32> to vector<16xf32>
      %add3A_276 = arith.addf %get3A_271, %get3A_275 : vector<16xf32>
      %swap3A_277 = arith.index_cast %scan3A_58 : i32 to index
      %swap3A_278 = arith.constant 240 : index
      %swap3A_279 = tpu.vector_load %arg10[%swap3A_277, %swap3A_278] {strides = array<i32>} : memref<32x1024xf32, #tpu.memory_space<vmem>>, vector<1x16xf32>,
      %swap3A_280 = vector.shape_cast %swap3A_279 : vector<1x16xf32> to vector<16xf32>
      %swap3A_281 = vector.shape_cast %add3A_276 : vector<16xf32> to vector<1x16xf32>
      tpu.vector_store %arg10[%swap3A_277, %swap3A_278], %swap3A_281 {strides = array<i32>} : memref<32x1024xf32, #tpu.memory_space<vmem>>, vector<1x16xf32>,
      %get3A_282 = arith.index_cast %scan3A_58 : i32 to index
      %get3A_283 = arith.constant 256 : index
      %get3A_284 = tpu.vector_load %arg8[%get3A_282, %get3A_283] {strides = array<i32>} : memref<32x1024xf32, #tpu.memory_space<vmem>>, vector<1x16xf32>,
      %get3A_285 = vector.shape_cast %get3A_284 : vector<1x16xf32> to vector<16xf32>
      %get3A_286 = arith.index_cast %scan3A_58 : i32 to index
      %get3A_287 = arith.constant 256 : index
      %get3A_288 = tpu.vector_load %arg9[%get3A_286, %get3A_287] {strides = array<i32>} : memref<32x1024xf32, #tpu.memory_space<vmem>>, vector<1x16xf32>,
      %get3A_289 = vector.shape_cast %get3A_288 : vector<1x16xf32> to vector<16xf32>
      %add3A_290 = arith.addf %get3A_285, %get3A_289 : vector<16xf32>
      %swap3A_291 = arith.index_cast %scan3A_58 : i32 to index
      %swap3A_292 = arith.constant 256 : index
      %swap3A_293 = tpu.vector_load %arg10[%swap3A_291, %swap3A_292] {strides = array<i32>} : memref<32x1024xf32, #tpu.memory_space<vmem>>, vector<1x16xf32>,
      %swap3A_294 = vector.shape_cast %swap3A_293 : vector<1x16xf32> to vector<16xf32>
      %swap3A_295 = vector.shape_cast %add3A_290 : vector<16xf32> to vector<1x16xf32>
      tpu.vector_store %arg10[%swap3A_291, %swap3A_292], %swap3A_295 {strides = array<i32>} : memref<32x1024xf32, #tpu.memory_space<vmem>>, vector<1x16xf32>,
      %get3A_296 = arith.index_cast %scan3A_58 : i32 to index
      %get3A_297 = arith.constant 272 : index
      %get3A_298 = tpu.vector_load %arg8[%get3A_296, %get3A_297] {strides = array<i32>} : memref<32x1024xf32, #tpu.memory_space<vmem>>, vector<1x16xf32>,
      %get3A_299 = vector.shape_cast %get3A_298 : vector<1x16xf32> to vector<16xf32>
      %get3A_300 = arith.index_cast %scan3A_58 : i32 to index
      %get3A_301 = arith.constant 272 : index
      %get3A_302 = tpu.vector_load %arg9[%get3A_300, %get3A_301] {strides = array<i32>} : memref<32x1024xf32, #tpu.memory_space<vmem>>, vector<1x16xf32>,
      %get3A_303 = vector.shape_cast %get3A_302 : vector<1x16xf32> to vector<16xf32>
      %add3A_304 = arith.addf %get3A_299, %get3A_303 : vector<16xf32>
      %swap3A_305 = arith.index_cast %scan3A_58 : i32 to index
      %swap3A_306 = arith.constant 272 : index
      %swap3A_307 = tpu.vector_load %arg10[%swap3A_305, %swap3A_306] {strides = array<i32>} : memref<32x1024xf32, #tpu.memory_space<vmem>>, vector<1x16xf32>,
      %swap3A_308 = vector.shape_cast %swap3A_307 : vector<1x16xf32> to vector<16xf32>
      %swap3A_309 = vector.shape_cast %add3A_304 : vector<16xf32> to vector<1x16xf32>
      tpu.vector_store %arg10[%swap3A_305, %swap3A_306], %swap3A_309 {strides = array<i32>} : memref<32x1024xf32, #tpu.memory_space<vmem>>, vector<1x16xf32>,
      %get3A_310 = arith.index_cast %scan3A_58 : i32 to index
      %get3A_311 = arith.constant 288 : index
      %get3A_312 = tpu.vector_load %arg8[%get3A_310, %get3A_311] {strides = array<i32>} : memref<32x1024xf32, #tpu.memory_space<vmem>>, vector<1x16xf32>,
      %get3A_313 = vector.shape_cast %get3A_312 : vector<1x16xf32> to vector<16xf32>
      %get3A_314 = arith.index_cast %scan3A_58 : i32 to index
      %get3A_315 = arith.constant 288 : index
      %get3A_316 = tpu.vector_load %arg9[%get3A_314, %get3A_315] {strides = array<i32>} : memref<32x1024xf32, #tpu.memory_space<vmem>>, vector<1x16xf32>,
      %get3A_317 = vector.shape_cast %get3A_316 : vector<1x16xf32> to vector<16xf32>
      %add3A_318 = arith.addf %get3A_313, %get3A_317 : vector<16xf32>
      %swap3A_319 = arith.index_cast %scan3A_58 : i32 to index
      %swap3A_320 = arith.constant 288 : index
      %swap3A_321 = tpu.vector_load %arg10[%swap3A_319, %swap3A_320] {strides = array<i32>} : memref<32x1024xf32, #tpu.memory_space<vmem>>, vector<1x16xf32>,
      %swap3A_322 = vector.shape_cast %swap3A_321 : vector<1x16xf32> to vector<16xf32>
      %swap3A_323 = vector.shape_cast %add3A_318 : vector<16xf32> to vector<1x16xf32>
      tpu.vector_store %arg10[%swap3A_319, %swap3A_320], %swap3A_323 {strides = array<i32>} : memref<32x1024xf32, #tpu.memory_space<vmem>>, vector<1x16xf32>,
      %get3A_324 = arith.index_cast %scan3A_58 : i32 to index
      %get3A_325 = arith.constant 304 : index
      %get3A_326 = tpu.vector_load %arg8[%get3A_324, %get3A_325] {strides = array<i32>} : memref<32x1024xf32, #tpu.memory_space<vmem>>, vector<1x16xf32>,
      %get3A_327 = vector.shape_cast %get3A_326 : vector<1x16xf32> to vector<16xf32>
      %get3A_328 = arith.index_cast %scan3A_58 : i32 to index
      %get3A_329 = arith.constant 304 : index
      %get3A_330 = tpu.vector_load %arg9[%get3A_328, %get3A_329] {strides = array<i32>} : memref<32x1024xf32, #tpu.memory_space<vmem>>, vector<1x16xf32>,
      %get3A_331 = vector.shape_cast %get3A_330 : vector<1x16xf32> to vector<16xf32>
      %add3A_332 = arith.addf %get3A_327, %get3A_331 : vector<16xf32>
      %swap3A_333 = arith.index_cast %scan3A_58 : i32 to index
      %swap3A_334 = arith.constant 304 : index
      %swap3A_335 = tpu.vector_load %arg10[%swap3A_333, %swap3A_334] {strides = array<i32>} : memref<32x1024xf32, #tpu.memory_space<vmem>>, vector<1x16xf32>,
      %swap3A_336 = vector.shape_cast %swap3A_335 : vector<1x16xf32> to vector<16xf32>
      %swap3A_337 = vector.shape_cast %add3A_332 : vector<16xf32> to vector<1x16xf32>
      tpu.vector_store %arg10[%swap3A_333, %swap3A_334], %swap3A_337 {strides = array<i32>} : memref<32x1024xf32, #tpu.memory_space<vmem>>, vector<1x16xf32>,
      %get3A_338 = arith.index_cast %scan3A_58 : i32 to index
      %get3A_339 = arith.constant 320 : index
      %get3A_340 = tpu.vector_load %arg8[%get3A_338, %get3A_339] {strides = array<i32>} : memref<32x1024xf32, #tpu.memory_space<vmem>>, vector<1x16xf32>,
      %get3A_341 = vector.shape_cast %get3A_340 : vector<1x16xf32> to vector<16xf32>
      %get3A_342 = arith.index_cast %scan3A_58 : i32 to index
      %get3A_343 = arith.constant 320 : index
      %get3A_344 = tpu.vector_load %arg9[%get3A_342, %get3A_343] {strides = array<i32>} : memref<32x1024xf32, #tpu.memory_space<vmem>>, vector<1x16xf32>,
      %get3A_345 = vector.shape_cast %get3A_344 : vector<1x16xf32> to vector<16xf32>
      %add3A_346 = arith.addf %get3A_341, %get3A_345 : vector<16xf32>
      %swap3A_347 = arith.index_cast %scan3A_58 : i32 to index
      %swap3A_348 = arith.constant 320 : index
      %swap3A_349 = tpu.vector_load %arg10[%swap3A_347, %swap3A_348] {strides = array<i32>} : memref<32x1024xf32, #tpu.memory_space<vmem>>, vector<1x16xf32>,
      %swap3A_350 = vector.shape_cast %swap3A_349 : vector<1x16xf32> to vector<16xf32>
      %swap3A_351 = vector.shape_cast %add3A_346 : vector<16xf32> to vector<1x16xf32>
      tpu.vector_store %arg10[%swap3A_347, %swap3A_348], %swap3A_351 {strides = array<i32>} : memref<32x1024xf32, #tpu.memory_space<vmem>>, vector<1x16xf32>,
      %get3A_352 = arith.index_cast %scan3A_58 : i32 to index
      %get3A_353 = arith.constant 336 : index
      %get3A_354 = tpu.vector_load %arg8[%get3A_352, %get3A_353] {strides = array<i32>} : memref<32x1024xf32, #tpu.memory_space<vmem>>, vector<1x16xf32>,
      %get3A_355 = vector.shape_cast %get3A_354 : vector<1x16xf32> to vector<16xf32>
      %get3A_356 = arith.index_cast %scan3A_58 : i32 to index
      %get3A_357 = arith.constant 336 : index
      %get3A_358 = tpu.vector_load %arg9[%get3A_356, %get3A_357] {strides = array<i32>} : memref<32x1024xf32, #tpu.memory_space<vmem>>, vector<1x16xf32>,
      %get3A_359 = vector.shape_cast %get3A_358 : vector<1x16xf32> to vector<16xf32>
      %add3A_360 = arith.addf %get3A_355, %get3A_359 : vector<16xf32>
      %swap3A_361 = arith.index_cast %scan3A_58 : i32 to index
      %swap3A_362 = arith.constant 336 : index
      %swap3A_363 = tpu.vector_load %arg10[%swap3A_361, %swap3A_362] {strides = array<i32>} : memref<32x1024xf32, #tpu.memory_space<vmem>>, vector<1x16xf32>,
      %swap3A_364 = vector.shape_cast %swap3A_363 : vector<1x16xf32> to vector<16xf32>
      %swap3A_365 = vector.shape_cast %add3A_360 : vector<16xf32> to vector<1x16xf32>
      tpu.vector_store %arg10[%swap3A_361, %swap3A_362], %swap3A_365 {strides = array<i32>} : memref<32x1024xf32, #tpu.memory_space<vmem>>, vector<1x16xf32>,
      %get3A_366 = arith.index_cast %scan3A_58 : i32 to index
      %get3A_367 = arith.constant 352 : index
      %get3A_368 = tpu.vector_load %arg8[%get3A_366, %get3A_367] {strides = array<i32>} : memref<32x1024xf32, #tpu.memory_space<vmem>>, vector<1x16xf32>,
      %get3A_369 = vector.shape_cast %get3A_368 : vector<1x16xf32> to vector<16xf32>
      %get3A_370 = arith.index_cast %scan3A_58 : i32 to index
      %get3A_371 = arith.constant 352 : index
      %get3A_372 = tpu.vector_load %arg9[%get3A_370, %get3A_371] {strides = array<i32>} : memref<32x1024xf32, #tpu.memory_space<vmem>>, vector<1x16xf32>,
      %get3A_373 = vector.shape_cast %get3A_372 : vector<1x16xf32> to vector<16xf32>
      %add3A_374 = arith.addf %get3A_369, %get3A_373 : vector<16xf32>
      %swap3A_375 = arith.index_cast %scan3A_58 : i32 to index
      %swap3A_376 = arith.constant 352 : index
      %swap3A_377 = tpu.vector_load %arg10[%swap3A_375, %swap3A_376] {strides = array<i32>} : memref<32x1024xf32, #tpu.memory_space<vmem>>, vector<1x16xf32>,
      %swap3A_378 = vector.shape_cast %swap3A_377 : vector<1x16xf32> to vector<16xf32>
      %swap3A_379 = vector.shape_cast %add3A_374 : vector<16xf32> to vector<1x16xf32>
      tpu.vector_store %arg10[%swap3A_375, %swap3A_376], %swap3A_379 {strides = array<i32>} : memref<32x1024xf32, #tpu.memory_space<vmem>>, vector<1x16xf32>,
      %get3A_380 = arith.index_cast %scan3A_58 : i32 to index
      %get3A_381 = arith.constant 368 : index
      %get3A_382 = tpu.vector_load %arg8[%get3A_380, %get3A_381] {strides = array<i32>} : memref<32x1024xf32, #tpu.memory_space<vmem>>, vector<1x16xf32>,
      %get3A_383 = vector.shape_cast %get3A_382 : vector<1x16xf32> to vector<16xf32>
      %get3A_384 = arith.index_cast %scan3A_58 : i32 to index
      %get3A_385 = arith.constant 368 : index
      %get3A_386 = tpu.vector_load %arg9[%get3A_384, %get3A_385] {strides = array<i32>} : memref<32x1024xf32, #tpu.memory_space<vmem>>, vector<1x16xf32>,
      %get3A_387 = vector.shape_cast %get3A_386 : vector<1x16xf32> to vector<16xf32>
      %add3A_388 = arith.addf %get3A_383, %get3A_387 : vector<16xf32>
      %swap3A_389 = arith.index_cast %scan3A_58 : i32 to index
      %swap3A_390 = arith.constant 368 : index
      %swap3A_391 = tpu.vector_load %arg10[%swap3A_389, %swap3A_390] {strides = array<i32>} : memref<32x1024xf32, #tpu.memory_space<vmem>>, vector<1x16xf32>,
      %swap3A_392 = vector.shape_cast %swap3A_391 : vector<1x16xf32> to vector<16xf32>
      %swap3A_393 = vector.shape_cast %add3A_388 : vector<16xf32> to vector<1x16xf32>
      tpu.vector_store %arg10[%swap3A_389, %swap3A_390], %swap3A_393 {strides = array<i32>} : memref<32x1024xf32, #tpu.memory_space<vmem>>, vector<1x16xf32>,
      %get3A_394 = arith.index_cast %scan3A_58 : i32 to index
      %get3A_395 = arith.constant 384 : index
      %get3A_396 = tpu.vector_load %arg8[%get3A_394, %get3A_395] {strides = array<i32>} : memref<32x1024xf32, #tpu.memory_space<vmem>>, vector<1x16xf32>,
      %get3A_397 = vector.shape_cast %get3A_396 : vector<1x16xf32> to vector<16xf32>
      %get3A_398 = arith.index_cast %scan3A_58 : i32 to index
      %get3A_399 = arith.constant 384 : index
      %get3A_400 = tpu.vector_load %arg9[%get3A_398, %get3A_399] {strides = array<i32>} : memref<32x1024xf32, #tpu.memory_space<vmem>>, vector<1x16xf32>,
      %get3A_401 = vector.shape_cast %get3A_400 : vector<1x16xf32> to vector<16xf32>
      %add3A_402 = arith.addf %get3A_397, %get3A_401 : vector<16xf32>
      %swap3A_403 = arith.index_cast %scan3A_58 : i32 to index
      %swap3A_404 = arith.constant 384 : index
      %swap3A_405 = tpu.vector_load %arg10[%swap3A_403, %swap3A_404] {strides = array<i32>} : memref<32x1024xf32, #tpu.memory_space<vmem>>, vector<1x16xf32>,
      %swap3A_406 = vector.shape_cast %swap3A_405 : vector<1x16xf32> to vector<16xf32>
      %swap3A_407 = vector.shape_cast %add3A_402 : vector<16xf32> to vector<1x16xf32>
      tpu.vector_store %arg10[%swap3A_403, %swap3A_404], %swap3A_407 {strides = array<i32>} : memref<32x1024xf32, #tpu.memory_space<vmem>>, vector<1x16xf32>,
      %get3A_408 = arith.index_cast %scan3A_58 : i32 to index
      %get3A_409 = arith.constant 400 : index
      %get3A_410 = tpu.vector_load %arg8[%get3A_408, %get3A_409] {strides = array<i32>} : memref<32x1024xf32, #tpu.memory_space<vmem>>, vector<1x16xf32>,
      %get3A_411 = vector.shape_cast %get3A_410 : vector<1x16xf32> to vector<16xf32>
      %get3A_412 = arith.index_cast %scan3A_58 : i32 to index
      %get3A_413 = arith.constant 400 : index
      %get3A_414 = tpu.vector_load %arg9[%get3A_412, %get3A_413] {strides = array<i32>} : memref<32x1024xf32, #tpu.memory_space<vmem>>, vector<1x16xf32>,
      %get3A_415 = vector.shape_cast %get3A_414 : vector<1x16xf32> to vector<16xf32>
      %add3A_416 = arith.addf %get3A_411, %get3A_415 : vector<16xf32>
      %swap3A_417 = arith.index_cast %scan3A_58 : i32 to index
      %swap3A_418 = arith.constant 400 : index
      %swap3A_419 = tpu.vector_load %arg10[%swap3A_417, %swap3A_418] {strides = array<i32>} : memref<32x1024xf32, #tpu.memory_space<vmem>>, vector<1x16xf32>,
      %swap3A_420 = vector.shape_cast %swap3A_419 : vector<1x16xf32> to vector<16xf32>
      %swap3A_421 = vector.shape_cast %add3A_416 : vector<16xf32> to vector<1x16xf32>
      tpu.vector_store %arg10[%swap3A_417, %swap3A_418], %swap3A_421 {strides = array<i32>} : memref<32x1024xf32, #tpu.memory_space<vmem>>, vector<1x16xf32>,
      %get3A_422 = arith.index_cast %scan3A_58 : i32 to index
      %get3A_423 = arith.constant 416 : index
      %get3A_424 = tpu.vector_load %arg8[%get3A_422, %get3A_423] {strides = array<i32>} : memref<32x1024xf32, #tpu.memory_space<vmem>>, vector<1x16xf32>,
      %get3A_425 = vector.shape_cast %get3A_424 : vector<1x16xf32> to vector<16xf32>
      %get3A_426 = arith.index_cast %scan3A_58 : i32 to index
      %get3A_427 = arith.constant 416 : index
      %get3A_428 = tpu.vector_load %arg9[%get3A_426, %get3A_427] {strides = array<i32>} : memref<32x1024xf32, #tpu.memory_space<vmem>>, vector<1x16xf32>,
      %get3A_429 = vector.shape_cast %get3A_428 : vector<1x16xf32> to vector<16xf32>
      %add3A_430 = arith.addf %get3A_425, %get3A_429 : vector<16xf32>
      %swap3A_431 = arith.index_cast %scan3A_58 : i32 to index
      %swap3A_432 = arith.constant 416 : index
      %swap3A_433 = tpu.vector_load %arg10[%swap3A_431, %swap3A_432] {strides = array<i32>} : memref<32x1024xf32, #tpu.memory_space<vmem>>, vector<1x16xf32>,
      %swap3A_434 = vector.shape_cast %swap3A_433 : vector<1x16xf32> to vector<16xf32>
      %swap3A_435 = vector.shape_cast %add3A_430 : vector<16xf32> to vector<1x16xf32>
      tpu.vector_store %arg10[%swap3A_431, %swap3A_432], %swap3A_435 {strides = array<i32>} : memref<32x1024xf32, #tpu.memory_space<vmem>>, vector<1x16xf32>,
      %get3A_436 = arith.index_cast %scan3A_58 : i32 to index
      %get3A_437 = arith.constant 432 : index
      %get3A_438 = tpu.vector_load %arg8[%get3A_436, %get3A_437] {strides = array<i32>} : memref<32x1024xf32, #tpu.memory_space<vmem>>, vector<1x16xf32>,
      %get3A_439 = vector.shape_cast %get3A_438 : vector<1x16xf32> to vector<16xf32>
      %get3A_440 = arith.index_cast %scan3A_58 : i32 to index
      %get3A_441 = arith.constant 432 : index
      %get3A_442 = tpu.vector_load %arg9[%get3A_440, %get3A_441] {strides = array<i32>} : memref<32x1024xf32, #tpu.memory_space<vmem>>, vector<1x16xf32>,
      %get3A_443 = vector.shape_cast %get3A_442 : vector<1x16xf32> to vector<16xf32>
      %add3A_444 = arith.addf %get3A_439, %get3A_443 : vector<16xf32>
      %swap3A_445 = arith.index_cast %scan3A_58 : i32 to index
      %swap3A_446 = arith.constant 432 : index
      %swap3A_447 = tpu.vector_load %arg10[%swap3A_445, %swap3A_446] {strides = array<i32>} : memref<32x1024xf32, #tpu.memory_space<vmem>>, vector<1x16xf32>,
      %swap3A_448 = vector.shape_cast %swap3A_447 : vector<1x16xf32> to vector<16xf32>
      %swap3A_449 = vector.shape_cast %add3A_444 : vector<16xf32> to vector<1x16xf32>
      tpu.vector_store %arg10[%swap3A_445, %swap3A_446], %swap3A_449 {strides = array<i32>} : memref<32x1024xf32, #tpu.memory_space<vmem>>, vector<1x16xf32>,
      %get3A_450 = arith.index_cast %scan3A_58 : i32 to index
      %get3A_451 = arith.constant 448 : index
      %get3A_452 = tpu.vector_load %arg8[%get3A_450, %get3A_451] {strides = array<i32>} : memref<32x1024xf32, #tpu.memory_space<vmem>>, vector<1x16xf32>,
      %get3A_453 = vector.shape_cast %get3A_452 : vector<1x16xf32> to vector<16xf32>
      %get3A_454 = arith.index_cast %scan3A_58 : i32 to index
      %get3A_455 = arith.constant 448 : index
      %get3A_456 = tpu.vector_load %arg9[%get3A_454, %get3A_455] {strides = array<i32>} : memref<32x1024xf32, #tpu.memory_space<vmem>>, vector<1x16xf32>,
      %get3A_457 = vector.shape_cast %get3A_456 : vector<1x16xf32> to vector<16xf32>
      %add3A_458 = arith.addf %get3A_453, %get3A_457 : vector<16xf32>
      %swap3A_459 = arith.index_cast %scan3A_58 : i32 to index
      %swap3A_460 = arith.constant 448 : index
      %swap3A_461 = tpu.vector_load %arg10[%swap3A_459, %swap3A_460] {strides = array<i32>} : memref<32x1024xf32, #tpu.memory_space<vmem>>, vector<1x16xf32>,
      %swap3A_462 = vector.shape_cast %swap3A_461 : vector<1x16xf32> to vector<16xf32>
      %swap3A_463 = vector.shape_cast %add3A_458 : vector<16xf32> to vector<1x16xf32>
      tpu.vector_store %arg10[%swap3A_459, %swap3A_460], %swap3A_463 {strides = array<i32>} : memref<32x1024xf32, #tpu.memory_space<vmem>>, vector<1x16xf32>,
      %get3A_464 = arith.index_cast %scan3A_58 : i32 to index
      %get3A_465 = arith.constant 464 : index
      %get3A_466 = tpu.vector_load %arg8[%get3A_464, %get3A_465] {strides = array<i32>} : memref<32x1024xf32, #tpu.memory_space<vmem>>, vector<1x16xf32>,
      %get3A_467 = vector.shape_cast %get3A_466 : vector<1x16xf32> to vector<16xf32>
      %get3A_468 = arith.index_cast %scan3A_58 : i32 to index
      %get3A_469 = arith.constant 464 : index
      %get3A_470 = tpu.vector_load %arg9[%get3A_468, %get3A_469] {strides = array<i32>} : memref<32x1024xf32, #tpu.memory_space<vmem>>, vector<1x16xf32>,
      %get3A_471 = vector.shape_cast %get3A_470 : vector<1x16xf32> to vector<16xf32>
      %add3A_472 = arith.addf %get3A_467, %get3A_471 : vector<16xf32>
      %swap3A_473 = arith.index_cast %scan3A_58 : i32 to index
      %swap3A_474 = arith.constant 464 : index
      %swap3A_475 = tpu.vector_load %arg10[%swap3A_473, %swap3A_474] {strides = array<i32>} : memref<32x1024xf32, #tpu.memory_space<vmem>>, vector<1x16xf32>,
      %swap3A_476 = vector.shape_cast %swap3A_475 : vector<1x16xf32> to vector<16xf32>
      %swap3A_477 = vector.shape_cast %add3A_472 : vector<16xf32> to vector<1x16xf32>
      tpu.vector_store %arg10[%swap3A_473, %swap3A_474], %swap3A_477 {strides = array<i32>} : memref<32x1024xf32, #tpu.memory_space<vmem>>, vector<1x16xf32>,
      %get3A_478 = arith.index_cast %scan3A_58 : i32 to index
      %get3A_479 = arith.constant 480 : index
      %get3A_480 = tpu.vector_load %arg8[%get3A_478, %get3A_479] {strides = array<i32>} : memref<32x1024xf32, #tpu.memory_space<vmem>>, vector<1x16xf32>,
      %get3A_481 = vector.shape_cast %get3A_480 : vector<1x16xf32> to vector<16xf32>
      %get3A_482 = arith.index_cast %scan3A_58 : i32 to index
      %get3A_483 = arith.constant 480 : index
      %get3A_484 = tpu.vector_load %arg9[%get3A_482, %get3A_483] {strides = array<i32>} : memref<32x1024xf32, #tpu.memory_space<vmem>>, vector<1x16xf32>,
      %get3A_485 = vector.shape_cast %get3A_484 : vector<1x16xf32> to vector<16xf32>
      %add3A_486 = arith.addf %get3A_481, %get3A_485 : vector<16xf32>
      %swap3A_487 = arith.index_cast %scan3A_58 : i32 to index
      %swap3A_488 = arith.constant 480 : index
      %swap3A_489 = tpu.vector_load %arg10[%swap3A_487, %swap3A_488] {strides = array<i32>} : memref<32x1024xf32, #tpu.memory_space<vmem>>, vector<1x16xf32>,
      %swap3A_490 = vector.shape_cast %swap3A_489 : vector<1x16xf32> to vector<16xf32>
      %swap3A_491 = vector.shape_cast %add3A_486 : vector<16xf32> to vector<1x16xf32>
      tpu.vector_store %arg10[%swap3A_487, %swap3A_488], %swap3A_491 {strides = array<i32>} : memref<32x1024xf32, #tpu.memory_space<vmem>>, vector<1x16xf32>,
      %get3A_492 = arith.index_cast %scan3A_58 : i32 to index
      %get3A_493 = arith.constant 496 : index
      %get3A_494 = tpu.vector_load %arg8[%get3A_492, %get3A_493] {strides = array<i32>} : memref<32x1024xf32, #tpu.memory_space<vmem>>, vector<1x16xf32>,
      %get3A_495 = vector.shape_cast %get3A_494 : vector<1x16xf32> to vector<16xf32>
      %get3A_496 = arith.index_cast %scan3A_58 : i32 to index
      %get3A_497 = arith.constant 496 : index
      %get3A_498 = tpu.vector_load %arg9[%get3A_496, %get3A_497] {strides = array<i32>} : memref<32x1024xf32, #tpu.memory_space<vmem>>, vector<1x16xf32>,
      %get3A_499 = vector.shape_cast %get3A_498 : vector<1x16xf32> to vector<16xf32>
      %add3A_500 = arith.addf %get3A_495, %get3A_499 : vector<16xf32>
      %swap3A_501 = arith.index_cast %scan3A_58 : i32 to index
      %swap3A_502 = arith.constant 496 : index
      %swap3A_503 = tpu.vector_load %arg10[%swap3A_501, %swap3A_502] {strides = array<i32>} : memref<32x1024xf32, #tpu.memory_space<vmem>>, vector<1x16xf32>,
      %swap3A_504 = vector.shape_cast %swap3A_503 : vector<1x16xf32> to vector<16xf32>
      %swap3A_505 = vector.shape_cast %add3A_500 : vector<16xf32> to vector<1x16xf32>
      tpu.vector_store %arg10[%swap3A_501, %swap3A_502], %swap3A_505 {strides = array<i32>} : memref<32x1024xf32, #tpu.memory_space<vmem>>, vector<1x16xf32>,
      %get3A_506 = arith.index_cast %scan3A_58 : i32 to index
      %get3A_507 = arith.constant 512 : index
      %get3A_508 = tpu.vector_load %arg8[%get3A_506, %get3A_507] {strides = array<i32>} : memref<32x1024xf32, #tpu.memory_space<vmem>>, vector<1x16xf32>,
      %get3A_509 = vector.shape_cast %get3A_508 : vector<1x16xf32> to vector<16xf32>
      %get3A_510 = arith.index_cast %scan3A_58 : i32 to index
      %get3A_511 = arith.constant 512 : index
      %get3A_512 = tpu.vector_load %arg9[%get3A_510, %get3A_511] {strides = array<i32>} : memref<32x1024xf32, #tpu.memory_space<vmem>>, vector<1x16xf32>,
      %get3A_513 = vector.shape_cast %get3A_512 : vector<1x16xf32> to vector<16xf32>
      %add3A_514 = arith.addf %get3A_509, %get3A_513 : vector<16xf32>
      %swap3A_515 = arith.index_cast %scan3A_58 : i32 to index
      %swap3A_516 = arith.constant 512 : index
      %swap3A_517 = tpu.vector_load %arg10[%swap3A_515, %swap3A_516] {strides = array<i32>} : memref<32x1024xf32, #tpu.memory_space<vmem>>, vector<1x16xf32>,
      %swap3A_518 = vector.shape_cast %swap3A_517 : vector<1x16xf32> to vector<16xf32>
      %swap3A_519 = vector.shape_cast %add3A_514 : vector<16xf32> to vector<1x16xf32>
      tpu.vector_store %arg10[%swap3A_515, %swap3A_516], %swap3A_519 {strides = array<i32>} : memref<32x1024xf32, #tpu.memory_space<vmem>>, vector<1x16xf32>,
      %get3A_520 = arith.index_cast %scan3A_58 : i32 to index
      %get3A_521 = arith.constant 528 : index
      %get3A_522 = tpu.vector_load %arg8[%get3A_520, %get3A_521] {strides = array<i32>} : memref<32x1024xf32, #tpu.memory_space<vmem>>, vector<1x16xf32>,
      %get3A_523 = vector.shape_cast %get3A_522 : vector<1x16xf32> to vector<16xf32>
      %get3A_524 = arith.index_cast %scan3A_58 : i32 to index
      %get3A_525 = arith.constant 528 : index
      %get3A_526 = tpu.vector_load %arg9[%get3A_524, %get3A_525] {strides = array<i32>} : memref<32x1024xf32, #tpu.memory_space<vmem>>, vector<1x16xf32>,
      %get3A_527 = vector.shape_cast %get3A_526 : vector<1x16xf32> to vector<16xf32>
      %add3A_528 = arith.addf %get3A_523, %get3A_527 : vector<16xf32>
      %swap3A_529 = arith.index_cast %scan3A_58 : i32 to index
      %swap3A_530 = arith.constant 528 : index
      %swap3A_531 = tpu.vector_load %arg10[%swap3A_529, %swap3A_530] {strides = array<i32>} : memref<32x1024xf32, #tpu.memory_space<vmem>>, vector<1x16xf32>,
      %swap3A_532 = vector.shape_cast %swap3A_531 : vector<1x16xf32> to vector<16xf32>
      %swap3A_533 = vector.shape_cast %add3A_528 : vector<16xf32> to vector<1x16xf32>
      tpu.vector_store %arg10[%swap3A_529, %swap3A_530], %swap3A_533 {strides = array<i32>} : memref<32x1024xf32, #tpu.memory_space<vmem>>, vector<1x16xf32>,
      %get3A_534 = arith.index_cast %scan3A_58 : i32 to index
      %get3A_535 = arith.constant 544 : index
      %get3A_536 = tpu.vector_load %arg8[%get3A_534, %get3A_535] {strides = array<i32>} : memref<32x1024xf32, #tpu.memory_space<vmem>>, vector<1x16xf32>,
      %get3A_537 = vector.shape_cast %get3A_536 : vector<1x16xf32> to vector<16xf32>
      %get3A_538 = arith.index_cast %scan3A_58 : i32 to index
      %get3A_539 = arith.constant 544 : index
      %get3A_540 = tpu.vector_load %arg9[%get3A_538, %get3A_539] {strides = array<i32>} : memref<32x1024xf32, #tpu.memory_space<vmem>>, vector<1x16xf32>,
      %get3A_541 = vector.shape_cast %get3A_540 : vector<1x16xf32> to vector<16xf32>
      %add3A_542 = arith.addf %get3A_537, %get3A_541 : vector<16xf32>
      %swap3A_543 = arith.index_cast %scan3A_58 : i32 to index
      %swap3A_544 = arith.constant 544 : index
      %swap3A_545 = tpu.vector_load %arg10[%swap3A_543, %swap3A_544] {strides = array<i32>} : memref<32x1024xf32, #tpu.memory_space<vmem>>, vector<1x16xf32>,
      %swap3A_546 = vector.shape_cast %swap3A_545 : vector<1x16xf32> to vector<16xf32>
      %swap3A_547 = vector.shape_cast %add3A_542 : vector<16xf32> to vector<1x16xf32>
      tpu.vector_store %arg10[%swap3A_543, %swap3A_544], %swap3A_547 {strides = array<i32>} : memref<32x1024xf32, #tpu.memory_space<vmem>>, vector<1x16xf32>,
      %get3A_548 = arith.index_cast %scan3A_58 : i32 to index
      %get3A_549 = arith.constant 560 : index
      %get3A_550 = tpu.vector_load %arg8[%get3A_548, %get3A_549] {strides = array<i32>} : memref<32x1024xf32, #tpu.memory_space<vmem>>, vector<1x16xf32>,
      %get3A_551 = vector.shape_cast %get3A_550 : vector<1x16xf32> to vector<16xf32>
      %get3A_552 = arith.index_cast %scan3A_58 : i32 to index
      %get3A_553 = arith.constant 560 : index
      %get3A_554 = tpu.vector_load %arg9[%get3A_552, %get3A_553] {strides = array<i32>} : memref<32x1024xf32, #tpu.memory_space<vmem>>, vector<1x16xf32>,
      %get3A_555 = vector.shape_cast %get3A_554 : vector<1x16xf32> to vector<16xf32>
      %add3A_556 = arith.addf %get3A_551, %get3A_555 : vector<16xf32>
      %swap3A_557 = arith.index_cast %scan3A_58 : i32 to index
      %swap3A_558 = arith.constant 560 : index
      %swap3A_559 = tpu.vector_load %arg10[%swap3A_557, %swap3A_558] {strides = array<i32>} : memref<32x1024xf32, #tpu.memory_space<vmem>>, vector<1x16xf32>,
      %swap3A_560 = vector.shape_cast %swap3A_559 : vector<1x16xf32> to vector<16xf32>
      %swap3A_561 = vector.shape_cast %add3A_556 : vector<16xf32> to vector<1x16xf32>
      tpu.vector_store %arg10[%swap3A_557, %swap3A_558], %swap3A_561 {strides = array<i32>} : memref<32x1024xf32, #tpu.memory_space<vmem>>, vector<1x16xf32>,
      %get3A_562 = arith.index_cast %scan3A_58 : i32 to index
      %get3A_563 = arith.constant 576 : index
      %get3A_564 = tpu.vector_load %arg8[%get3A_562, %get3A_563] {strides = array<i32>} : memref<32x1024xf32, #tpu.memory_space<vmem>>, vector<1x16xf32>,
      %get3A_565 = vector.shape_cast %get3A_564 : vector<1x16xf32> to vector<16xf32>
      %get3A_566 = arith.index_cast %scan3A_58 : i32 to index
      %get3A_567 = arith.constant 576 : index
      %get3A_568 = tpu.vector_load %arg9[%get3A_566, %get3A_567] {strides = array<i32>} : memref<32x1024xf32, #tpu.memory_space<vmem>>, vector<1x16xf32>,
      %get3A_569 = vector.shape_cast %get3A_568 : vector<1x16xf32> to vector<16xf32>
      %add3A_570 = arith.addf %get3A_565, %get3A_569 : vector<16xf32>
      %swap3A_571 = arith.index_cast %scan3A_58 : i32 to index
      %swap3A_572 = arith.constant 576 : index
      %swap3A_573 = tpu.vector_load %arg10[%swap3A_571, %swap3A_572] {strides = array<i32>} : memref<32x1024xf32, #tpu.memory_space<vmem>>, vector<1x16xf32>,
      %swap3A_574 = vector.shape_cast %swap3A_573 : vector<1x16xf32> to vector<16xf32>
      %swap3A_575 = vector.shape_cast %add3A_570 : vector<16xf32> to vector<1x16xf32>
      tpu.vector_store %arg10[%swap3A_571, %swap3A_572], %swap3A_575 {strides = array<i32>} : memref<32x1024xf32, #tpu.memory_space<vmem>>, vector<1x16xf32>,
      %get3A_576 = arith.index_cast %scan3A_58 : i32 to index
      %get3A_577 = arith.constant 592 : index
      %get3A_578 = tpu.vector_load %arg8[%get3A_576, %get3A_577] {strides = array<i32>} : memref<32x1024xf32, #tpu.memory_space<vmem>>, vector<1x16xf32>,
      %get3A_579 = vector.shape_cast %get3A_578 : vector<1x16xf32> to vector<16xf32>
      %get3A_580 = arith.index_cast %scan3A_58 : i32 to index
      %get3A_581 = arith.constant 592 : index
      %get3A_582 = tpu.vector_load %arg9[%get3A_580, %get3A_581] {strides = array<i32>} : memref<32x1024xf32, #tpu.memory_space<vmem>>, vector<1x16xf32>,
      %get3A_583 = vector.shape_cast %get3A_582 : vector<1x16xf32> to vector<16xf32>
      %add3A_584 = arith.addf %get3A_579, %get3A_583 : vector<16xf32>
      %swap3A_585 = arith.index_cast %scan3A_58 : i32 to index
      %swap3A_586 = arith.constant 592 : index
      %swap3A_587 = tpu.vector_load %arg10[%swap3A_585, %swap3A_586] {strides = array<i32>} : memref<32x1024xf32, #tpu.memory_space<vmem>>, vector<1x16xf32>,
      %swap3A_588 = vector.shape_cast %swap3A_587 : vector<1x16xf32> to vector<16xf32>
      %swap3A_589 = vector.shape_cast %add3A_584 : vector<16xf32> to vector<1x16xf32>
      tpu.vector_store %arg10[%swap3A_585, %swap3A_586], %swap3A_589 {strides = array<i32>} : memref<32x1024xf32, #tpu.memory_space<vmem>>, vector<1x16xf32>,
      %get3A_590 = arith.index_cast %scan3A_58 : i32 to index
      %get3A_591 = arith.constant 608 : index
      %get3A_592 = tpu.vector_load %arg8[%get3A_590, %get3A_591] {strides = array<i32>} : memref<32x1024xf32, #tpu.memory_space<vmem>>, vector<1x16xf32>,
      %get3A_593 = vector.shape_cast %get3A_592 : vector<1x16xf32> to vector<16xf32>
      %get3A_594 = arith.index_cast %scan3A_58 : i32 to index
      %get3A_595 = arith.constant 608 : index
      %get3A_596 = tpu.vector_load %arg9[%get3A_594, %get3A_595] {strides = array<i32>} : memref<32x1024xf32, #tpu.memory_space<vmem>>, vector<1x16xf32>,
      %get3A_597 = vector.shape_cast %get3A_596 : vector<1x16xf32> to vector<16xf32>
      %add3A_598 = arith.addf %get3A_593, %get3A_597 : vector<16xf32>
      %swap3A_599 = arith.index_cast %scan3A_58 : i32 to index
      %swap3A_600 = arith.constant 608 : index
      %swap3A_601 = tpu.vector_load %arg10[%swap3A_599, %swap3A_600] {strides = array<i32>} : memref<32x1024xf32, #tpu.memory_space<vmem>>, vector<1x16xf32>,
      %swap3A_602 = vector.shape_cast %swap3A_601 : vector<1x16xf32> to vector<16xf32>
      %swap3A_603 = vector.shape_cast %add3A_598 : vector<16xf32> to vector<1x16xf32>
      tpu.vector_store %arg10[%swap3A_599, %swap3A_600], %swap3A_603 {strides = array<i32>} : memref<32x1024xf32, #tpu.memory_space<vmem>>, vector<1x16xf32>,
      %get3A_604 = arith.index_cast %scan3A_58 : i32 to index
      %get3A_605 = arith.constant 624 : index
      %get3A_606 = tpu.vector_load %arg8[%get3A_604, %get3A_605] {strides = array<i32>} : memref<32x1024xf32, #tpu.memory_space<vmem>>, vector<1x16xf32>,
      %get3A_607 = vector.shape_cast %get3A_606 : vector<1x16xf32> to vector<16xf32>
      %get3A_608 = arith.index_cast %scan3A_58 : i32 to index
      %get3A_609 = arith.constant 624 : index
      %get3A_610 = tpu.vector_load %arg9[%get3A_608, %get3A_609] {strides = array<i32>} : memref<32x1024xf32, #tpu.memory_space<vmem>>, vector<1x16xf32>,
      %get3A_611 = vector.shape_cast %get3A_610 : vector<1x16xf32> to vector<16xf32>
      %add3A_612 = arith.addf %get3A_607, %get3A_611 : vector<16xf32>
      %swap3A_613 = arith.index_cast %scan3A_58 : i32 to index
      %swap3A_614 = arith.constant 624 : index
      %swap3A_615 = tpu.vector_load %arg10[%swap3A_613, %swap3A_614] {strides = array<i32>} : memref<32x1024xf32, #tpu.memory_space<vmem>>, vector<1x16xf32>,
      %swap3A_616 = vector.shape_cast %swap3A_615 : vector<1x16xf32> to vector<16xf32>
      %swap3A_617 = vector.shape_cast %add3A_612 : vector<16xf32> to vector<1x16xf32>
      tpu.vector_store %arg10[%swap3A_613, %swap3A_614], %swap3A_617 {strides = array<i32>} : memref<32x1024xf32, #tpu.memory_space<vmem>>, vector<1x16xf32>,
      %get3A_618 = arith.index_cast %scan3A_58 : i32 to index
      %get3A_619 = arith.constant 640 : index
      %get3A_620 = tpu.vector_load %arg8[%get3A_618, %get3A_619] {strides = array<i32>} : memref<32x1024xf32, #tpu.memory_space<vmem>>, vector<1x16xf32>,
      %get3A_621 = vector.shape_cast %get3A_620 : vector<1x16xf32> to vector<16xf32>
      %get3A_622 = arith.index_cast %scan3A_58 : i32 to index
      %get3A_623 = arith.constant 640 : index
      %get3A_624 = tpu.vector_load %arg9[%get3A_622, %get3A_623] {strides = array<i32>} : memref<32x1024xf32, #tpu.memory_space<vmem>>, vector<1x16xf32>,
      %get3A_625 = vector.shape_cast %get3A_624 : vector<1x16xf32> to vector<16xf32>
      %add3A_626 = arith.addf %get3A_621, %get3A_625 : vector<16xf32>
      %swap3A_627 = arith.index_cast %scan3A_58 : i32 to index
      %swap3A_628 = arith.constant 640 : index
      %swap3A_629 = tpu.vector_load %arg10[%swap3A_627, %swap3A_628] {strides = array<i32>} : memref<32x1024xf32, #tpu.memory_space<vmem>>, vector<1x16xf32>,
      %swap3A_630 = vector.shape_cast %swap3A_629 : vector<1x16xf32> to vector<16xf32>
      %swap3A_631 = vector.shape_cast %add3A_626 : vector<16xf32> to vector<1x16xf32>
      tpu.vector_store %arg10[%swap3A_627, %swap3A_628], %swap3A_631 {strides = array<i32>} : memref<32x1024xf32, #tpu.memory_space<vmem>>, vector<1x16xf32>,
      %get3A_632 = arith.index_cast %scan3A_58 : i32 to index
      %get3A_633 = arith.constant 656 : index
      %get3A_634 = tpu.vector_load %arg8[%get3A_632, %get3A_633] {strides = array<i32>} : memref<32x1024xf32, #tpu.memory_space<vmem>>, vector<1x16xf32>,
      %get3A_635 = vector.shape_cast %get3A_634 : vector<1x16xf32> to vector<16xf32>
      %get3A_636 = arith.index_cast %scan3A_58 : i32 to index
      %get3A_637 = arith.constant 656 : index
      %get3A_638 = tpu.vector_load %arg9[%get3A_636, %get3A_637] {strides = array<i32>} : memref<32x1024xf32, #tpu.memory_space<vmem>>, vector<1x16xf32>,
      %get3A_639 = vector.shape_cast %get3A_638 : vector<1x16xf32> to vector<16xf32>
      %add3A_640 = arith.addf %get3A_635, %get3A_639 : vector<16xf32>
      %swap3A_641 = arith.index_cast %scan3A_58 : i32 to index
      %swap3A_642 = arith.constant 656 : index
      %swap3A_643 = tpu.vector_load %arg10[%swap3A_641, %swap3A_642] {strides = array<i32>} : memref<32x1024xf32, #tpu.memory_space<vmem>>, vector<1x16xf32>,
      %swap3A_644 = vector.shape_cast %swap3A_643 : vector<1x16xf32> to vector<16xf32>
      %swap3A_645 = vector.shape_cast %add3A_640 : vector<16xf32> to vector<1x16xf32>
      tpu.vector_store %arg10[%swap3A_641, %swap3A_642], %swap3A_645 {strides = array<i32>} : memref<32x1024xf32, #tpu.memory_space<vmem>>, vector<1x16xf32>,
      %get3A_646 = arith.index_cast %scan3A_58 : i32 to index
      %get3A_647 = arith.constant 672 : index
      %get3A_648 = tpu.vector_load %arg8[%get3A_646, %get3A_647] {strides = array<i32>} : memref<32x1024xf32, #tpu.memory_space<vmem>>, vector<1x16xf32>,
      %get3A_649 = vector.shape_cast %get3A_648 : vector<1x16xf32> to vector<16xf32>
      %get3A_650 = arith.index_cast %scan3A_58 : i32 to index
      %get3A_651 = arith.constant 672 : index
      %get3A_652 = tpu.vector_load %arg9[%get3A_650, %get3A_651] {strides = array<i32>} : memref<32x1024xf32, #tpu.memory_space<vmem>>, vector<1x16xf32>,
      %get3A_653 = vector.shape_cast %get3A_652 : vector<1x16xf32> to vector<16xf32>
      %add3A_654 = arith.addf %get3A_649, %get3A_653 : vector<16xf32>
      %swap3A_655 = arith.index_cast %scan3A_58 : i32 to index
      %swap3A_656 = arith.constant 672 : index
      %swap3A_657 = tpu.vector_load %arg10[%swap3A_655, %swap3A_656] {strides = array<i32>} : memref<32x1024xf32, #tpu.memory_space<vmem>>, vector<1x16xf32>,
      %swap3A_658 = vector.shape_cast %swap3A_657 : vector<1x16xf32> to vector<16xf32>
      %swap3A_659 = vector.shape_cast %add3A_654 : vector<16xf32> to vector<1x16xf32>
      tpu.vector_store %arg10[%swap3A_655, %swap3A_656], %swap3A_659 {strides = array<i32>} : memref<32x1024xf32, #tpu.memory_space<vmem>>, vector<1x16xf32>,
      %get3A_660 = arith.index_cast %scan3A_58 : i32 to index
      %get3A_661 = arith.constant 688 : index
      %get3A_662 = tpu.vector_load %arg8[%get3A_660, %get3A_661] {strides = array<i32>} : memref<32x1024xf32, #tpu.memory_space<vmem>>, vector<1x16xf32>,
      %get3A_663 = vector.shape_cast %get3A_662 : vector<1x16xf32> to vector<16xf32>
      %get3A_664 = arith.index_cast %scan3A_58 : i32 to index
      %get3A_665 = arith.constant 688 : index
      %get3A_666 = tpu.vector_load %arg9[%get3A_664, %get3A_665] {strides = array<i32>} : memref<32x1024xf32, #tpu.memory_space<vmem>>, vector<1x16xf32>,
      %get3A_667 = vector.shape_cast %get3A_666 : vector<1x16xf32> to vector<16xf32>
      %add3A_668 = arith.addf %get3A_663, %get3A_667 : vector<16xf32>
      %swap3A_669 = arith.index_cast %scan3A_58 : i32 to index
      %swap3A_670 = arith.constant 688 : index
      %swap3A_671 = tpu.vector_load %arg10[%swap3A_669, %swap3A_670] {strides = array<i32>} : memref<32x1024xf32, #tpu.memory_space<vmem>>, vector<1x16xf32>,
      %swap3A_672 = vector.shape_cast %swap3A_671 : vector<1x16xf32> to vector<16xf32>
      %swap3A_673 = vector.shape_cast %add3A_668 : vector<16xf32> to vector<1x16xf32>
      tpu.vector_store %arg10[%swap3A_669, %swap3A_670], %swap3A_673 {strides = array<i32>} : memref<32x1024xf32, #tpu.memory_space<vmem>>, vector<1x16xf32>,
      %get3A_674 = arith.index_cast %scan3A_58 : i32 to index
      %get3A_675 = arith.constant 704 : index
      %get3A_676 = tpu.vector_load %arg8[%get3A_674, %get3A_675] {strides = array<i32>} : memref<32x1024xf32, #tpu.memory_space<vmem>>, vector<1x16xf32>,
      %get3A_677 = vector.shape_cast %get3A_676 : vector<1x16xf32> to vector<16xf32>
      %get3A_678 = arith.index_cast %scan3A_58 : i32 to index
      %get3A_679 = arith.constant 704 : index
      %get3A_680 = tpu.vector_load %arg9[%get3A_678, %get3A_679] {strides = array<i32>} : memref<32x1024xf32, #tpu.memory_space<vmem>>, vector<1x16xf32>,
      %get3A_681 = vector.shape_cast %get3A_680 : vector<1x16xf32> to vector<16xf32>
      %add3A_682 = arith.addf %get3A_677, %get3A_681 : vector<16xf32>
      %swap3A_683 = arith.index_cast %scan3A_58 : i32 to index
      %swap3A_684 = arith.constant 704 : index
      %swap3A_685 = tpu.vector_load %arg10[%swap3A_683, %swap3A_684] {strides = array<i32>} : memref<32x1024xf32, #tpu.memory_space<vmem>>, vector<1x16xf32>,
      %swap3A_686 = vector.shape_cast %swap3A_685 : vector<1x16xf32> to vector<16xf32>
      %swap3A_687 = vector.shape_cast %add3A_682 : vector<16xf32> to vector<1x16xf32>
      tpu.vector_store %arg10[%swap3A_683, %swap3A_684], %swap3A_687 {strides = array<i32>} : memref<32x1024xf32, #tpu.memory_space<vmem>>, vector<1x16xf32>,
      %get3A_688 = arith.index_cast %scan3A_58 : i32 to index
      %get3A_689 = arith.constant 720 : index
      %get3A_690 = tpu.vector_load %arg8[%get3A_688, %get3A_689] {strides = array<i32>} : memref<32x1024xf32, #tpu.memory_space<vmem>>, vector<1x16xf32>,
      %get3A_691 = vector.shape_cast %get3A_690 : vector<1x16xf32> to vector<16xf32>
      %get3A_692 = arith.index_cast %scan3A_58 : i32 to index
      %get3A_693 = arith.constant 720 : index
      %get3A_694 = tpu.vector_load %arg9[%get3A_692, %get3A_693] {strides = array<i32>} : memref<32x1024xf32, #tpu.memory_space<vmem>>, vector<1x16xf32>,
      %get3A_695 = vector.shape_cast %get3A_694 : vector<1x16xf32> to vector<16xf32>
      %add3A_696 = arith.addf %get3A_691, %get3A_695 : vector<16xf32>
      %swap3A_697 = arith.index_cast %scan3A_58 : i32 to index
      %swap3A_698 = arith.constant 720 : index
      %swap3A_699 = tpu.vector_load %arg10[%swap3A_697, %swap3A_698] {strides = array<i32>} : memref<32x1024xf32, #tpu.memory_space<vmem>>, vector<1x16xf32>,
      %swap3A_700 = vector.shape_cast %swap3A_699 : vector<1x16xf32> to vector<16xf32>
      %swap3A_701 = vector.shape_cast %add3A_696 : vector<16xf32> to vector<1x16xf32>
      tpu.vector_store %arg10[%swap3A_697, %swap3A_698], %swap3A_701 {strides = array<i32>} : memref<32x1024xf32, #tpu.memory_space<vmem>>, vector<1x16xf32>,
      %get3A_702 = arith.index_cast %scan3A_58 : i32 to index
      %get3A_703 = arith.constant 736 : index
      %get3A_704 = tpu.vector_load %arg8[%get3A_702, %get3A_703] {strides = array<i32>} : memref<32x1024xf32, #tpu.memory_space<vmem>>, vector<1x16xf32>,
      %get3A_705 = vector.shape_cast %get3A_704 : vector<1x16xf32> to vector<16xf32>
      %get3A_706 = arith.index_cast %scan3A_58 : i32 to index
      %get3A_707 = arith.constant 736 : index
      %get3A_708 = tpu.vector_load %arg9[%get3A_706, %get3A_707] {strides = array<i32>} : memref<32x1024xf32, #tpu.memory_space<vmem>>, vector<1x16xf32>,
      %get3A_709 = vector.shape_cast %get3A_708 : vector<1x16xf32> to vector<16xf32>
      %add3A_710 = arith.addf %get3A_705, %get3A_709 : vector<16xf32>
      %swap3A_711 = arith.index_cast %scan3A_58 : i32 to index
      %swap3A_712 = arith.constant 736 : index
      %swap3A_713 = tpu.vector_load %arg10[%swap3A_711, %swap3A_712] {strides = array<i32>} : memref<32x1024xf32, #tpu.memory_space<vmem>>, vector<1x16xf32>,
      %swap3A_714 = vector.shape_cast %swap3A_713 : vector<1x16xf32> to vector<16xf32>
      %swap3A_715 = vector.shape_cast %add3A_710 : vector<16xf32> to vector<1x16xf32>
      tpu.vector_store %arg10[%swap3A_711, %swap3A_712], %swap3A_715 {strides = array<i32>} : memref<32x1024xf32, #tpu.memory_space<vmem>>, vector<1x16xf32>,
      %get3A_716 = arith.index_cast %scan3A_58 : i32 to index
      %get3A_717 = arith.constant 752 : index
      %get3A_718 = tpu.vector_load %arg8[%get3A_716, %get3A_717] {strides = array<i32>} : memref<32x1024xf32, #tpu.memory_space<vmem>>, vector<1x16xf32>,
      %get3A_719 = vector.shape_cast %get3A_718 : vector<1x16xf32> to vector<16xf32>
      %get3A_720 = arith.index_cast %scan3A_58 : i32 to index
      %get3A_721 = arith.constant 752 : index
      %get3A_722 = tpu.vector_load %arg9[%get3A_720, %get3A_721] {strides = array<i32>} : memref<32x1024xf32, #tpu.memory_space<vmem>>, vector<1x16xf32>,
      %get3A_723 = vector.shape_cast %get3A_722 : vector<1x16xf32> to vector<16xf32>
      %add3A_724 = arith.addf %get3A_719, %get3A_723 : vector<16xf32>
      %swap3A_725 = arith.index_cast %scan3A_58 : i32 to index
      %swap3A_726 = arith.constant 752 : index
      %swap3A_727 = tpu.vector_load %arg10[%swap3A_725, %swap3A_726] {strides = array<i32>} : memref<32x1024xf32, #tpu.memory_space<vmem>>, vector<1x16xf32>,
      %swap3A_728 = vector.shape_cast %swap3A_727 : vector<1x16xf32> to vector<16xf32>
      %swap3A_729 = vector.shape_cast %add3A_724 : vector<16xf32> to vector<1x16xf32>
      tpu.vector_store %arg10[%swap3A_725, %swap3A_726], %swap3A_729 {strides = array<i32>} : memref<32x1024xf32, #tpu.memory_space<vmem>>, vector<1x16xf32>,
      %get3A_730 = arith.index_cast %scan3A_58 : i32 to index
      %get3A_731 = arith.constant 768 : index
      %get3A_732 = tpu.vector_load %arg8[%get3A_730, %get3A_731] {strides = array<i32>} : memref<32x1024xf32, #tpu.memory_space<vmem>>, vector<1x16xf32>,
      %get3A_733 = vector.shape_cast %get3A_732 : vector<1x16xf32> to vector<16xf32>
      %get3A_734 = arith.index_cast %scan3A_58 : i32 to index
      %get3A_735 = arith.constant 768 : index
      %get3A_736 = tpu.vector_load %arg9[%get3A_734, %get3A_735] {strides = array<i32>} : memref<32x1024xf32, #tpu.memory_space<vmem>>, vector<1x16xf32>,
      %get3A_737 = vector.shape_cast %get3A_736 : vector<1x16xf32> to vector<16xf32>
      %add3A_738 = arith.addf %get3A_733, %get3A_737 : vector<16xf32>
      %swap3A_739 = arith.index_cast %scan3A_58 : i32 to index
      %swap3A_740 = arith.constant 768 : index
      %swap3A_741 = tpu.vector_load %arg10[%swap3A_739, %swap3A_740] {strides = array<i32>} : memref<32x1024xf32, #tpu.memory_space<vmem>>, vector<1x16xf32>,
      %swap3A_742 = vector.shape_cast %swap3A_741 : vector<1x16xf32> to vector<16xf32>
      %swap3A_743 = vector.shape_cast %add3A_738 : vector<16xf32> to vector<1x16xf32>
      tpu.vector_store %arg10[%swap3A_739, %swap3A_740], %swap3A_743 {strides = array<i32>} : memref<32x1024xf32, #tpu.memory_space<vmem>>, vector<1x16xf32>,
      %get3A_744 = arith.index_cast %scan3A_58 : i32 to index
      %get3A_745 = arith.constant 784 : index
      %get3A_746 = tpu.vector_load %arg8[%get3A_744, %get3A_745] {strides = array<i32>} : memref<32x1024xf32, #tpu.memory_space<vmem>>, vector<1x16xf32>,
      %get3A_747 = vector.shape_cast %get3A_746 : vector<1x16xf32> to vector<16xf32>
      %get3A_748 = arith.index_cast %scan3A_58 : i32 to index
      %get3A_749 = arith.constant 784 : index
      %get3A_750 = tpu.vector_load %arg9[%get3A_748, %get3A_749] {strides = array<i32>} : memref<32x1024xf32, #tpu.memory_space<vmem>>, vector<1x16xf32>,
      %get3A_751 = vector.shape_cast %get3A_750 : vector<1x16xf32> to vector<16xf32>
      %add3A_752 = arith.addf %get3A_747, %get3A_751 : vector<16xf32>
      %swap3A_753 = arith.index_cast %scan3A_58 : i32 to index
      %swap3A_754 = arith.constant 784 : index
      %swap3A_755 = tpu.vector_load %arg10[%swap3A_753, %swap3A_754] {strides = array<i32>} : memref<32x1024xf32, #tpu.memory_space<vmem>>, vector<1x16xf32>,
      %swap3A_756 = vector.shape_cast %swap3A_755 : vector<1x16xf32> to vector<16xf32>
      %swap3A_757 = vector.shape_cast %add3A_752 : vector<16xf32> to vector<1x16xf32>
      tpu.vector_store %arg10[%swap3A_753, %swap3A_754], %swap3A_757 {strides = array<i32>} : memref<32x1024xf32, #tpu.memory_space<vmem>>, vector<1x16xf32>,
      %get3A_758 = arith.index_cast %scan3A_58 : i32 to index
      %get3A_759 = arith.constant 800 : index
      %get3A_760 = tpu.vector_load %arg8[%get3A_758, %get3A_759] {strides = array<i32>} : memref<32x1024xf32, #tpu.memory_space<vmem>>, vector<1x16xf32>,
      %get3A_761 = vector.shape_cast %get3A_760 : vector<1x16xf32> to vector<16xf32>
      %get3A_762 = arith.index_cast %scan3A_58 : i32 to index
      %get3A_763 = arith.constant 800 : index
      %get3A_764 = tpu.vector_load %arg9[%get3A_762, %get3A_763] {strides = array<i32>} : memref<32x1024xf32, #tpu.memory_space<vmem>>, vector<1x16xf32>,
      %get3A_765 = vector.shape_cast %get3A_764 : vector<1x16xf32> to vector<16xf32>
      %add3A_766 = arith.addf %get3A_761, %get3A_765 : vector<16xf32>
      %swap3A_767 = arith.index_cast %scan3A_58 : i32 to index
      %swap3A_768 = arith.constant 800 : index
      %swap3A_769 = tpu.vector_load %arg10[%swap3A_767, %swap3A_768] {strides = array<i32>} : memref<32x1024xf32, #tpu.memory_space<vmem>>, vector<1x16xf32>,
      %swap3A_770 = vector.shape_cast %swap3A_769 : vector<1x16xf32> to vector<16xf32>
      %swap3A_771 = vector.shape_cast %add3A_766 : vector<16xf32> to vector<1x16xf32>
      tpu.vector_store %arg10[%swap3A_767, %swap3A_768], %swap3A_771 {strides = array<i32>} : memref<32x1024xf32, #tpu.memory_space<vmem>>, vector<1x16xf32>,
      %get3A_772 = arith.index_cast %scan3A_58 : i32 to index
      %get3A_773 = arith.constant 816 : index
      %get3A_774 = tpu.vector_load %arg8[%get3A_772, %get3A_773] {strides = array<i32>} : memref<32x1024xf32, #tpu.memory_space<vmem>>, vector<1x16xf32>,
      %get3A_775 = vector.shape_cast %get3A_774 : vector<1x16xf32> to vector<16xf32>
      %get3A_776 = arith.index_cast %scan3A_58 : i32 to index
      %get3A_777 = arith.constant 816 : index
      %get3A_778 = tpu.vector_load %arg9[%get3A_776, %get3A_777] {strides = array<i32>} : memref<32x1024xf32, #tpu.memory_space<vmem>>, vector<1x16xf32>,
      %get3A_779 = vector.shape_cast %get3A_778 : vector<1x16xf32> to vector<16xf32>
      %add3A_780 = arith.addf %get3A_775, %get3A_779 : vector<16xf32>
      %swap3A_781 = arith.index_cast %scan3A_58 : i32 to index
      %swap3A_782 = arith.constant 816 : index
      %swap3A_783 = tpu.vector_load %arg10[%swap3A_781, %swap3A_782] {strides = array<i32>} : memref<32x1024xf32, #tpu.memory_space<vmem>>, vector<1x16xf32>,
      %swap3A_784 = vector.shape_cast %swap3A_783 : vector<1x16xf32> to vector<16xf32>
      %swap3A_785 = vector.shape_cast %add3A_780 : vector<16xf32> to vector<1x16xf32>
      tpu.vector_store %arg10[%swap3A_781, %swap3A_782], %swap3A_785 {strides = array<i32>} : memref<32x1024xf32, #tpu.memory_space<vmem>>, vector<1x16xf32>,
      %get3A_786 = arith.index_cast %scan3A_58 : i32 to index
      %get3A_787 = arith.constant 832 : index
      %get3A_788 = tpu.vector_load %arg8[%get3A_786, %get3A_787] {strides = array<i32>} : memref<32x1024xf32, #tpu.memory_space<vmem>>, vector<1x16xf32>,
      %get3A_789 = vector.shape_cast %get3A_788 : vector<1x16xf32> to vector<16xf32>
      %get3A_790 = arith.index_cast %scan3A_58 : i32 to index
      %get3A_791 = arith.constant 832 : index
      %get3A_792 = tpu.vector_load %arg9[%get3A_790, %get3A_791] {strides = array<i32>} : memref<32x1024xf32, #tpu.memory_space<vmem>>, vector<1x16xf32>,
      %get3A_793 = vector.shape_cast %get3A_792 : vector<1x16xf32> to vector<16xf32>
      %add3A_794 = arith.addf %get3A_789, %get3A_793 : vector<16xf32>
      %swap3A_795 = arith.index_cast %scan3A_58 : i32 to index
      %swap3A_796 = arith.constant 832 : index
      %swap3A_797 = tpu.vector_load %arg10[%swap3A_795, %swap3A_796] {strides = array<i32>} : memref<32x1024xf32, #tpu.memory_space<vmem>>, vector<1x16xf32>,
      %swap3A_798 = vector.shape_cast %swap3A_797 : vector<1x16xf32> to vector<16xf32>
      %swap3A_799 = vector.shape_cast %add3A_794 : vector<16xf32> to vector<1x16xf32>
      tpu.vector_store %arg10[%swap3A_795, %swap3A_796], %swap3A_799 {strides = array<i32>} : memref<32x1024xf32, #tpu.memory_space<vmem>>, vector<1x16xf32>,
      %get3A_800 = arith.index_cast %scan3A_58 : i32 to index
      %get3A_801 = arith.constant 848 : index
      %get3A_802 = tpu.vector_load %arg8[%get3A_800, %get3A_801] {strides = array<i32>} : memref<32x1024xf32, #tpu.memory_space<vmem>>, vector<1x16xf32>,
      %get3A_803 = vector.shape_cast %get3A_802 : vector<1x16xf32> to vector<16xf32>
      %get3A_804 = arith.index_cast %scan3A_58 : i32 to index
      %get3A_805 = arith.constant 848 : index
      %get3A_806 = tpu.vector_load %arg9[%get3A_804, %get3A_805] {strides = array<i32>} : memref<32x1024xf32, #tpu.memory_space<vmem>>, vector<1x16xf32>,
      %get3A_807 = vector.shape_cast %get3A_806 : vector<1x16xf32> to vector<16xf32>
      %add3A_808 = arith.addf %get3A_803, %get3A_807 : vector<16xf32>
      %swap3A_809 = arith.index_cast %scan3A_58 : i32 to index
      %swap3A_810 = arith.constant 848 : index
      %swap3A_811 = tpu.vector_load %arg10[%swap3A_809, %swap3A_810] {strides = array<i32>} : memref<32x1024xf32, #tpu.memory_space<vmem>>, vector<1x16xf32>,
      %swap3A_812 = vector.shape_cast %swap3A_811 : vector<1x16xf32> to vector<16xf32>
      %swap3A_813 = vector.shape_cast %add3A_808 : vector<16xf32> to vector<1x16xf32>
      tpu.vector_store %arg10[%swap3A_809, %swap3A_810], %swap3A_813 {strides = array<i32>} : memref<32x1024xf32, #tpu.memory_space<vmem>>, vector<1x16xf32>,
      %get3A_814 = arith.index_cast %scan3A_58 : i32 to index
      %get3A_815 = arith.constant 864 : index
      %get3A_816 = tpu.vector_load %arg8[%get3A_814, %get3A_815] {strides = array<i32>} : memref<32x1024xf32, #tpu.memory_space<vmem>>, vector<1x16xf32>,
      %get3A_817 = vector.shape_cast %get3A_816 : vector<1x16xf32> to vector<16xf32>
      %get3A_818 = arith.index_cast %scan3A_58 : i32 to index
      %get3A_819 = arith.constant 864 : index
      %get3A_820 = tpu.vector_load %arg9[%get3A_818, %get3A_819] {strides = array<i32>} : memref<32x1024xf32, #tpu.memory_space<vmem>>, vector<1x16xf32>,
      %get3A_821 = vector.shape_cast %get3A_820 : vector<1x16xf32> to vector<16xf32>
      %add3A_822 = arith.addf %get3A_817, %get3A_821 : vector<16xf32>
      %swap3A_823 = arith.index_cast %scan3A_58 : i32 to index
      %swap3A_824 = arith.constant 864 : index
      %swap3A_825 = tpu.vector_load %arg10[%swap3A_823, %swap3A_824] {strides = array<i32>} : memref<32x1024xf32, #tpu.memory_space<vmem>>, vector<1x16xf32>,
      %swap3A_826 = vector.shape_cast %swap3A_825 : vector<1x16xf32> to vector<16xf32>
      %swap3A_827 = vector.shape_cast %add3A_822 : vector<16xf32> to vector<1x16xf32>
      tpu.vector_store %arg10[%swap3A_823, %swap3A_824], %swap3A_827 {strides = array<i32>} : memref<32x1024xf32, #tpu.memory_space<vmem>>, vector<1x16xf32>,
      %get3A_828 = arith.index_cast %scan3A_58 : i32 to index
      %get3A_829 = arith.constant 880 : index
      %get3A_830 = tpu.vector_load %arg8[%get3A_828, %get3A_829] {strides = array<i32>} : memref<32x1024xf32, #tpu.memory_space<vmem>>, vector<1x16xf32>,
      %get3A_831 = vector.shape_cast %get3A_830 : vector<1x16xf32> to vector<16xf32>
      %get3A_832 = arith.index_cast %scan3A_58 : i32 to index
      %get3A_833 = arith.constant 880 : index
      %get3A_834 = tpu.vector_load %arg9[%get3A_832, %get3A_833] {strides = array<i32>} : memref<32x1024xf32, #tpu.memory_space<vmem>>, vector<1x16xf32>,
      %get3A_835 = vector.shape_cast %get3A_834 : vector<1x16xf32> to vector<16xf32>
      %add3A_836 = arith.addf %get3A_831, %get3A_835 : vector<16xf32>
      %swap3A_837 = arith.index_cast %scan3A_58 : i32 to index
      %swap3A_838 = arith.constant 880 : index
      %swap3A_839 = tpu.vector_load %arg10[%swap3A_837, %swap3A_838] {strides = array<i32>} : memref<32x1024xf32, #tpu.memory_space<vmem>>, vector<1x16xf32>,
      %swap3A_840 = vector.shape_cast %swap3A_839 : vector<1x16xf32> to vector<16xf32>
      %swap3A_841 = vector.shape_cast %add3A_836 : vector<16xf32> to vector<1x16xf32>
      tpu.vector_store %arg10[%swap3A_837, %swap3A_838], %swap3A_841 {strides = array<i32>} : memref<32x1024xf32, #tpu.memory_space<vmem>>, vector<1x16xf32>,
      %get3A_842 = arith.index_cast %scan3A_58 : i32 to index
      %get3A_843 = arith.constant 896 : index
      %get3A_844 = tpu.vector_load %arg8[%get3A_842, %get3A_843] {strides = array<i32>} : memref<32x1024xf32, #tpu.memory_space<vmem>>, vector<1x16xf32>,
      %get3A_845 = vector.shape_cast %get3A_844 : vector<1x16xf32> to vector<16xf32>
      %get3A_846 = arith.index_cast %scan3A_58 : i32 to index
      %get3A_847 = arith.constant 896 : index
      %get3A_848 = tpu.vector_load %arg9[%get3A_846, %get3A_847] {strides = array<i32>} : memref<32x1024xf32, #tpu.memory_space<vmem>>, vector<1x16xf32>,
      %get3A_849 = vector.shape_cast %get3A_848 : vector<1x16xf32> to vector<16xf32>
      %add3A_850 = arith.addf %get3A_845, %get3A_849 : vector<16xf32>
      %swap3A_851 = arith.index_cast %scan3A_58 : i32 to index
      %swap3A_852 = arith.constant 896 : index
      %swap3A_853 = tpu.vector_load %arg10[%swap3A_851, %swap3A_852] {strides = array<i32>} : memref<32x1024xf32, #tpu.memory_space<vmem>>, vector<1x16xf32>,
      %swap3A_854 = vector.shape_cast %swap3A_853 : vector<1x16xf32> to vector<16xf32>
      %swap3A_855 = vector.shape_cast %add3A_850 : vector<16xf32> to vector<1x16xf32>
      tpu.vector_store %arg10[%swap3A_851, %swap3A_852], %swap3A_855 {strides = array<i32>} : memref<32x1024xf32, #tpu.memory_space<vmem>>, vector<1x16xf32>,
      %get3A_856 = arith.index_cast %scan3A_58 : i32 to index
      %get3A_857 = arith.constant 912 : index
      %get3A_858 = tpu.vector_load %arg8[%get3A_856, %get3A_857] {strides = array<i32>} : memref<32x1024xf32, #tpu.memory_space<vmem>>, vector<1x16xf32>,
      %get3A_859 = vector.shape_cast %get3A_858 : vector<1x16xf32> to vector<16xf32>
      %get3A_860 = arith.index_cast %scan3A_58 : i32 to index
      %get3A_861 = arith.constant 912 : index
      %get3A_862 = tpu.vector_load %arg9[%get3A_860, %get3A_861] {strides = array<i32>} : memref<32x1024xf32, #tpu.memory_space<vmem>>, vector<1x16xf32>,
      %get3A_863 = vector.shape_cast %get3A_862 : vector<1x16xf32> to vector<16xf32>
      %add3A_864 = arith.addf %get3A_859, %get3A_863 : vector<16xf32>
      %swap3A_865 = arith.index_cast %scan3A_58 : i32 to index
      %swap3A_866 = arith.constant 912 : index
      %swap3A_867 = tpu.vector_load %arg10[%swap3A_865, %swap3A_866] {strides = array<i32>} : memref<32x1024xf32, #tpu.memory_space<vmem>>, vector<1x16xf32>,
      %swap3A_868 = vector.shape_cast %swap3A_867 : vector<1x16xf32> to vector<16xf32>
      %swap3A_869 = vector.shape_cast %add3A_864 : vector<16xf32> to vector<1x16xf32>
      tpu.vector_store %arg10[%swap3A_865, %swap3A_866], %swap3A_869 {strides = array<i32>} : memref<32x1024xf32, #tpu.memory_space<vmem>>, vector<1x16xf32>,
      %get3A_870 = arith.index_cast %scan3A_58 : i32 to index
      %get3A_871 = arith.constant 928 : index
      %get3A_872 = tpu.vector_load %arg8[%get3A_870, %get3A_871] {strides = array<i32>} : memref<32x1024xf32, #tpu.memory_space<vmem>>, vector<1x16xf32>,
      %get3A_873 = vector.shape_cast %get3A_872 : vector<1x16xf32> to vector<16xf32>
      %get3A_874 = arith.index_cast %scan3A_58 : i32 to index
      %get3A_875 = arith.constant 928 : index
      %get3A_876 = tpu.vector_load %arg9[%get3A_874, %get3A_875] {strides = array<i32>} : memref<32x1024xf32, #tpu.memory_space<vmem>>, vector<1x16xf32>,
      %get3A_877 = vector.shape_cast %get3A_876 : vector<1x16xf32> to vector<16xf32>
      %add3A_878 = arith.addf %get3A_873, %get3A_877 : vector<16xf32>
      %swap3A_879 = arith.index_cast %scan3A_58 : i32 to index
      %swap3A_880 = arith.constant 928 : index
      %swap3A_881 = tpu.vector_load %arg10[%swap3A_879, %swap3A_880] {strides = array<i32>} : memref<32x1024xf32, #tpu.memory_space<vmem>>, vector<1x16xf32>,
      %swap3A_882 = vector.shape_cast %swap3A_881 : vector<1x16xf32> to vector<16xf32>
      %swap3A_883 = vector.shape_cast %add3A_878 : vector<16xf32> to vector<1x16xf32>
      tpu.vector_store %arg10[%swap3A_879, %swap3A_880], %swap3A_883 {strides = array<i32>} : memref<32x1024xf32, #tpu.memory_space<vmem>>, vector<1x16xf32>,
      %get3A_884 = arith.index_cast %scan3A_58 : i32 to index
      %get3A_885 = arith.constant 944 : index
      %get3A_886 = tpu.vector_load %arg8[%get3A_884, %get3A_885] {strides = array<i32>} : memref<32x1024xf32, #tpu.memory_space<vmem>>, vector<1x16xf32>,
      %get3A_887 = vector.shape_cast %get3A_886 : vector<1x16xf32> to vector<16xf32>
      %get3A_888 = arith.index_cast %scan3A_58 : i32 to index
      %get3A_889 = arith.constant 944 : index
      %get3A_890 = tpu.vector_load %arg9[%get3A_888, %get3A_889] {strides = array<i32>} : memref<32x1024xf32, #tpu.memory_space<vmem>>, vector<1x16xf32>,
      %get3A_891 = vector.shape_cast %get3A_890 : vector<1x16xf32> to vector<16xf32>
      %add3A_892 = arith.addf %get3A_887, %get3A_891 : vector<16xf32>
      %swap3A_893 = arith.index_cast %scan3A_58 : i32 to index
      %swap3A_894 = arith.constant 944 : index
      %swap3A_895 = tpu.vector_load %arg10[%swap3A_893, %swap3A_894] {strides = array<i32>} : memref<32x1024xf32, #tpu.memory_space<vmem>>, vector<1x16xf32>,
      %swap3A_896 = vector.shape_cast %swap3A_895 : vector<1x16xf32> to vector<16xf32>
      %swap3A_897 = vector.shape_cast %add3A_892 : vector<16xf32> to vector<1x16xf32>
      tpu.vector_store %arg10[%swap3A_893, %swap3A_894], %swap3A_897 {strides = array<i32>} : memref<32x1024xf32, #tpu.memory_space<vmem>>, vector<1x16xf32>,
      %get3A_898 = arith.index_cast %scan3A_58 : i32 to index
      %get3A_899 = arith.constant 960 : index
      %get3A_900 = tpu.vector_load %arg8[%get3A_898, %get3A_899] {strides = array<i32>} : memref<32x1024xf32, #tpu.memory_space<vmem>>, vector<1x16xf32>,
      %get3A_901 = vector.shape_cast %get3A_900 : vector<1x16xf32> to vector<16xf32>
      %get3A_902 = arith.index_cast %scan3A_58 : i32 to index
      %get3A_903 = arith.constant 960 : index
      %get3A_904 = tpu.vector_load %arg9[%get3A_902, %get3A_903] {strides = array<i32>} : memref<32x1024xf32, #tpu.memory_space<vmem>>, vector<1x16xf32>,
      %get3A_905 = vector.shape_cast %get3A_904 : vector<1x16xf32> to vector<16xf32>
      %add3A_906 = arith.addf %get3A_901, %get3A_905 : vector<16xf32>
      %swap3A_907 = arith.index_cast %scan3A_58 : i32 to index
      %swap3A_908 = arith.constant 960 : index
      %swap3A_909 = tpu.vector_load %arg10[%swap3A_907, %swap3A_908] {strides = array<i32>} : memref<32x1024xf32, #tpu.memory_space<vmem>>, vector<1x16xf32>,
      %swap3A_910 = vector.shape_cast %swap3A_909 : vector<1x16xf32> to vector<16xf32>
      %swap3A_911 = vector.shape_cast %add3A_906 : vector<16xf32> to vector<1x16xf32>
      tpu.vector_store %arg10[%swap3A_907, %swap3A_908], %swap3A_911 {strides = array<i32>} : memref<32x1024xf32, #tpu.memory_space<vmem>>, vector<1x16xf32>,
      %get3A_912 = arith.index_cast %scan3A_58 : i32 to index
      %get3A_913 = arith.constant 976 : index
      %get3A_914 = tpu.vector_load %arg8[%get3A_912, %get3A_913] {strides = array<i32>} : memref<32x1024xf32, #tpu.memory_space<vmem>>, vector<1x16xf32>,
      %get3A_915 = vector.shape_cast %get3A_914 : vector<1x16xf32> to vector<16xf32>
      %get3A_916 = arith.index_cast %scan3A_58 : i32 to index
      %get3A_917 = arith.constant 976 : index
      %get3A_918 = tpu.vector_load %arg9[%get3A_916, %get3A_917] {strides = array<i32>} : memref<32x1024xf32, #tpu.memory_space<vmem>>, vector<1x16xf32>,
      %get3A_919 = vector.shape_cast %get3A_918 : vector<1x16xf32> to vector<16xf32>
      %add3A_920 = arith.addf %get3A_915, %get3A_919 : vector<16xf32>
      %swap3A_921 = arith.index_cast %scan3A_58 : i32 to index
      %swap3A_922 = arith.constant 976 : index
      %swap3A_923 = tpu.vector_load %arg10[%swap3A_921, %swap3A_922] {strides = array<i32>} : memref<32x1024xf32, #tpu.memory_space<vmem>>, vector<1x16xf32>,
      %swap3A_924 = vector.shape_cast %swap3A_923 : vector<1x16xf32> to vector<16xf32>
      %swap3A_925 = vector.shape_cast %add3A_920 : vector<16xf32> to vector<1x16xf32>
      tpu.vector_store %arg10[%swap3A_921, %swap3A_922], %swap3A_925 {strides = array<i32>} : memref<32x1024xf32, #tpu.memory_space<vmem>>, vector<1x16xf32>,
      %get3A_926 = arith.index_cast %scan3A_58 : i32 to index
      %get3A_927 = arith.constant 992 : index
      %get3A_928 = tpu.vector_load %arg8[%get3A_926, %get3A_927] {strides = array<i32>} : memref<32x1024xf32, #tpu.memory_space<vmem>>, vector<1x16xf32>,
      %get3A_929 = vector.shape_cast %get3A_928 : vector<1x16xf32> to vector<16xf32>
      %get3A_930 = arith.index_cast %scan3A_58 : i32 to index
      %get3A_931 = arith.constant 992 : index
      %get3A_932 = tpu.vector_load %arg9[%get3A_930, %get3A_931] {strides = array<i32>} : memref<32x1024xf32, #tpu.memory_space<vmem>>, vector<1x16xf32>,
      %get3A_933 = vector.shape_cast %get3A_932 : vector<1x16xf32> to vector<16xf32>
      %add3A_934 = arith.addf %get3A_929, %get3A_933 : vector<16xf32>
      %swap3A_935 = arith.index_cast %scan3A_58 : i32 to index
      %swap3A_936 = arith.constant 992 : index
      %swap3A_937 = tpu.vector_load %arg10[%swap3A_935, %swap3A_936] {strides = array<i32>} : memref<32x1024xf32, #tpu.memory_space<vmem>>, vector<1x16xf32>,
      %swap3A_938 = vector.shape_cast %swap3A_937 : vector<1x16xf32> to vector<16xf32>
      %swap3A_939 = vector.shape_cast %add3A_934 : vector<16xf32> to vector<1x16xf32>
      tpu.vector_store %arg10[%swap3A_935, %swap3A_936], %swap3A_939 {strides = array<i32>} : memref<32x1024xf32, #tpu.memory_space<vmem>>, vector<1x16xf32>,
      %get3A_940 = arith.index_cast %scan3A_58 : i32 to index
      %get3A_941 = arith.constant 1008 : index
      %get3A_942 = tpu.vector_load %arg8[%get3A_940, %get3A_941] {strides = array<i32>} : memref<32x1024xf32, #tpu.memory_space<vmem>>, vector<1x16xf32>,
      %get3A_943 = vector.shape_cast %get3A_942 : vector<1x16xf32> to vector<16xf32>
      %get3A_944 = arith.index_cast %scan3A_58 : i32 to index
      %get3A_945 = arith.constant 1008 : index
      %get3A_946 = tpu.vector_load %arg9[%get3A_944, %get3A_945] {strides = array<i32>} : memref<32x1024xf32, #tpu.memory_space<vmem>>, vector<1x16xf32>,
      %get3A_947 = vector.shape_cast %get3A_946 : vector<1x16xf32> to vector<16xf32>
      %add3A_948 = arith.addf %get3A_943, %get3A_947 : vector<16xf32>
      %swap3A_949 = arith.index_cast %scan3A_58 : i32 to index
      %swap3A_950 = arith.constant 1008 : index
      %swap3A_951 = tpu.vector_load %arg10[%swap3A_949, %swap3A_950] {strides = array<i32>} : memref<32x1024xf32, #tpu.memory_space<vmem>>, vector<1x16xf32>,
      %swap3A_952 = vector.shape_cast %swap3A_951 : vector<1x16xf32> to vector<16xf32>
      %swap3A_953 = vector.shape_cast %add3A_948 : vector<16xf32> to vector<1x16xf32>
      tpu.vector_store %arg10[%swap3A_949, %swap3A_950], %swap3A_953 {strides = array<i32>} : memref<32x1024xf32, #tpu.memory_space<vmem>>, vector<1x16xf32>,
      %scan3A_954 = arith.constant 0 : i32
      scf.yield %scan3A_954 : i32
    }
    %scan3A_55 = arith.constant 32 : i32
    %add3A_56 = arith.constant 32 : i32
    %add3A_57 = arith.addi %mul3A_2, %add3A_56 : i32
    "tpu.region"() ({
      %run_scoped3A = tpu.sem_alloc : memref<!tpu.dma_semaphore, #tpu.memory_space<semaphore_mem>>
      %dma_start3A_58 = arith.constant 0 : i32
      %dma_start3A_59 = tpu.memref_slice %arg5[%add3A_57, %dma_start3A_58] : memref<2048x1024xf32, #tpu.memory_space<hbm>> -> memref<32x1024xf32, #tpu.memory_space<hbm>>
      %dma_start3A_60 = arith.constant 0 : i32
      %dma_start3A_61 = tpu.memref_slice %arg5[%add3A_57, %dma_start3A_60] : memref<2048x1024xf32, #tpu.memory_space<hbm>> -> memref<32x1024xf32, #tpu.memory_space<hbm>>
      tpu.enqueue_dma source(%arg10 : memref<32x1024xf32, #tpu.memory_space<vmem>>) target(%dma_start3A_61 : memref<32x1024xf32, #tpu.memory_space<hbm>>) target_semaphore(%run_scoped3A : memref<!tpu.dma_semaphore, #tpu.memory_space<semaphore_mem>>)
      %dma_wait3A_62 = arith.constant 0 : i32
      %dma_wait3A_63 = tpu.memref_slice %arg5[%add3A_57, %dma_wait3A_62] : memref<2048x1024xf32, #tpu.memory_space<hbm>> -> memref<32x1024xf32, #tpu.memory_space<hbm>>
      %dma_wait3A_64 = arith.constant 0 : i32
      %dma_wait3A_65 = tpu.memref_slice %arg5[%add3A_57, %dma_wait3A_64] : memref<2048x1024xf32, #tpu.memory_space<hbm>> -> memref<32x1024xf32, #tpu.memory_space<hbm>>
      tpu.wait_dma2 semaphore(%run_scoped3A : memref<!tpu.dma_semaphore, #tpu.memory_space<semaphore_mem>>) src(%arg10 : memref<32x1024xf32, #tpu.memory_space<vmem>>) dst(%dma_wait3A_65 : memref<32x1024xf32, #tpu.memory_space<hbm>>)
      tpu.yield
    }) : () -> ()
    return
  }
}

module attributes {stable_mosaic.version = 14 : i64} {
  func.func @_moe_body(%arg0: i32, %arg1: memref<2048x1024xf32, #tpu.memory_space<vmem>>, %arg2: memref<64x1024xf32, #tpu.memory_space<vmem>>, %arg3: memref<1x512x1024xf32, #tpu.memory_space<vmem>>, %arg4: memref<1x512x1024xf32, #tpu.memory_space<vmem>>, %arg5: memref<1x1024x512xf32, #tpu.memory_space<vmem>>, %arg6: memref<128x1024xf32, #tpu.memory_space<vmem>>, %arg7: memref<2048x1xi32, #tpu.memory_space<vmem>>, %arg8: memref<2048x1xi32, #tpu.memory_space<vmem>>, %arg9: memref<64x128xi32, #tpu.memory_space<vmem>>, %arg10: memref<64x128xf32, #tpu.memory_space<vmem>>) attributes {dimension_semantics = [#tpu.dimension_semantics<arbitrary>], iteration_bounds = array<i64: 65>, scalar_prefetch = 0 : i64, scratch_operands = 2 : i64, tpu.core_type = #tpu.core_type<tc>, window_params = [{pipeline_mode = #tpu.pipeline_mode<synchronous>, transform_indices = @transform_0, window_bounds = array<i64: 2048, 1024>}, {pipeline_mode = #tpu.pipeline_mode<synchronous>, transform_indices = @transform_1, window_bounds = array<i64: 64, 1024>}, {transform_indices = @transform_2, window_bounds = array<i64: 1, 512, 1024>}, {transform_indices = @transform_3, window_bounds = array<i64: 1, 512, 1024>}, {transform_indices = @transform_4, window_bounds = array<i64: 1, 1024, 512>}, {transform_indices = @transform_5, window_bounds = array<i64: 128, 1024>}, {pipeline_mode = #tpu.pipeline_mode<synchronous>, transform_indices = @transform_6, window_bounds = array<i64: 2048, 1>}, {pipeline_mode = #tpu.pipeline_mode<synchronous>, transform_indices = @transform_7, window_bounds = array<i64: 2048, 1>}]} {
    %eq3A = arith.constant 0 : i32
    %eq3A_0 = arith.cmpi eq, %arg0, %eq3A : i32
    %convert_element_type3A = arith.extui %eq3A_0 : i1 to i32
    %cond3A = arith.constant 0 : i32
    %cond3A_1 = arith.cmpi ne, %convert_element_type3A, %cond3A : i32
    scf.if %cond3A_1 {
      %get3A = arith.constant 0 : index
      %get3A_10 = arith.constant 0 : index
      %get3A_11 = vector.load %arg1[%get3A, %get3A_10] : memref<2048x1024xf32, #tpu.memory_space<vmem>>, vector<2048x1024xf32>
      %get3A_12 = arith.constant 0 : index
      %get3A_13 = arith.constant 0 : index
      %get3A_14 = vector.load %arg2[%get3A_12, %get3A_13] : memref<64x1024xf32, #tpu.memory_space<vmem>>, vector<64x1024xf32>
      %dot_general3A = arith.constant dense<0.000000e+00> : vector<2048x64xf32>
      %dot_general3A_15 = tpu.matmul %get3A_11, %get3A_14, %dot_general3A {dimension_numbers = #tpu.dot_dimension_numbers<[1], [1], [0], [0], [0, 0, 1, 0], [], []>, transpose_lhs_hint = false} : vector<2048x1024xf32>, vector<64x1024xf32>, vector<2048x64xf32> -> vector<2048x64xf32>
      %reduce_max3A = arith.constant dense<0xFF800000> : vector<2048xf32>
      %reduce_max3A_16 = vector.multi_reduction <maximumf>, %dot_general3A_15, %reduce_max3A [1] : vector<2048x64xf32> to vector<2048xf32>
      %max3A = arith.constant 0xFF800000 : f32
      %max3A_17 = vector.broadcast %max3A : f32 to vector<2048xf32>
      %max3A_18 = arith.maximumf %max3A_17, %reduce_max3A_16 : vector<2048xf32>
      %broadcast_in_dim3A = vector.shape_cast %max3A_18 : vector<2048xf32> to vector<2048x1xf32>
      %sub3A = vector.broadcast %broadcast_in_dim3A : vector<2048x1xf32> to vector<2048x64xf32>
      %sub3A_19 = arith.subf %dot_general3A_15, %sub3A : vector<2048x64xf32>
      %exp3A = math.exp %sub3A_19 : vector<2048x64xf32>
      %reduce_sum3A = arith.constant dense<0.000000e+00> : vector<2048xf32>
      %reduce_sum3A_20 = vector.multi_reduction <add>, %exp3A, %reduce_sum3A [1] : vector<2048x64xf32> to vector<2048xf32>
      %broadcast_in_dim3A_21 = vector.shape_cast %reduce_sum3A_20 : vector<2048xf32> to vector<2048x1xf32>
      %div3A = vector.broadcast %broadcast_in_dim3A_21 : vector<2048x1xf32> to vector<2048x64xf32>
      %div3A_22 = arith.divf %exp3A, %div3A : vector<2048x64xf32>
      %iota3A = tpu.iota {dimensions = array<i32: 1>} : vector<2048x64xi32>
      %reduce_max3A_23 = arith.constant dense<0xFF800000> : vector<2048xf32>
      %reduce_max3A_24 = vector.multi_reduction <maximumf>, %div3A_22, %reduce_max3A_23 [1] : vector<2048x64xf32> to vector<2048xf32>
      %broadcast_in_dim3A_25 = vector.shape_cast %reduce_max3A_24 : vector<2048xf32> to vector<2048x1xf32>
      %ge3A_26 = vector.broadcast %broadcast_in_dim3A_25 : vector<2048x1xf32> to vector<2048x64xf32>
      %ge3A_27 = arith.cmpf oge, %div3A_22, %ge3A_26 : vector<2048x64xf32>
      %jit3A = arith.constant 64 : i32
      %broadcast_in_dim3A_28 = vector.broadcast %jit3A : i32 to vector<2048x64xi32>
      %select_n3A = arith.select %ge3A_27, %iota3A, %broadcast_in_dim3A_28 : vector<2048x64xi1>, vector<2048x64xi32>
      %reduce_min3A = arith.constant dense<2147483647> : vector<2048xi32>
      %reduce_min3A_29 = vector.multi_reduction <minsi>, %select_n3A, %reduce_min3A [1] : vector<2048x64xi32> to vector<2048xi32>
      %broadcast_in_dim3A_30 = vector.shape_cast %reduce_min3A_29 : vector<2048xi32> to vector<2048x1xi32>
      %eq3A_31 = vector.broadcast %broadcast_in_dim3A_30 : vector<2048x1xi32> to vector<2048x64xi32>
      %eq3A_32 = arith.cmpi eq, %iota3A, %eq3A_31 : vector<2048x64xi32>
      %jit3A_33 = arith.constant 0xFF800000 : f32
      %broadcast_in_dim3A_34 = vector.broadcast %jit3A_33 : f32 to vector<2048x64xf32>
      %select_n3A_35 = arith.select %eq3A_32, %broadcast_in_dim3A_34, %div3A_22 : vector<2048x64xi1>, vector<2048x64xf32>
      %reduce_max3A_36 = arith.constant dense<0xFF800000> : vector<2048xf32>
      %reduce_max3A_37 = vector.multi_reduction <maximumf>, %select_n3A_35, %reduce_max3A_36 [1] : vector<2048x64xf32> to vector<2048xf32>
      %broadcast_in_dim3A_38 = vector.shape_cast %reduce_max3A_37 : vector<2048xf32> to vector<2048x1xf32>
      %ge3A_39 = vector.broadcast %broadcast_in_dim3A_38 : vector<2048x1xf32> to vector<2048x64xf32>
      %ge3A_40 = arith.cmpf oge, %select_n3A_35, %ge3A_39 : vector<2048x64xf32>
      %jit3A_41 = arith.constant 64 : i32
      %broadcast_in_dim3A_42 = vector.broadcast %jit3A_41 : i32 to vector<2048x64xi32>
      %select_n3A_43 = arith.select %ge3A_40, %iota3A, %broadcast_in_dim3A_42 : vector<2048x64xi1>, vector<2048x64xi32>
      %reduce_min3A_44 = arith.constant dense<2147483647> : vector<2048xi32>
      %reduce_min3A_45 = vector.multi_reduction <minsi>, %select_n3A_43, %reduce_min3A_44 [1] : vector<2048x64xi32> to vector<2048xi32>
      %broadcast_in_dim3A_46 = vector.shape_cast %reduce_min3A_45 : vector<2048xi32> to vector<2048x1xi32>
      %eq3A_47 = vector.broadcast %broadcast_in_dim3A_46 : vector<2048x1xi32> to vector<2048x64xi32>
      %eq3A_48 = arith.cmpi eq, %iota3A, %eq3A_47 : vector<2048x64xi32>
      %add3A = arith.addf %broadcast_in_dim3A_25, %broadcast_in_dim3A_38 : vector<2048x1xf32>
      %div3A_49 = arith.divf %broadcast_in_dim3A_25, %add3A : vector<2048x1xf32>
      %div3A_50 = arith.divf %broadcast_in_dim3A_38, %add3A : vector<2048x1xf32>
      %convert_element_type3A_51 = arith.extui %eq3A_32 : vector<2048x64xi1> to vector<2048x64xi32>
      %convert_element_type3A_52 = arith.sitofp %convert_element_type3A_51 : vector<2048x64xi32> to vector<2048x64xf32>
      %convert_element_type3A_53 = arith.extui %eq3A_48 : vector<2048x64xi1> to vector<2048x64xi32>
      %convert_element_type3A_54 = arith.sitofp %convert_element_type3A_53 : vector<2048x64xi32> to vector<2048x64xf32>
      %add3A_55 = arith.addf %convert_element_type3A_52, %convert_element_type3A_54 : vector<2048x64xf32>
      %iota3A_56 = tpu.iota {dimensions = array<i32: 0>} : vector<1024x1024xi32>
      %iota3A_57 = tpu.iota {dimensions = array<i32: 1>} : vector<1024x1024xi32>
      %gt3A = arith.cmpi sgt, %iota3A_56, %iota3A_57 : vector<1024x1024xi32>
      %convert_element_type3A_58 = arith.extui %gt3A : vector<1024x1024xi1> to vector<1024x1024xi32>
      %convert_element_type3A_59 = arith.sitofp %convert_element_type3A_58 : vector<1024x1024xi32> to vector<1024x1024xf32>
      %broadcast_in_dim3A_60 = arith.constant 0.000000e+00 : f32
      %broadcast_in_dim3A_61 = vector.broadcast %broadcast_in_dim3A_60 : f32 to vector<1x64xf32>
      %slice3A = vector.extract_strided_slice %add3A_55 {offsets = [0, 0], sizes = [1024, 64], strides = [1, 1]} : vector<2048x64xf32> to vector<1024x64xf32>
      %dot_general3A_62 = arith.constant dense<0.000000e+00> : vector<1024x64xf32>
      %dot_general3A_63 = tpu.matmul %convert_element_type3A_59, %slice3A, %dot_general3A_62 {dimension_numbers = #tpu.dot_dimension_numbers<[1], [0], [0], [1], [0, 0, 1, 1], [], []>, transpose_lhs_hint = false} : vector<1024x1024xf32>, vector<1024x64xf32>, vector<1024x64xf32> -> vector<1024x64xf32>
      %add3A_64 = vector.broadcast %broadcast_in_dim3A_61 : vector<1x64xf32> to vector<1024x64xf32>
      %add3A_65 = arith.addf %dot_general3A_63, %add3A_64 : vector<1024x64xf32>
      %reduce_sum3A_66 = arith.constant dense<0.000000e+00> : vector<64xf32>
      %reduce_sum3A_67 = vector.multi_reduction <add>, %slice3A, %reduce_sum3A_66 [0] : vector<1024x64xf32> to vector<64xf32>
      %broadcast_in_dim3A_68 = vector.shape_cast %reduce_sum3A_67 : vector<64xf32> to vector<1x64xf32>
      %add3A_69 = arith.addf %broadcast_in_dim3A_61, %broadcast_in_dim3A_68 : vector<1x64xf32>
      %slice3A_70 = vector.extract_strided_slice %add3A_55 {offsets = [1024, 0], sizes = [1024, 64], strides = [1, 1]} : vector<2048x64xf32> to vector<1024x64xf32>
      %dot_general3A_71 = arith.constant dense<0.000000e+00> : vector<1024x64xf32>
      %dot_general3A_72 = tpu.matmul %convert_element_type3A_59, %slice3A_70, %dot_general3A_71 {dimension_numbers = #tpu.dot_dimension_numbers<[1], [0], [0], [1], [0, 0, 1, 1], [], []>, transpose_lhs_hint = false} : vector<1024x1024xf32>, vector<1024x64xf32>, vector<1024x64xf32> -> vector<1024x64xf32>
      %add3A_73 = vector.broadcast %add3A_69 : vector<1x64xf32> to vector<1024x64xf32>
      %add3A_74 = arith.addf %dot_general3A_72, %add3A_73 : vector<1024x64xf32>
      %concatenate3A = tpu.concatenate %add3A_65, %add3A_74 in 0 : vector<1024x64xf32>, vector<1024x64xf32> -> vector<2048x64xf32>
      %jit3A_75 = arith.constant 0.000000e+00 : f32
      %broadcast_in_dim3A_76 = vector.broadcast %jit3A_75 : f32 to vector<2048x64xf32>
      %select_n3A_77 = arith.select %eq3A_32, %concatenate3A, %broadcast_in_dim3A_76 : vector<2048x64xi1>, vector<2048x64xf32>
      %reduce_sum3A_78 = arith.constant dense<0.000000e+00> : vector<2048xf32>
      %reduce_sum3A_79 = vector.multi_reduction <add>, %select_n3A_77, %reduce_sum3A_78 [1] : vector<2048x64xf32> to vector<2048xf32>
      %broadcast_in_dim3A_80 = vector.shape_cast %reduce_sum3A_79 : vector<2048xf32> to vector<2048x1xf32>
      %jit3A_81 = arith.constant 0.000000e+00 : f32
      %broadcast_in_dim3A_82 = vector.broadcast %jit3A_81 : f32 to vector<2048x64xf32>
      %select_n3A_83 = arith.select %eq3A_48, %concatenate3A, %broadcast_in_dim3A_82 : vector<2048x64xi1>, vector<2048x64xf32>
      %reduce_sum3A_84 = arith.constant dense<0.000000e+00> : vector<2048xf32>
      %reduce_sum3A_85 = vector.multi_reduction <add>, %select_n3A_83, %reduce_sum3A_84 [1] : vector<2048x64xf32> to vector<2048xf32>
      %broadcast_in_dim3A_86 = vector.shape_cast %reduce_sum3A_85 : vector<2048xf32> to vector<2048x1xf32>
      %convert_element_type3A_87 = arith.fptosi %broadcast_in_dim3A_80 : vector<2048x1xf32> to vector<2048x1xi32>
      %convert_element_type3A_88 = arith.fptosi %broadcast_in_dim3A_86 : vector<2048x1xf32> to vector<2048x1xi32>
      %iota3A_89 = tpu.iota {dimensions = array<i32: 1>} : vector<2048x128xi32>
      %eq3A_90 = vector.broadcast %convert_element_type3A_87 : vector<2048x1xi32> to vector<2048x128xi32>
      %eq3A_91 = arith.cmpi eq, %iota3A_89, %eq3A_90 : vector<2048x128xi32>
      %convert_element_type3A_92 = arith.extui %eq3A_91 : vector<2048x128xi1> to vector<2048x128xi32>
      %convert_element_type3A_93 = arith.sitofp %convert_element_type3A_92 : vector<2048x128xi32> to vector<2048x128xf32>
      %eq3A_94 = vector.broadcast %convert_element_type3A_88 : vector<2048x1xi32> to vector<2048x128xi32>
      %eq3A_95 = arith.cmpi eq, %iota3A_89, %eq3A_94 : vector<2048x128xi32>
      %convert_element_type3A_96 = arith.extui %eq3A_95 : vector<2048x128xi1> to vector<2048x128xi32>
      %convert_element_type3A_97 = arith.sitofp %convert_element_type3A_96 : vector<2048x128xi32> to vector<2048x128xf32>
      %mul3A = vector.broadcast %div3A_49 : vector<2048x1xf32> to vector<2048x64xf32>
      %mul3A_98 = arith.mulf %convert_element_type3A_52, %mul3A : vector<2048x64xf32>
      %dot_general3A_99 = arith.constant dense<0.000000e+00> : vector<64x128xf32>
      %dot_general3A_100 = tpu.matmul %mul3A_98, %convert_element_type3A_93, %dot_general3A_99 {dimension_numbers = #tpu.dot_dimension_numbers<[0], [0], [1], [1], [0, 1, 1, 1], [], []>, transpose_lhs_hint = false} : vector<2048x64xf32>, vector<2048x128xf32>, vector<64x128xf32> -> vector<64x128xf32>
      %mul3A_101 = vector.broadcast %div3A_50 : vector<2048x1xf32> to vector<2048x64xf32>
      %mul3A_102 = arith.mulf %convert_element_type3A_54, %mul3A_101 : vector<2048x64xf32>
      %dot_general3A_103 = arith.constant dense<0.000000e+00> : vector<64x128xf32>
      %dot_general3A_104 = tpu.matmul %mul3A_102, %convert_element_type3A_97, %dot_general3A_103 {dimension_numbers = #tpu.dot_dimension_numbers<[0], [0], [1], [1], [0, 1, 1, 1], [], []>, transpose_lhs_hint = false} : vector<2048x64xf32>, vector<2048x128xf32>, vector<64x128xf32> -> vector<64x128xf32>
      %add3A_105 = arith.addf %dot_general3A_100, %dot_general3A_104 : vector<64x128xf32>
      %swap3A = arith.constant 0 : index
      %swap3A_106 = arith.constant 0 : index
      %swap3A_107 = vector.load %arg10[%swap3A, %swap3A_106] : memref<64x128xf32, #tpu.memory_space<vmem>>, vector<64x128xf32>
      tpu.vector_store %arg10[%swap3A, %swap3A_106], %add3A_105 {strides = array<i32>} : memref<64x128xf32, #tpu.memory_space<vmem>>, vector<64x128xf32>,
      %iota3A_108 = tpu.iota {dimensions = array<i32: 0>} : vector<2048x1xi32>
      %jit3A_109 = arith.constant 16 : i32
      %div3A_110 = vector.broadcast %jit3A_109 : i32 to vector<2048x1xi32>
      %div3A_111 = arith.divsi %iota3A_108, %div3A_110 : vector<2048x1xi32>
      %sign3A = arith.constant 0 : i32
      %sign3A_112 = vector.broadcast %sign3A : i32 to vector<2048x1xi32>
      %sign3A_113 = arith.cmpi sgt, %iota3A_108, %sign3A_112 : vector<2048x1xi32>
      %sign3A_114 = arith.extui %sign3A_113 : vector<2048x1xi1> to vector<2048x1xi32>
      %sign3A_115 = arith.constant 0 : i32
      %sign3A_116 = vector.broadcast %sign3A_115 : i32 to vector<2048x1xi32>
      %sign3A_117 = arith.cmpi slt, %iota3A_108, %sign3A_116 : vector<2048x1xi32>
      %sign3A_118 = arith.extui %sign3A_117 : vector<2048x1xi1> to vector<2048x1xi32>
      %sign3A_119 = arith.subi %sign3A_114, %sign3A_118 : vector<2048x1xi32>
      %sign3A_120 = arith.constant 0 : i32
      %sign3A_121 = arith.cmpi sgt, %jit3A_109, %sign3A_120 : i32
      %sign3A_122 = arith.extui %sign3A_121 : i1 to i32
      %sign3A_123 = arith.constant 0 : i32
      %sign3A_124 = arith.cmpi slt, %jit3A_109, %sign3A_123 : i32
      %sign3A_125 = arith.extui %sign3A_124 : i1 to i32
      %sign3A_126 = arith.subi %sign3A_122, %sign3A_125 : i32
      %ne3A = vector.broadcast %sign3A_126 : i32 to vector<2048x1xi32>
      %ne3A_127 = arith.cmpi ne, %sign3A_119, %ne3A : vector<2048x1xi32>
      %rem3A = vector.broadcast %jit3A_109 : i32 to vector<2048x1xi32>
      %rem3A_128 = arith.remsi %iota3A_108, %rem3A : vector<2048x1xi32>
      %ne3A_129 = arith.constant 0 : i32
      %ne3A_130 = vector.broadcast %ne3A_129 : i32 to vector<2048x1xi32>
      %ne3A_131 = arith.cmpi ne, %rem3A_128, %ne3A_130 : vector<2048x1xi32>
      %and3A = arith.andi %ne3A_127, %ne3A_131 : vector<2048x1xi1>
      %sub3A_132 = arith.constant 1 : i32
      %sub3A_133 = vector.broadcast %sub3A_132 : i32 to vector<2048x1xi32>
      %sub3A_134 = arith.subi %div3A_111, %sub3A_133 : vector<2048x1xi32>
      %select_n3A_135 = arith.select %and3A, %sub3A_134, %div3A_111 : vector<2048x1xi1>, vector<2048x1xi32>
      %convert_element_type3A_136 = arith.sitofp %select_n3A_135 : vector<2048x1xi32> to vector<2048x1xf32>
      %jit3A_137 = arith.constant 16 : i32
      %eq3A_138 = arith.constant 0 : i32
      %eq3A_139 = arith.cmpi eq, %jit3A_137, %eq3A_138 : i32
      %jit3A_140 = arith.constant 1 : i32
      %select_n3A_141 = arith.select %eq3A_139, %jit3A_140, %jit3A_137 : i32
      %rem3A_142 = vector.broadcast %select_n3A_141 : i32 to vector<2048x1xi32>
      %rem3A_143 = arith.remsi %iota3A_108, %rem3A_142 : vector<2048x1xi32>
      %ne3A_144 = arith.constant 0 : i32
      %ne3A_145 = vector.broadcast %ne3A_144 : i32 to vector<2048x1xi32>
      %ne3A_146 = arith.cmpi ne, %rem3A_143, %ne3A_145 : vector<2048x1xi32>
      %lt3A_147 = arith.constant 0 : i32
      %lt3A_148 = vector.broadcast %lt3A_147 : i32 to vector<2048x1xi32>
      %lt3A_149 = arith.cmpi slt, %rem3A_143, %lt3A_148 : vector<2048x1xi32>
      %lt3A_150 = arith.constant 0 : i32
      %lt3A_151 = arith.cmpi slt, %select_n3A_141, %lt3A_150 : i32
      %ne3A_152 = vector.broadcast %lt3A_151 : i1 to vector<2048x1xi1>
      %ne3A_153 = vector.broadcast %ne3A_152 : vector<2048x1xi1> to vector<2048x1xi1>
      %ne3A_154 = arith.xori %lt3A_149, %ne3A_153 : vector<2048x1xi1>
      %and3A_155 = arith.andi %ne3A_154, %ne3A_146 : vector<2048x1xi1>
      %add3A_156 = vector.broadcast %select_n3A_141 : i32 to vector<2048x1xi32>
      %add3A_157 = arith.addi %rem3A_143, %add3A_156 : vector<2048x1xi32>
      %select_n3A_158 = arith.select %and3A_155, %add3A_157, %rem3A_143 : vector<2048x1xi1>, vector<2048x1xi32>
      %convert_element_type3A_159 = arith.sitofp %select_n3A_158 : vector<2048x1xi32> to vector<2048x1xf32>
      %mul3A_160 = vector.broadcast %convert_element_type3A_136 : vector<2048x1xf32> to vector<2048x64xf32>
      %mul3A_161 = arith.mulf %convert_element_type3A_52, %mul3A_160 : vector<2048x64xf32>
      %dot_general3A_162 = arith.constant dense<0.000000e+00> : vector<64x128xf32>
      %dot_general3A_163 = tpu.matmul %mul3A_161, %convert_element_type3A_93, %dot_general3A_162 {dimension_numbers = #tpu.dot_dimension_numbers<[0], [0], [1], [1], [0, 1, 1, 1], [], []>, transpose_lhs_hint = false} : vector<2048x64xf32>, vector<2048x128xf32>, vector<64x128xf32> -> vector<64x128xf32>
      %mul3A_164 = vector.broadcast %convert_element_type3A_136 : vector<2048x1xf32> to vector<2048x64xf32>
      %mul3A_165 = arith.mulf %convert_element_type3A_54, %mul3A_164 : vector<2048x64xf32>
      %dot_general3A_166 = arith.constant dense<0.000000e+00> : vector<64x128xf32>
      %dot_general3A_167 = tpu.matmul %mul3A_165, %convert_element_type3A_97, %dot_general3A_166 {dimension_numbers = #tpu.dot_dimension_numbers<[0], [0], [1], [1], [0, 1, 1, 1], [], []>, transpose_lhs_hint = false} : vector<2048x64xf32>, vector<2048x128xf32>, vector<64x128xf32> -> vector<64x128xf32>
      %add3A_168 = arith.addf %dot_general3A_163, %dot_general3A_167 : vector<64x128xf32>
      %mul3A_169 = arith.constant 1.600000e+01 : f32
      %mul3A_170 = vector.broadcast %mul3A_169 : f32 to vector<64x128xf32>
      %mul3A_171 = arith.mulf %mul3A_170, %add3A_168 : vector<64x128xf32>
      %mul3A_172 = vector.broadcast %convert_element_type3A_159 : vector<2048x1xf32> to vector<2048x64xf32>
      %mul3A_173 = arith.mulf %convert_element_type3A_52, %mul3A_172 : vector<2048x64xf32>
      %dot_general3A_174 = arith.constant dense<0.000000e+00> : vector<64x128xf32>
      %dot_general3A_175 = tpu.matmul %mul3A_173, %convert_element_type3A_93, %dot_general3A_174 {dimension_numbers = #tpu.dot_dimension_numbers<[0], [0], [1], [1], [0, 1, 1, 1], [], []>, transpose_lhs_hint = false} : vector<2048x64xf32>, vector<2048x128xf32>, vector<64x128xf32> -> vector<64x128xf32>
      %mul3A_176 = vector.broadcast %convert_element_type3A_159 : vector<2048x1xf32> to vector<2048x64xf32>
      %mul3A_177 = arith.mulf %convert_element_type3A_54, %mul3A_176 : vector<2048x64xf32>
      %dot_general3A_178 = arith.constant dense<0.000000e+00> : vector<64x128xf32>
      %dot_general3A_179 = tpu.matmul %mul3A_177, %convert_element_type3A_97, %dot_general3A_178 {dimension_numbers = #tpu.dot_dimension_numbers<[0], [0], [1], [1], [0, 1, 1, 1], [], []>, transpose_lhs_hint = false} : vector<2048x64xf32>, vector<2048x128xf32>, vector<64x128xf32> -> vector<64x128xf32>
      %add3A_180 = arith.addf %dot_general3A_175, %dot_general3A_179 : vector<64x128xf32>
      %add3A_181 = arith.addf %mul3A_171, %add3A_180 : vector<64x128xf32>
      %round3A = math.roundeven %add3A_181 : vector<64x128xf32>
      %convert_element_type3A_182 = arith.fptosi %round3A : vector<64x128xf32> to vector<64x128xi32>
      %swap3A_183 = arith.constant 0 : index
      %swap3A_184 = arith.constant 0 : index
      %swap3A_185 = vector.load %arg9[%swap3A_183, %swap3A_184] : memref<64x128xi32, #tpu.memory_space<vmem>>, vector<64x128xi32>
      tpu.vector_store %arg9[%swap3A_183, %swap3A_184], %convert_element_type3A_182 {strides = array<i32>} : memref<64x128xi32, #tpu.memory_space<vmem>>, vector<64x128xi32>,
      %lt3A_186 = arith.constant 128 : i32
      %lt3A_187 = vector.broadcast %lt3A_186 : i32 to vector<2048x1xi32>
      %lt3A_188 = arith.cmpi slt, %convert_element_type3A_87, %lt3A_187 : vector<2048x1xi32>
      %mul3A_189 = arith.constant 128 : i32
      %mul3A_190 = vector.broadcast %mul3A_189 : i32 to vector<2048x1xi32>
      %mul3A_191 = arith.muli %broadcast_in_dim3A_30, %mul3A_190 : vector<2048x1xi32>
      %add3A_192 = arith.addi %mul3A_191, %convert_element_type3A_87 : vector<2048x1xi32>
      %jit3A_193 = arith.constant 8192 : i32
      %broadcast_in_dim3A_194 = vector.broadcast %jit3A_193 : i32 to vector<2048x1xi32>
      %select_n3A_195 = arith.select %lt3A_188, %add3A_192, %broadcast_in_dim3A_194 : vector<2048x1xi1>, vector<2048x1xi32>
      %swap3A_196 = arith.constant 0 : index
      %swap3A_197 = arith.constant 0 : index
      %swap3A_198 = vector.load %arg7[%swap3A_196, %swap3A_197] : memref<2048x1xi32, #tpu.memory_space<vmem>>, vector<2048x1xi32>
      tpu.vector_store %arg7[%swap3A_196, %swap3A_197], %select_n3A_195 {strides = array<i32>} : memref<2048x1xi32, #tpu.memory_space<vmem>>, vector<2048x1xi32>,
      %lt3A_199 = arith.constant 128 : i32
      %lt3A_200 = vector.broadcast %lt3A_199 : i32 to vector<2048x1xi32>
      %lt3A_201 = arith.cmpi slt, %convert_element_type3A_88, %lt3A_200 : vector<2048x1xi32>
      %mul3A_202 = arith.constant 128 : i32
      %mul3A_203 = vector.broadcast %mul3A_202 : i32 to vector<2048x1xi32>
      %mul3A_204 = arith.muli %broadcast_in_dim3A_46, %mul3A_203 : vector<2048x1xi32>
      %add3A_205 = arith.addi %mul3A_204, %convert_element_type3A_88 : vector<2048x1xi32>
      %jit3A_206 = arith.constant 8192 : i32
      %broadcast_in_dim3A_207 = vector.broadcast %jit3A_206 : i32 to vector<2048x1xi32>
      %select_n3A_208 = arith.select %lt3A_201, %add3A_205, %broadcast_in_dim3A_207 : vector<2048x1xi1>, vector<2048x1xi32>
      %swap3A_209 = arith.constant 0 : index
      %swap3A_210 = arith.constant 0 : index
      %swap3A_211 = vector.load %arg8[%swap3A_209, %swap3A_210] : memref<2048x1xi32, #tpu.memory_space<vmem>>, vector<2048x1xi32>
      tpu.vector_store %arg8[%swap3A_209, %swap3A_210], %select_n3A_208 {strides = array<i32>} : memref<2048x1xi32, #tpu.memory_space<vmem>>, vector<2048x1xi32>,
    } else {
    }
    %lt3A = arith.constant 64 : i32
    %lt3A_2 = arith.cmpi slt, %arg0, %lt3A : i32
    %convert_element_type3A_3 = arith.extui %lt3A_2 : i1 to i32
    %cond3A_4 = arith.constant 0 : i32
    %cond3A_5 = arith.cmpi ne, %convert_element_type3A_3, %cond3A_4 : i32
    scf.if %cond3A_5 {
      %get3A = arith.index_cast %arg0 : i32 to index
      %get3A_10 = arith.constant 0 : index
      %get3A_11 = vector.load %arg9[%get3A, %get3A_10] : memref<64x128xi32, #tpu.memory_space<vmem>>, vector<1x128xi32>
      %squeeze3A = vector.shape_cast %get3A_11 : vector<1x128xi32> to vector<128xi32>
      %get3A_12 = arith.index_cast %arg0 : i32 to index
      %get3A_13 = arith.constant 0 : index
      %get3A_14 = vector.load %arg10[%get3A_12, %get3A_13] : memref<64x128xf32, #tpu.memory_space<vmem>>, vector<1x128xf32>
      %squeeze3A_15 = vector.shape_cast %get3A_14 : vector<1x128xf32> to vector<128xf32>
      %iota3A = tpu.iota {dimensions = array<i32: 1>} : vector<128x2048xi32>
      %broadcast_in_dim3A = vector.shape_cast %squeeze3A : vector<128xi32> to vector<128x1xi32>
      %eq3A_16 = vector.broadcast %broadcast_in_dim3A : vector<128x1xi32> to vector<128x2048xi32>
      %eq3A_17 = arith.cmpi eq, %iota3A, %eq3A_16 : vector<128x2048xi32>
      %convert_element_type3A_18 = arith.extui %eq3A_17 : vector<128x2048xi1> to vector<128x2048xi32>
      %convert_element_type3A_19 = arith.sitofp %convert_element_type3A_18 : vector<128x2048xi32> to vector<128x2048xf32>
      %get3A_20 = arith.constant 0 : index
      %get3A_21 = arith.constant 0 : index
      %get3A_22 = vector.load %arg1[%get3A_20, %get3A_21] : memref<2048x1024xf32, #tpu.memory_space<vmem>>, vector<2048x1024xf32>
      %dot_general3A = arith.constant dense<0.000000e+00> : vector<128x1024xf32>
      %dot_general3A_23 = tpu.matmul %convert_element_type3A_19, %get3A_22, %dot_general3A {dimension_numbers = #tpu.dot_dimension_numbers<[1], [0], [0], [1], [0, 0, 1, 1], [], []>, transpose_lhs_hint = false} : vector<128x2048xf32>, vector<2048x1024xf32>, vector<128x1024xf32> -> vector<128x1024xf32>
      %get3A_24 = arith.constant 0 : index
      %get3A_25 = arith.constant 0 : index
      %get3A_26 = arith.constant 0 : index
      %get3A_27 = vector.load %arg3[%get3A_24, %get3A_25, %get3A_26] : memref<1x512x1024xf32, #tpu.memory_space<vmem>>, vector<1x512x1024xf32>
      %get3A_28 = vector.shape_cast %get3A_27 : vector<1x512x1024xf32> to vector<512x1024xf32>
      %dot_general3A_29 = arith.constant dense<0.000000e+00> : vector<128x512xf32>
      %dot_general3A_30 = tpu.matmul %dot_general3A_23, %get3A_28, %dot_general3A_29 {dimension_numbers = #tpu.dot_dimension_numbers<[1], [1], [0], [0], [0, 0, 1, 0], [], []>, transpose_lhs_hint = false} : vector<128x1024xf32>, vector<512x1024xf32>, vector<128x512xf32> -> vector<128x512xf32>
      %get3A_31 = arith.constant 0 : index
      %get3A_32 = arith.constant 0 : index
      %get3A_33 = arith.constant 0 : index
      %get3A_34 = vector.load %arg4[%get3A_31, %get3A_32, %get3A_33] : memref<1x512x1024xf32, #tpu.memory_space<vmem>>, vector<1x512x1024xf32>
      %get3A_35 = vector.shape_cast %get3A_34 : vector<1x512x1024xf32> to vector<512x1024xf32>
      %dot_general3A_36 = arith.constant dense<0.000000e+00> : vector<128x512xf32>
      %dot_general3A_37 = tpu.matmul %dot_general3A_23, %get3A_35, %dot_general3A_36 {dimension_numbers = #tpu.dot_dimension_numbers<[1], [1], [0], [0], [0, 0, 1, 0], [], []>, transpose_lhs_hint = false} : vector<128x1024xf32>, vector<512x1024xf32>, vector<128x512xf32> -> vector<128x512xf32>
      %logistic3A = arith.negf %dot_general3A_30 : vector<128x512xf32>
      %logistic3A_38 = math.exp %logistic3A : vector<128x512xf32>
      %logistic3A_39 = arith.constant 1.000000e+00 : f32
      %logistic3A_40 = vector.broadcast %logistic3A_39 : f32 to vector<128x512xf32>
      %logistic3A_41 = arith.addf %logistic3A_40, %logistic3A_38 : vector<128x512xf32>
      %logistic3A_42 = arith.divf %logistic3A_40, %logistic3A_41 : vector<128x512xf32>
      %mul3A = arith.mulf %dot_general3A_30, %logistic3A_42 : vector<128x512xf32>
      %mul3A_43 = arith.mulf %mul3A, %dot_general3A_37 : vector<128x512xf32>
      %get3A_44 = arith.constant 0 : index
      %get3A_45 = arith.constant 0 : index
      %get3A_46 = arith.constant 0 : index
      %get3A_47 = vector.load %arg5[%get3A_44, %get3A_45, %get3A_46] : memref<1x1024x512xf32, #tpu.memory_space<vmem>>, vector<1x1024x512xf32>
      %get3A_48 = vector.shape_cast %get3A_47 : vector<1x1024x512xf32> to vector<1024x512xf32>
      %dot_general3A_49 = arith.constant dense<0.000000e+00> : vector<128x1024xf32>
      %dot_general3A_50 = tpu.matmul %mul3A_43, %get3A_48, %dot_general3A_49 {dimension_numbers = #tpu.dot_dimension_numbers<[1], [1], [0], [0], [0, 0, 1, 0], [], []>, transpose_lhs_hint = false} : vector<128x512xf32>, vector<1024x512xf32>, vector<128x1024xf32> -> vector<128x1024xf32>
      %broadcast_in_dim3A_51 = vector.shape_cast %squeeze3A_15 : vector<128xf32> to vector<128x1xf32>
      %mul3A_52 = vector.broadcast %broadcast_in_dim3A_51 : vector<128x1xf32> to vector<128x1024xf32>
      %mul3A_53 = arith.mulf %dot_general3A_50, %mul3A_52 : vector<128x1024xf32>
      %swap3A = arith.constant 0 : index
      %swap3A_54 = arith.constant 0 : index
      %swap3A_55 = vector.load %arg6[%swap3A, %swap3A_54] : memref<128x1024xf32, #tpu.memory_space<vmem>>, vector<128x1024xf32>
      tpu.vector_store %arg6[%swap3A, %swap3A_54], %mul3A_53 {strides = array<i32>} : memref<128x1024xf32, #tpu.memory_space<vmem>>, vector<128x1024xf32>,
    } else {
    }
    %ge3A = arith.constant 64 : i32
    %ge3A_6 = arith.cmpi sge, %arg0, %ge3A : i32
    %convert_element_type3A_7 = arith.extui %ge3A_6 : i1 to i32
    %cond3A_8 = arith.constant 0 : i32
    %cond3A_9 = arith.cmpi ne, %convert_element_type3A_7, %cond3A_8 : i32
    scf.if %cond3A_9 {
      %broadcast_in_dim3A = arith.constant 0.000000e+00 : f32
      %broadcast_in_dim3A_10 = vector.broadcast %broadcast_in_dim3A : f32 to vector<128x1024xf32>
      %swap3A = arith.constant 0 : index
      %swap3A_11 = arith.constant 0 : index
      %swap3A_12 = vector.load %arg6[%swap3A, %swap3A_11] : memref<128x1024xf32, #tpu.memory_space<vmem>>, vector<128x1024xf32>
      tpu.vector_store %arg6[%swap3A, %swap3A_11], %broadcast_in_dim3A_10 {strides = array<i32>} : memref<128x1024xf32, #tpu.memory_space<vmem>>, vector<128x1024xf32>,
    } else {
    }
    return
  }
  func.func @transform_0(%arg0: i32) -> (i32, i32) {
    %c0_i32 = arith.constant 0 : i32
    %c0_i32_0 = arith.constant 0 : i32
    %c0_i32_1 = arith.constant 0 : i32
    return %c0_i32, %c0_i32_0 : i32, i32
  }
  func.func @transform_1(%arg0: i32) -> (i32, i32) {
    %c0_i32 = arith.constant 0 : i32
    %c0_i32_0 = arith.constant 0 : i32
    %c0_i32_1 = arith.constant 0 : i32
    return %c0_i32, %c0_i32_0 : i32, i32
  }
  func.func @transform_2(%arg0: i32) -> (i32, i32, i32) {
    %min3A = arith.constant 63 : i32
    %min3A_0 = arith.minsi %arg0, %min3A : i32
    %c0_i32 = arith.constant 0 : i32
    %c0_i32_1 = arith.constant 0 : i32
    %c0_i32_2 = arith.constant 0 : i32
    return %min3A_0, %c0_i32, %c0_i32_1 : i32, i32, i32
  }
  func.func @transform_3(%arg0: i32) -> (i32, i32, i32) {
    %min3A = arith.constant 63 : i32
    %min3A_0 = arith.minsi %arg0, %min3A : i32
    %c0_i32 = arith.constant 0 : i32
    %c0_i32_1 = arith.constant 0 : i32
    %c0_i32_2 = arith.constant 0 : i32
    return %min3A_0, %c0_i32, %c0_i32_1 : i32, i32, i32
  }
  func.func @transform_4(%arg0: i32) -> (i32, i32, i32) {
    %min3A = arith.constant 63 : i32
    %min3A_0 = arith.minsi %arg0, %min3A : i32
    %c0_i32 = arith.constant 0 : i32
    %c0_i32_1 = arith.constant 0 : i32
    %c0_i32_2 = arith.constant 0 : i32
    return %min3A_0, %c0_i32, %c0_i32_1 : i32, i32, i32
  }
  func.func @transform_5(%arg0: i32) -> (i32, i32) {
    %c0_i32 = arith.constant 0 : i32
    %c0_i32_0 = arith.constant 0 : i32
    return %arg0, %c0_i32 : i32, i32
  }
  func.func @transform_6(%arg0: i32) -> (i32, i32) {
    %c0_i32 = arith.constant 0 : i32
    %c0_i32_0 = arith.constant 0 : i32
    %c0_i32_1 = arith.constant 0 : i32
    return %c0_i32, %c0_i32_0 : i32, i32
  }
  func.func @transform_7(%arg0: i32) -> (i32, i32) {
    %c0_i32 = arith.constant 0 : i32
    %c0_i32_0 = arith.constant 0 : i32
    %c0_i32_1 = arith.constant 0 : i32
    return %c0_i32, %c0_i32_0 : i32, i32
  }
}

</mosaic_0001>

<sc_bundles>
// kernel: kernel.4.cloned.1.call-start
scs
__scs_entry_jumppad:
0x0: {  	(pc) =	sbr.rel $0x88, $3  }
0x1: {  	(tag) =	ssettag $0x0;
	lr =	simm.s32 $0x1  }
0x2: {  	[smem:$0x3F9C] =	sst lr;
	_ =	strace $0xD0000000  }
0x3: {  	_ = 	snop  }
0x4: {  	_ = 	snop  }
0x5: {  	_ = 	snop  }
0x6: {  	_ = 	snop  }
0x7: {  	_ = 	snop  }
__scs_overlays_trampoline_lowered:
0x8: {  	[smem:$0x3FAB] =	sst s0  }
0x9: {  	[smem:$0x3FAC] =	sst s1  }
0xa: {  	[smem:$0x3FAD] =	sst s2  }
0xb: {  	[smem:$0x3FAE] =	sst s3  }
0xc: {  	[smem:$0x3FAF] =	sst s4  }
0xd: {  	[smem:$0x3FB0] =	sst s5  }
0xe: {  	[smem:$0x3FB1] =	sst s6  }
0xf: {  	[smem:$0x3FB2] =	sst s7  }
0x10: {  	[smem:$0x3FB3] =	sst s8  }
0x11: {  	[smem:$0x3FB4] =	sst s9;
	s0 =	simm.s32 @!p0 $0x0  }
0x12: {  	s1 =	sld [smem:$0x3F9A];
	s0 =	simm.s32 @p0 $0x1  }
0x13: {  	[smem:$0x3FB5] =	sst s0;
	s0 =	simm.s32 @!p1 $0x0  }
0x14: {  	s2 =	sld [smem:$0x3F99];
	s0 =	simm.s32 @p1 $0x1  }
0x15: {  	[smem:$0x3FB6] =	sst s0;
	s0 =	simm.s32 @!p2 $0x0  }
0x16: {  	s3 =	sld [smem:$0x3FDB];
	s0 =	simm.s32 @p2 $0x1  }
0x17: {  	s4 =	simm.s32 $0x1BF5;
	[smem:$0x3FB8] =	sst s0  }
0x18: {  	s0 =	sld [smem:$0x3F9B];
	_ =	swait.ge [sflag:s4], $0x0  }
0x19: {  	s7 =	sld [smem:$0x3F9C]  }
0x1a: {  	s8 =	sadd.s32 $0xFFFFE003, lr  }
0x1b: {  	s9 =	sadd.s32 $0xFFFFFEF7, lr;
	s5 =	simm.s32 $0xFFFFFFFF;
	p2 =	slt.u32 s8, $0xFFFFF086  }
0x1c: {  	p1 =	slt.u32 s9, $0xF7A;
	s5 =	simm.s32 @!p2 $0x0  }
0x1d: {  	s5 =	simm.s32 @p1 $0x1;
	p0 =	seq.s32 s7, s2  }
0x1e: {  	s7 =	smul.u32 @!p0 $0xF7A, s2;
	p2 =	seq.s32 @!p0 s5, $0x0  }
0x1f: {  	s9 =	smul.u32 $0xF7A, s1;
	s8 =	simm.s32 @!p0 $0x1BF5;
	p2 =	por !p2, p0  }
0x20: {  	[sflag:s8] =	ssyncset.s32 @!p0 $0xFFFFF086;
	s6 =	sadd.s32 @!p0 s3, s7;
	s7 =	simm.s32 @!p0 $0x108  }
0x21: {  	s3 =	sadd.s32 s3, s9;
	s6 =	sadd.s32 @!p0 $0x88, s6;
	s7 =	simm.s32 @p2 $0x1082  }
0x22: {  	[simem:s7], [sflag:s8] =	dma.local @!p0 [hbm:s6], $0xF7A  }
0x23: {  	s9 =	sor.u32 $0xD0000000, s2;
	s6 =	simm.s32 $0x108;
	_ =	swait.ge @!p0 [sflag:s8], $0x0  }
0x24: {  	s3 =	sadd.s32 $0x88, s3;
	s6 =	simm.s32 @!p1 $0x1082;
	[sflag:s4] =	ssyncset.s32 $0xFFFFF086  }
0x25: {  	[simem:s6], [sflag:s4] =	dma.local [hbm:s3], $0xF7A  }
0x26: {  	[smem:$0x3F9C] =	sst s1;
	(tag) =	ssettag s2;
	_ =	strace s9  }
0x27: {  	s1 =	sld [smem:$0x3FAC]  }
0x28: {  	s2 =	sld [smem:$0x3FAD]  }
0x29: {  	s4 =	sld [smem:$0x3FAF]  }
0x2a: {  	p0 =	seq.s32 s5, $0x0;
	s5 =	sld [smem:$0x3FB0]  }
0x2b: {  	s6 =	sld [smem:$0x3FB1]  }
0x2c: {  	s7 =	sld [smem:$0x3FB2]  }
0x2d: {  	s3 =	simm.s32 $0x108;
	s8 =	sld [smem:$0x3FB3]  }
0x2e: {  	s3 =	simm.s32 @!p0 $0x1082;
	s9 =	sld [smem:$0x3FB4]  }
0x2f: {  	lr =	sadd.s32 s0, s3;
	s0 =	sld [smem:$0x3FAB]  }
0x30: {  	s3 =	sld [smem:$0x3FAE]  }
0x31: {  	[smem:$0x3FB7] =	sst s10  }
0x32: {  	s10 =	sld [smem:$0x3FB5];
	_ =	sdelay $0x3  }
0x33: {  	p0 =	seq.s32 s10, $0x1;
	s10 =	sld [smem:$0x3FB7];
	_ =	sdelay $0x3  }
0x34: {  	[smem:$0x3FB7] =	sst s10  }
0x35: {  	s10 =	sld [smem:$0x3FB6];
	_ =	sdelay $0x3  }
0x36: {  	p1 =	seq.s32 s10, $0x1;
	s10 =	sld [smem:$0x3FB7];
	_ =	sdelay $0x3  }
0x37: {  	[smem:$0x3FB7] =	sst s10  }
0x38: {  	s10 =	sld [smem:$0x3FB8]  }
0x39: {  	_ = 	snop;
	(pc) =	sbr.ind lr, $3  }
0x3a: {  	_ = 	snop  }
0x3b: {  	_ = 	snop  }
0x3c: {  	p2 =	seq.s32 s10, $0x1;
	s10 =	sld [smem:$0x3FB7]  }
0x3d: {  	_ =	shalt  }
0x3e: {  	_ =	shalt  }
0x3f: {  	_ =	shalt  }
0x40: {  	_ =	shalt  }
0x41: {  	_ =	shalt  }
0x42: {  	_ =	shalt  }
0x43: {  	_ =	shalt  }
0x44: {  	_ =	shalt  }
0x45: {  	_ =	shalt  }
0x46: {  	_ =	shalt  }
0x47: {  	_ =	shalt  }
0x48: {  	_ =	shalt  }
0x49: {  	_ =	shalt  }
0x4a: {  	_ =	shalt  }
0x4b: {  	_ =	shalt  }
0x4c: {  	_ =	shalt  }
0x4d: {  	_ =	shalt  }
0x4e: {  	_ =	shalt  }
0x4f: {  	_ =	shalt  }
0x50: {  	_ =	shalt  }
0x51: {  	_ =	shalt  }
0x52: {  	_ =	shalt  }
0x53: {  	_ =	shalt  }
0x54: {  	_ =	shalt  }
0x55: {  	_ =	shalt  }
0x56: {  	_ =	shalt  }
0x57: {  	_ =	shalt  }
0x58: {  	_ =	shalt  }
0x59: {  	_ =	shalt  }
0x5a: {  	_ =	shalt  }
0x5b: {  	_ =	shalt  }
0x5c: {  	_ =	shalt  }
0x5d: {  	_ =	shalt  }
0x5e: {  	_ =	shalt  }
0x5f: {  	_ =	shalt  }
0x60: {  	_ =	shalt  }
0x61: {  	_ =	shalt  }
0x62: {  	_ =	shalt  }
0x63: {  	_ =	shalt  }
0x64: {  	_ =	shalt  }
0x65: {  	_ =	shalt  }
0x66: {  	_ =	shalt  }
0x67: {  	_ =	shalt  }
0x68: {  	_ =	shalt  }
0x69: {  	_ =	shalt  }
0x6a: {  	_ =	shalt  }
0x6b: {  	_ =	shalt  }
0x6c: {  	_ =	shalt  }
0x6d: {  	_ =	shalt  }
0x6e: {  	_ =	shalt  }
0x6f: {  	_ =	shalt  }
0x70: {  	_ =	shalt  }
0x71: {  	_ =	shalt  }
0x72: {  	_ =	shalt  }
0x73: {  	_ =	shalt  }
0x74: {  	_ =	shalt  }
0x75: {  	_ =	shalt  }
0x76: {  	_ =	shalt  }
0x77: {  	_ =	shalt  }
0x78: {  	_ =	shalt  }
0x79: {  	_ =	shalt  }
0x7a: {  	_ =	shalt  }
0x7b: {  	_ =	shalt  }
0x7c: {  	_ =	shalt  }
0x7d: {  	_ =	shalt  }
0x7e: {  	_ =	shalt  }
0x7f: {  	_ =	shalt  }
0x80: {  	_ =	shalt  }
0x81: {  	_ =	shalt  }
0x82: {  	_ =	shalt  }
0x83: {  	_ =	shalt  }
0x84: {  	_ =	shalt  }
0x85: {  	_ =	shalt  }
0x86: {  	_ =	shalt  }
0x87: {  	_ =	shalt  }
.Lfunc_end0:
.L_simem_size_0:
called_computation_lowered:
.L_overlay_start_0:
0x88: {  	s2 =	sld [smem:$0x3FD9]  }
0x89: {  	s3 =	sld [smem:$0x3FFE];
	_ =	sdelay $0x1  }
0x8a: {  	s1 =	srdreg.scid  }
0x8b: {  	s0 =	sand.u32 $0x1, s1  }
0x8c: {  	s17 =	sshll.u32 s0, $0xA;
	s2 =	sadd.s32 s3, s2  }
0x8d: {  	s2 =	sadd.s32 s2, s17  }
0x8e: {  	[smem:$0x3FC3] =	sst s2  }
0x8f: {  	_ = 	snop  }
0x90: {  	s2 =	sld [smem:$0x3FD0];
	(tm) =	ssettm $0x1  }
0x91: {  	s18 =	sld [smem:$0x3FFB];
	_ =	sdelay $0x3  }
0x92: {  	_ =	strace s18  }
0x93: {  	s3 =	sld [smem:$0x3FFC];
	_ =	sdelay $0x3  }
0x94: {  	_ =	strace s3  }
0x95: {  	s3 =	sld [smem:$0x3FFD];
	_ =	sdelay $0x3  }
0x96: {  	_ =	strace s3  }
0x97: {  	_ =	strace $0x8FFFFFFF  }
0x98: {  	s19 =	sld [smem:$0x3FDB];
	_ =	sdelay $0x1  }
0x99: {  	s4 =	simm.s32 $_scs_section_size  }
0x9a: {  	s5 =	simm.s32 $_size__tile_overlayer_lowered;
	s6 =	simm.s32 $_tile_overlayer_lowered  }
0x9b: {  	s22 =	simm.s32 $0x1BFF;
	s21 =	sshll.u32 s6, $0x1;
	s3 =	sadd.s32 s4, s19  }
0x9c: {  	s7 =	simm.s32 $0x0;
	s20 =	sshll.u32 s5, $0x1;
	s5 =	sadd.s32 s21, s3  }
0x9d: {  	[timem:s7], [sflag:s22] =	dma.local [hbm:s5], s20  }
0x9e: {  	_ =	swait.ge [sflag:s22], s20  }
0x9f: {  	s4 =	ssub.s32 $0x0, s20;
	[sflag:s22] =	ssyncset.done $0x0  }
0xa0: {  	[sflag:s22] =	ssyncadd.s32 s4;
	_ =	sdelay $0x1  }
0xa1: {  	s23 =	simm.s32 $0x1B8B  }
0xa2: {  	_ =	swait.ge [sflag:s23], $0x1  }
0xa3: {  	[sflag:s23] =	ssyncset.done $0x0  }
0xa4: {  	s25 =	simm.s32 $0x1B8E;
	s24 =	sld [smem:$0x3FFE];
	[sflag:s23] =	ssyncadd.s32 $0xFFFFFFFF  }
0xa5: {  	s26 =	simm.s32 $execute0_lowered;
	[smem:$0x3FD2] =	sst s25  }
0xa6: {  	s5 =	sshll.u32 s26, $0x1;
	_ =	strace $0x80000046;
	[dreg:$0x1] =	wrdreg $0xFFFFFFFF  }
0xa7: {  	s28 =	simm.s32 $_size_execute0_lowered;
	s3 =	sadd.s32 s3, s5;
	[dreg:$0x0] =	wrdreg $0x0  }
0xa8: {  	s5 =	sshll.u32 s28, $0x1;
	[dreg:$0x2] =	wrdreg s3  }
0xa9: {  	[dreg:$0x3] =	wrdreg s5  }
0xaa: {  	[dreg:$0x4] =	wrdreg $0xC0  }
0xab: {  	_ =	task [dreg:s7], $0x5FFFF  }
0xac: {  	[dreg:$0x1] =	wrdreg $0xFFFFFFFF  }
0xad: {  	[dreg:$0x0] =	wrdreg $0x60  }
0xae: {  	[dreg:$0x2] =	wrdreg s24  }
0xaf: {  	[dreg:$0x3] =	wrdreg s2  }
0xb0: {  	[dreg:$0x4] =	wrdreg $0x9  }
0xb1: {  	_ =	task.clear_ibuf [dreg:s7], $0x5FFFF;
	_ =	strace $0x90000046  }
0xb2: {  	s29 =	simm.s32 $0x9;
	_ =	strace $0x80000048  }
0xb3: {  	_ =	swait.ge [sflag:s29], $0x1  }
0xb4: {  	[sflag:s29] =	ssyncadd.s32 $0xFFFFFFFF  }
0xb5: {  	_ =	strace $0x90000048  }
0xb6: {  	_ =	sfence  }
0xb7: {  	s30 =	sld [smem:$0x0];
	_ =	sdelay $0x2  }
0xb8: {  	s31 =	sshll.u32 s1, $0xD;
	s1 =	sshrl.u32 s1, $0x2  }
0xb9: {  	s3 =	sand.u32 $0x4000, s31;
	s1 =	sadd.s32 s1, s30  }
0xba: {  	s0 =	sor.u32 s3, s0;
	s1 =	sshll.u32 s1, $0x11  }
0xbb: {  	s0 =	sor.u32 s1, s0  }
0xbc: {  	s0 =	sadd.s32 $0x8F2B, s0  }
0xbd: {  	[sflag:s0] =	ssyncadd.remote.s32 $0x1  }
0xbe: {  	_ =	sfence.sel $0xFFFF  }
0xbf: {  	[dreg:$0x0] =	wrdreg $0xFFFFFFFF;
	(pc) =	sbr.abs _section_cstart, $3  }
0xc0: {  	[dreg:$0x1] =	wrdreg $0xFFFFFFFF  }
0xc1: {  	_ =	task.clear_ibuf [dreg:s7], $0x2FFFF;
	_ =	strace $0x9FFFFFFF  }
0xc2: {  	(tm) =	ssettm $0x7FFFFFFF  }
0xc3: {  	_ =	shalt  }
tec
execute0_lowered:
.L_overlay_start_1:
0x0: {  	(tag) =	ssettag $0x1  }
0x1: {  	s0 =	srdreg.scid  }
0x2: {  	s2 =	rddreg [dreg:$0x0];
	s3 =	stileid.u32  }
0x3: {  	s1 =	rddreg [dreg:$0x1];
	s12 =	simm.s32 $0x2;
	s31 =	simm.s32 $0x1  }
0x4: {  	s13 =	simm.s32 $0x9100;
	s14 =	simm.s32 $0x9900;
	s15 =	simm.s32 $0xA100  }
0x5: {  	s16 =	simm.s32 $0xB100;
	s17 =	simm.s32 $0xC100;
	s18 =	simm.s32 $0xC900  }
0x6: {  	s19 =	simm.s32 $0xD100;
	s20 =	simm.s32 $0xD900;
	s21 =	simm.s32 $0xE100  }
0x7: {  	s22 =	simm.s32 $0xE900;
	s10 =	simm.s32 $0xF100;
	s23 =	simm.s32 $0xF900  }
0x8: {  	s11 =	simm.s32 $0x10100;
	s24 =	simm.s32 $0x0;
	s0 =	sand.u32 $0x1, s0  }
0x9: {  	s3 =	sshll.u32 s3, $0x7;
	s7 =	sadd.s32 $0x200, s2;
	s4 =	sshll.u32 s0, $0x6  }
0xa: {  	s8 =	sadd.s32 $0x300, s2;
	s0 =	ssub.s32 $0x2, s0;
	s4 =	sor.u32 s4, s3  }
0xb: {  	s3 =	simm.s32 $0x0;
	s6 =	sshrl.u32 s0, $0x1;
	s5 =	sshrl.u32 s4, $0x3  }
0xc: {  	[smem:$0x7FF] =	sst s3;
	s0 =	ssub.s32 s0, s6;
	s6 =	sadd.s32 $0x100, s2  }
0xd: {  	s4 =	sshll.u32 s4, $0x7;
	s5 =	sadd.s32 s5, s2;
	s0 =	smax.u32 s0, $0x1  }
0xe: {  	_ =	strace $0x80000047;
	s30 =	sadd.s32 $0x104000, s5;
	[dreg:$0x6] =	wrdreg s0  }
0xf: {  	v2 =	vlaneseq.u32;
	s9 =	sadd.s32 s1, s4;
	s5 =	sadd.s32 $0x104200, s5;
	[dreg:$0x3] =	wrdreg s30  }
0x10: {  	vm0 =	vmmov $0xffff;
	v1 =	vshrl.u32 v2, $0x3;
	s4 =	simm.s32 $0xA900;
	s1 =	sadd.s32 $0x1000, s9;
	[dreg:$0x4] =	wrdreg s5  }
0x11: {  	v0 =	vand.u32 $0x7, v2;
	v2 =	vor.u32 $0x8, v2;
	v1 =	vmul.u32 $0x8, v1;
	s0 =	simm.s32 $0x8900;
	[dreg:$0x5] =	wrdreg s1;
	s5 =	simm.s32 $0xB900  }
.LBB2_1:
0x12: {  	s1 =	rddreg [dreg:$0x3]  }
0x13: {  	[tilespmem:s3], [sflag:$0x2] =	stream.linear.gather [hbm4b:s1+s3], $0x40, $0x38;
	[tilespmem:$0x18100] =	vst v63  }
0x14: {  	_ =	swait.ge [sflag:s12], $0x40  }
0x15: {  	[sflag:s12] =	ssyncset.done $0x0  }
0x16: {  	s25 =	simm.s32 $0x80;
	s30 =	rddreg [dreg:$0x4];
	[sflag:s12] =	ssyncadd.s32 $0xFFFFFFC0  }
0x17: {  	[tilespmem:s25], [sflag:$0x2] =	stream.linear.gather [hbm4b:s30+s3], $0x40, $0x38;
	[tilespmem:$0x18100] =	vst v63  }
0x18: {  	_ =	swait.ge [sflag:s12], $0x40  }
0x19: {  	[sflag:s12] =	ssyncset.done $0x0  }
0x1a: {  	[sflag:s12] =	ssyncadd.s32 $0xFFFFFFC0  }
0x1b: {  	v3 =	vld [tilespmem:$0x0];
	_ =	sdelay $0x4  }
0x1c: {  	v4 =	vshll.u32 v3, $0x3  }
0x1d: {  	v3 =	vand.u32 $0x7, v3;
	v4 =	vand.u32 $0xFFFFFFC0, v4  }
0x1e: {  	v3 =	vor.u32 v3, v4  }
0x1f: {  	v4 =	vperm.xlane v3, v0;
	_ =	sdelay $0x1  }
0x20: {  	v4 =	vadd.s32 v1, v4;
	_ =	sdelay $0x3  }
0x21: {  	s26 =	simm.s32 $0x100  }
0x22: {  	[tilespmem:s26], [sflag:$0x1] =	stream.indirect_vreg.gather [hbm4b:s2+s3], $0x80, v4, vm0, $0xb8;
	[tilespmem:$0x18100] =	vst v63  }
0x23: {  	s30 =	simm.s32 $0x900;
	v3 =	vperm.xlane v3, v2  }
0x24: {  	[tilespmem:s30], [sflag:$0x1] =	stream.indirect_vreg.gather [hbm4b:s6+s3], $0x80, v4, vm0, $0xb8;
	[tilespmem:$0x18100] =	vst v63  }
0x25: {  	s25 =	simm.s32 $0x1100;
	v3 =	vadd.s32 v1, v3  }
0x26: {  	[tilespmem:s25], [sflag:$0x1] =	stream.indirect_vreg.gather [hbm4b:s7+s3], $0x80, v4, vm0, $0xb8;
	[tilespmem:$0x18100] =	vst v63  }
0x27: {  	s26 =	simm.s32 $0x1900  }
0x28: {  	[tilespmem:s26], [sflag:$0x1] =	stream.indirect_vreg.gather [hbm4b:s8+s3], $0x80, v4, vm0, $0xb8;
	[tilespmem:$0x18100] =	vst v63  }
0x29: {  	s30 =	simm.s32 $0x2100  }
0x2a: {  	[tilespmem:s30], [sflag:$0x1] =	stream.indirect_vreg.gather [hbm4b:s2+s3], $0x80, v3, vm0, $0xb8;
	[tilespmem:$0x18100] =	vst v63  }
0x2b: {  	s25 =	simm.s32 $0x2900  }
0x2c: {  	[tilespmem:s25], [sflag:$0x1] =	stream.indirect_vreg.gather [hbm4b:s6+s3], $0x80, v3, vm0, $0xb8;
	[tilespmem:$0x18100] =	vst v63  }
0x2d: {  	s26 =	simm.s32 $0x3100  }
0x2e: {  	[tilespmem:s26], [sflag:$0x1] =	stream.indirect_vreg.gather [hbm4b:s7+s3], $0x80, v3, vm0, $0xb8;
	[tilespmem:$0x18100] =	vst v63  }
0x2f: {  	s30 =	simm.s32 $0x3900  }
0x30: {  	[tilespmem:s30], [sflag:$0x1] =	stream.indirect_vreg.gather [hbm4b:s8+s3], $0x80, v3, vm0, $0xb8;
	[tilespmem:$0x18100] =	vst v63  }
0x31: {  	v3 =	vld [tilespmem:$0x10];
	_ =	sdelay $0x4  }
0x32: {  	v61 =	vshll.u32 v3, $0x3  }
0x33: {  	v3 =	vand.u32 $0x7, v3;
	v4 =	vand.u32 $0xFFFFFFC0, v61  }
0x34: {  	v3 =	vor.u32 v3, v4  }
0x35: {  	v4 =	vperm.xlane v3, v0;
	_ =	sdelay $0x1  }
0x36: {  	v4 =	vadd.s32 v1, v4;
	_ =	sdelay $0x3  }
0x37: {  	s25 =	simm.s32 $0x4100  }
0x38: {  	[tilespmem:s25], [sflag:$0x1] =	stream.indirect_vreg.gather [hbm4b:s2+s3], $0x80, v4, vm0, $0xb8;
	[tilespmem:$0x18100] =	vst v63  }
0x39: {  	s26 =	simm.s32 $0x4900;
	v3 =	vperm.xlane v3, v2  }
0x3a: {  	[tilespmem:s26], [sflag:$0x1] =	stream.indirect_vreg.gather [hbm4b:s6+s3], $0x80, v4, vm0, $0xb8;
	[tilespmem:$0x18100] =	vst v63  }
0x3b: {  	s30 =	simm.s32 $0x5100;
	v3 =	vadd.s32 v1, v3  }
0x3c: {  	[tilespmem:s30], [sflag:$0x1] =	stream.indirect_vreg.gather [hbm4b:s7+s3], $0x80, v4, vm0, $0xb8;
	[tilespmem:$0x18100] =	vst v63  }
0x3d: {  	s25 =	simm.s32 $0x5900  }
0x3e: {  	[tilespmem:s25], [sflag:$0x1] =	stream.indirect_vreg.gather [hbm4b:s8+s3], $0x80, v4, vm0, $0xb8;
	[tilespmem:$0x18100] =	vst v63  }
0x3f: {  	s26 =	simm.s32 $0x6100  }
0x40: {  	[tilespmem:s26], [sflag:$0x1] =	stream.indirect_vreg.gather [hbm4b:s2+s3], $0x80, v3, vm0, $0xb8;
	[tilespmem:$0x18100] =	vst v63  }
0x41: {  	s30 =	simm.s32 $0x6900  }
0x42: {  	[tilespmem:s30], [sflag:$0x1] =	stream.indirect_vreg.gather [hbm4b:s6+s3], $0x80, v3, vm0, $0xb8;
	[tilespmem:$0x18100] =	vst v63  }
0x43: {  	s25 =	simm.s32 $0x7100  }
0x44: {  	[tilespmem:s25], [sflag:$0x1] =	stream.indirect_vreg.gather [hbm4b:s7+s3], $0x80, v3, vm0, $0xb8;
	[tilespmem:$0x18100] =	vst v63  }
0x45: {  	s26 =	simm.s32 $0x7900  }
0x46: {  	[tilespmem:s26], [sflag:$0x1] =	stream.indirect_vreg.gather [hbm4b:s8+s3], $0x80, v3, vm0, $0xb8;
	[tilespmem:$0x18100] =	vst v63  }
0x47: {  	_ =	swait.ge [sflag:s31], $0x8000  }
0x48: {  	[sflag:s31] =	ssyncset.done $0x0  }
0x49: {  	[sflag:s31] =	ssyncadd.s32 $0xFFFF8000  }
0x4a: {  	v3 =	vld [tilespmem:$0x80];
	_ =	sdelay $0x4  }
0x4b: {  	v62 =	vshll.u32 v3, $0x3  }
0x4c: {  	v3 =	vand.u32 $0x7, v3;
	v4 =	vand.u32 $0xFFFFFFC0, v62  }
0x4d: {  	v3 =	vor.u32 v3, v4  }
0x4e: {  	v4 =	vperm.xlane v3, v0;
	_ =	sdelay $0x1  }
0x4f: {  	v4 =	vadd.s32 v1, v4;
	_ =	sdelay $0x3  }
0x50: {  	s30 =	simm.s32 $0x8100  }
0x51: {  	[tilespmem:s30], [sflag:$0x1] =	stream.indirect_vreg.gather [hbm4b:s2+s3], $0x80, v4, vm0, $0xb8;
	[tilespmem:$0x18100] =	vst v63  }
0x52: {  	v3 =	vperm.xlane v3, v2  }
0x53: {  	[tilespmem:s0], [sflag:$0x1] =	stream.indirect_vreg.gather [hbm4b:s6+s3], $0x80, v4, vm0, $0xb8;
	[tilespmem:$0x18100] =	vst v63  }
0x54: {  	v3 =	vadd.s32 v1, v3  }
0x55: {  	[tilespmem:s13], [sflag:$0x1] =	stream.indirect_vreg.gather [hbm4b:s7+s3], $0x80, v4, vm0, $0xb8;
	[tilespmem:$0x18100] =	vst v63  }
0x56: {  	_ = 	snop  }
0x57: {  	[tilespmem:s14], [sflag:$0x1] =	stream.indirect_vreg.gather [hbm4b:s8+s3], $0x80, v4, vm0, $0xb8;
	[tilespmem:$0x18100] =	vst v63  }
0x58: {  	_ = 	snop  }
0x59: {  	[tilespmem:s15], [sflag:$0x1] =	stream.indirect_vreg.gather [hbm4b:s2+s3], $0x80, v3, vm0, $0xb8;
	[tilespmem:$0x18100] =	vst v63  }
0x5a: {  	_ = 	snop  }
0x5b: {  	[tilespmem:s4], [sflag:$0x1] =	stream.indirect_vreg.gather [hbm4b:s6+s3], $0x80, v3, vm0, $0xb8;
	[tilespmem:$0x18100] =	vst v63  }
0x5c: {  	_ = 	snop  }
0x5d: {  	[tilespmem:s16], [sflag:$0x1] =	stream.indirect_vreg.gather [hbm4b:s7+s3], $0x80, v3, vm0, $0xb8;
	[tilespmem:$0x18100] =	vst v63  }
0x5e: {  	_ = 	snop  }
0x5f: {  	[tilespmem:s5], [sflag:$0x1] =	stream.indirect_vreg.gather [hbm4b:s8+s3], $0x80, v3, vm0, $0xb8;
	[tilespmem:$0x18100] =	vst v63  }
0x60: {  	v3 =	vld [tilespmem:$0x90];
	_ =	sdelay $0x4  }
0x61: {  	v63 =	vshll.u32 v3, $0x3  }
0x62: {  	v3 =	vand.u32 $0x7, v3;
	v4 =	vand.u32 $0xFFFFFFC0, v63  }
0x63: {  	v3 =	vor.u32 v3, v4  }
0x64: {  	v4 =	vperm.xlane v3, v0;
	_ =	sdelay $0x1  }
0x65: {  	v4 =	vadd.s32 v1, v4;
	_ =	sdelay $0x4  }
0x66: {  	[tilespmem:s17], [sflag:$0x1] =	stream.indirect_vreg.gather [hbm4b:s2+s3], $0x80, v4, vm0, $0xb8;
	[tilespmem:$0x18100] =	vst v63  }
0x67: {  	v3 =	vperm.xlane v3, v2  }
0x68: {  	[tilespmem:s18], [sflag:$0x1] =	stream.indirect_vreg.gather [hbm4b:s6+s3], $0x80, v4, vm0, $0xb8;
	[tilespmem:$0x18100] =	vst v63  }
0x69: {  	v3 =	vadd.s32 v1, v3  }
0x6a: {  	[tilespmem:s19], [sflag:$0x1] =	stream.indirect_vreg.gather [hbm4b:s7+s3], $0x80, v4, vm0, $0xb8;
	[tilespmem:$0x18100] =	vst v63  }
0x6b: {  	_ = 	snop  }
0x6c: {  	[tilespmem:s20], [sflag:$0x1] =	stream.indirect_vreg.gather [hbm4b:s8+s3], $0x80, v4, vm0, $0xb8;
	[tilespmem:$0x18100] =	vst v63  }
0x6d: {  	_ = 	snop  }
0x6e: {  	[tilespmem:s21], [sflag:$0x1] =	stream.indirect_vreg.gather [hbm4b:s2+s3], $0x80, v3, vm0, $0xb8;
	[tilespmem:$0x18100] =	vst v63  }
0x6f: {  	_ = 	snop  }
0x70: {  	[tilespmem:s22], [sflag:$0x1] =	stream.indirect_vreg.gather [hbm4b:s6+s3], $0x80, v3, vm0, $0xb8;
	[tilespmem:$0x18100] =	vst v63  }
0x71: {  	_ = 	snop  }
0x72: {  	[tilespmem:s10], [sflag:$0x1] =	stream.indirect_vreg.gather [hbm4b:s7+s3], $0x80, v3, vm0, $0xb8;
	[tilespmem:$0x18100] =	vst v63  }
0x73: {  	_ = 	snop  }
0x74: {  	[tilespmem:s23], [sflag:$0x1] =	stream.indirect_vreg.gather [hbm4b:s8+s3], $0x80, v3, vm0, $0xb8;
	[tilespmem:$0x18100] =	vst v63  }
0x75: {  	_ =	swait.ge [sflag:s31], $0x8000  }
0x76: {  	s28 =	simm.s32 $0x0;
	s29 =	simm.s32 $0x0;
	[sflag:s31] =	ssyncset.done $0x0  }
0x77: {  	s25 =	simm.s32 $0xFFFF8000;
	s26 =	simm.s32 $0x0;
	[sflag:s31] =	ssyncadd.s32 $0xFFFF8000  }
.LBB2_2:
0x78: {  	s30 =	sadd.s32 $0x8000, s25  }
0x79: {  	s1 =	sand.u32 $0x380, s29;
	s30 =	sand.u32 $0x6000, s30  }
0x7a: {  	s30 =	sor.u32 s1, s30  }
0x7b: {  	v3 =	vld [tilespmem:s30+$0x100]  }
0x7c: {  	v4 =	vld [tilespmem:s30+$0x8100]  }
0x7d: {  	v5 =	vld [tilespmem:s30+$0x110]  }
0x7e: {  	v6 =	vld [tilespmem:s30+$0x8110]  }
0x7f: {  	v7 =	vld [tilespmem:s30+$0x120]  }
0x80: {  	v8 =	vld [tilespmem:s30+$0x8120]  }
0x81: {  	v9 =	vld [tilespmem:s30+$0x130]  }
0x82: {  	v10 =	vld [tilespmem:s30+$0x8130]  }
0x83: {  	v11 =	vld [tilespmem:s30+$0x140]  }
0x84: {  	v12 =	vld [tilespmem:s30+$0x8140]  }
0x85: {  	v13 =	vld [tilespmem:s30+$0x150]  }
0x86: {  	v14 =	vld [tilespmem:s30+$0x8150]  }
0x87: {  	v15 =	vld [tilespmem:s30+$0x160]  }
0x88: {  	v16 =	vld [tilespmem:s30+$0x8160]  }
0x89: {  	v17 =	vld [tilespmem:s30+$0x170]  }
0x8a: {  	v18 =	vld [tilespmem:s30+$0x8170]  }
0x8b: {  	v19 =	vld [tilespmem:s30+$0x500]  }
0x8c: {  	v20 =	vld [tilespmem:s30+$0x8500]  }
0x8d: {  	v21 =	vld [tilespmem:s30+$0x510]  }
0x8e: {  	v22 =	vld [tilespmem:s30+$0x8510]  }
0x8f: {  	v23 =	vld [tilespmem:s30+$0x520]  }
0x90: {  	v24 =	vld [tilespmem:s30+$0x8520]  }
0x91: {  	v25 =	vld [tilespmem:s30+$0x530]  }
0x92: {  	v26 =	vld [tilespmem:s30+$0x8530]  }
0x93: {  	v27 =	vld [tilespmem:s30+$0x540]  }
0x94: {  	v28 =	vld [tilespmem:s30+$0x8540]  }
0x95: {  	v29 =	vld [tilespmem:s30+$0x550]  }
0x96: {  	v30 =	vld [tilespmem:s30+$0x8550]  }
0x97: {  	v31 =	vld [tilespmem:s30+$0x560]  }
0x98: {  	v32 =	vld [tilespmem:s30+$0x8560]  }
0x99: {  	v33 =	vld [tilespmem:s30+$0x570]  }
0x9a: {  	v34 =	vld [tilespmem:s30+$0x8570]  }
0x9b: {  	v35 =	vld [tilespmem:s30+$0x900]  }
0x9c: {  	v36 =	vld [tilespmem:s30+$0x8900]  }
0x9d: {  	v37 =	vld [tilespmem:s30+$0x910]  }
0x9e: {  	v38 =	vld [tilespmem:s30+$0x8910]  }
0x9f: {  	v39 =	vld [tilespmem:s30+$0x920]  }
0xa0: {  	v40 =	vld [tilespmem:s30+$0x8920]  }
0xa1: {  	v41 =	vld [tilespmem:s30+$0x930]  }
0xa2: {  	v42 =	vld [tilespmem:s30+$0x8930]  }
0xa3: {  	v43 =	vld [tilespmem:s30+$0x940]  }
0xa4: {  	v44 =	vld [tilespmem:s30+$0x8940]  }
0xa5: {  	v45 =	vld [tilespmem:s30+$0x950]  }
0xa6: {  	v46 =	vld [tilespmem:s30+$0x8950]  }
0xa7: {  	v47 =	vld [tilespmem:s30+$0x960]  }
0xa8: {  	v48 =	vld [tilespmem:s30+$0x8960]  }
0xa9: {  	v49 =	vld [tilespmem:s30+$0x970]  }
0xaa: {  	v50 =	vld [tilespmem:s30+$0x8970]  }
0xab: {  	v51 =	vld [tilespmem:s30+$0xD00]  }
0xac: {  	v52 =	vld [tilespmem:s30+$0x8D00]  }
0xad: {  	v53 =	vld [tilespmem:s30+$0xD10]  }
0xae: {  	v54 =	vld [tilespmem:s30+$0x8D10]  }
0xaf: {  	v55 =	vld [tilespmem:s30+$0xD20]  }
0xb0: {  	v56 =	vld [tilespmem:s30+$0x8D20]  }
0xb1: {  	v57 =	vld [tilespmem:s30+$0xD30]  }
0xb2: {  	v58 =	vld [tilespmem:s30+$0x8D30]  }
0xb3: {  	v59 =	vld [tilespmem:s30+$0xD40]  }
0xb4: {  	v60 =	vld [tilespmem:s30+$0x8D40]  }
0xb5: {  	v61 =	vld [tilespmem:s30+$0xD50]  }
0xb6: {  	v62 =	vld [tilespmem:s30+$0x8D50]  }
0xb7: {  	v63 =	vld [tilespmem:s30+$0xD60]  }
0xb8: {  	v3 =	vadd.f32 v4, v3;
	v4 =	vld [tilespmem:s30+$0x8D60]  }
0xb9: {  	v5 =	vadd.f32 v6, v5;
	v6 =	vld [tilespmem:s30+$0xD70]  }
0xba: {  	v14 =	vadd.f32 v14, v13;
	v13 =	vld [tilespmem:s30+$0x9120];
	[tilespmem:s30+$0x10100] =	vst v3  }
0xbb: {  	v18 =	vadd.f32 v18, v17;
	v17 =	vld [tilespmem:s30+$0x9140];
	v3 =	vadd.f32 v8, v7;
	[tilespmem:s30+$0x10110] =	vst v5  }
0xbc: {  	v22 =	vadd.f32 v22, v21;
	v21 =	vld [tilespmem:s30+$0x9160];
	[tilespmem:s30+$0x10150] =	vst v14  }
0xbd: {  	v7 =	vld [tilespmem:s30+$0x8D70];
	[tilespmem:s30+$0x10120] =	vst v3;
	v3 =	vadd.f32 v12, v11  }
0xbe: {  	v8 =	vld [tilespmem:s30+$0x1100];
	[tilespmem:s30+$0x10170] =	vst v18  }
0xbf: {  	v5 =	vadd.f32 v10, v9;
	v9 =	vld [tilespmem:s30+$0x9100];
	[tilespmem:s30+$0x10140] =	vst v3;
	v3 =	vadd.f32 v16, v15  }
0xc0: {  	v26 =	vadd.f32 v26, v25;
	v10 =	vld [tilespmem:s30+$0x1110];
	[tilespmem:s30+$0x10510] =	vst v22  }
0xc1: {  	v14 =	vld [tilespmem:s30+$0x1130];
	[tilespmem:s30+$0x10160] =	vst v3;
	v3 =	vadd.f32 v20, v19  }
0xc2: {  	v30 =	vadd.f32 v30, v29;
	[tilespmem:s30+$0x10530] =	vst v26;
	v18 =	vld [tilespmem:s30+$0x1150]  }
0xc3: {  	v19 =	vld [tilespmem:s30+$0x9150];
	[tilespmem:s30+$0x10500] =	vst v3;
	v3 =	vadd.f32 v24, v23  }
0xc4: {  	v34 =	vadd.f32 v34, v33;
	[tilespmem:s30+$0x10550] =	vst v30;
	v22 =	vld [tilespmem:s30+$0x1170]  }
0xc5: {  	v11 =	vld [tilespmem:s30+$0x9110];
	[tilespmem:s30+$0x10520] =	vst v3;
	v3 =	vadd.f32 v28, v27  }
0xc6: {  	[tilespmem:s30+$0x10570] =	vst v34;
	v12 =	vld [tilespmem:s30+$0x1120]  }
0xc7: {  	v15 =	vld [tilespmem:s30+$0x9130];
	[tilespmem:s30+$0x10540] =	vst v3;
	v3 =	vadd.f32 v32, v31  }
0xc8: {  	[tilespmem:s30+$0x10130] =	vst v5;
	v16 =	vld [tilespmem:s30+$0x1140];
	v19 =	vadd.f32 v19, v18  }
0xc9: {  	v20 =	vld [tilespmem:s30+$0x1160];
	[tilespmem:s30+$0x10560] =	vst v3;
	v3 =	vadd.f32 v36, v35  }
0xca: {  	v24 =	vld [tilespmem:s30+$0x1500];
	[tilespmem:s30+$0x11150] =	vst v19;
	v36 =	vadd.f32 v38, v37  }
0xcb: {  	v37 =	vld [tilespmem:s30+$0x9170];
	[tilespmem:s30+$0x10900] =	vst v3;
	v3 =	vadd.f32 v40, v39  }
0xcc: {  	v38 =	vadd.f32 v42, v41;
	v41 =	vld [tilespmem:s30+$0x1510];
	[tilespmem:s30+$0x10910] =	vst v36  }
0xcd: {  	v42 =	vld [tilespmem:s30+$0x9510];
	[tilespmem:s30+$0x10920] =	vst v3;
	v3 =	vadd.f32 v44, v43  }
0xce: {  	v35 =	vld [tilespmem:s30+$0x1910];
	[tilespmem:s30+$0x10930] =	vst v38;
	v40 =	vadd.f32 v46, v45  }
0xcf: {  	v39 =	vld [tilespmem:s30+$0x9500];
	[tilespmem:s30+$0x10940] =	vst v3;
	v3 =	vadd.f32 v48, v47  }
0xd0: {  	v45 =	vld [tilespmem:s30+$0x9520];
	v46 =	vadd.f32 v54, v53;
	[tilespmem:s30+$0x10950] =	vst v40  }
0xd1: {  	v53 =	vld [tilespmem:s30+$0x1550];
	[tilespmem:s30+$0x10960] =	vst v3;
	v3 =	vadd.f32 v52, v51  }
0xd2: {  	v54 =	vld [tilespmem:s30+$0x9550];
	v43 =	vadd.f32 v50, v49;
	[tilespmem:s30+$0x10D10] =	vst v46  }
0xd3: {  	v36 =	vld [tilespmem:s30+$0x9910];
	[tilespmem:s30+$0x10D00] =	vst v3;
	v3 =	vadd.f32 v56, v55  }
0xd4: {  	v38 =	vld [tilespmem:s30+$0x1920];
	v49 =	vadd.f32 v58, v57;
	[tilespmem:s30+$0x10970] =	vst v43  }
0xd5: {  	v44 =	vld [tilespmem:s30+$0x1520];
	[tilespmem:s30+$0x10D20] =	vst v3;
	v3 =	vadd.f32 v60, v59  }
0xd6: {  	v50 =	vld [tilespmem:s30+$0x1540];
	v58 =	vadd.f32 v11, v10;
	[tilespmem:s30+$0x10D30] =	vst v49  }
0xd7: {  	v57 =	vld [tilespmem:s30+$0x9560];
	[tilespmem:s30+$0x10D40] =	vst v3;
	v3 =	vadd.f32 v4, v63  }
0xd8: {  	v46 =	vld [tilespmem:s30+$0x1950];
	v37 =	vadd.f32 v37, v22;
	[tilespmem:s30+$0x11110] =	vst v58  }
0xd9: {  	v40 =	vadd.f32 v42, v41;
	v41 =	vld [tilespmem:s30+$0x1930];
	[tilespmem:s30+$0x10D60] =	vst v3;
	v3 =	vadd.f32 v9, v8  }
0xda: {  	v42 =	vld [tilespmem:s30+$0x9930];
	[tilespmem:s30+$0x11170] =	vst v37  }
0xdb: {  	v47 =	vld [tilespmem:s30+$0x1530];
	[tilespmem:s30+$0x11100] =	vst v3;
	v3 =	vadd.f32 v13, v12  }
0xdc: {  	v48 =	vld [tilespmem:s30+$0x9530];
	[tilespmem:s30+$0x11510] =	vst v40;
	v52 =	vadd.f32 v62, v61  }
0xdd: {  	v49 =	vld [tilespmem:s30+$0x1960];
	[tilespmem:s30+$0x11120] =	vst v3;
	v3 =	vadd.f32 v17, v16  }
0xde: {  	v51 =	vld [tilespmem:s30+$0x9540];
	v61 =	vadd.f32 v15, v14;
	[tilespmem:s30+$0x10D50] =	vst v52  }
0xdf: {  	v62 =	vld [tilespmem:s30+$0x1900];
	[tilespmem:s30+$0x11140] =	vst v3;
	v3 =	vadd.f32 v21, v20  }
0xe0: {  	v55 =	vadd.f32 v7, v6;
	v56 =	vld [tilespmem:s30+$0x1560];
	[tilespmem:s30+$0x11130] =	vst v61  }
0xe1: {  	v52 =	vld [tilespmem:s30+$0x1970];
	[tilespmem:s30+$0x11160] =	vst v3;
	v3 =	vadd.f32 v39, v24  }
0xe2: {  	v43 =	vadd.f32 v48, v47;
	v47 =	vld [tilespmem:s30+$0x9950];
	[tilespmem:s30+$0x10D70] =	vst v55  }
0xe3: {  	v59 =	vld [tilespmem:s30+$0x1570];
	[tilespmem:s30+$0x11500] =	vst v3;
	v3 =	vadd.f32 v45, v44  }
0xe4: {  	[tilespmem:s30+$0x11530] =	vst v43;
	v63 =	vld [tilespmem:s30+$0x9900];
	v4 =	vadd.f32 v54, v53  }
0xe5: {  	v60 =	vld [tilespmem:s30+$0x9570];
	[tilespmem:s30+$0x11520] =	vst v3;
	v3 =	vadd.f32 v51, v50  }
0xe6: {  	v54 =	vadd.f32 v42, v41;
	[tilespmem:s30+$0x11550] =	vst v4;
	v39 =	vld [tilespmem:s30+$0x9920]  }
0xe7: {  	v44 =	vld [tilespmem:s30+$0x1940];
	[tilespmem:s30+$0x11540] =	vst v3;
	v3 =	vadd.f32 v57, v56  }
0xe8: {  	[tilespmem:s30+$0x11930] =	vst v54;
	v55 =	vadd.f32 v47, v46;
	v45 =	vld [tilespmem:s30+$0x9940]  }
0xe9: {  	v53 =	vld [tilespmem:s30+$0x9970];
	[tilespmem:s30+$0x11560] =	vst v3;
	v3 =	vadd.f32 v63, v62  }
0xea: {  	v48 =	vadd.f32 v60, v59;
	[tilespmem:s30+$0x11950] =	vst v55;
	v50 =	vld [tilespmem:s30+$0x9960]  }
0xeb: {  	[tilespmem:s30+$0x11900] =	vst v3;
	v3 =	vadd.f32 v39, v38  }
0xec: {  	[tilespmem:s30+$0x11570] =	vst v48;
	v51 =	vadd.f32 v36, v35  }
0xed: {  	[tilespmem:s30+$0x11920] =	vst v3;
	v3 =	vadd.f32 v45, v44  }
0xee: {  	s1 =	sand.u32 $0x7, s26;
	[tilespmem:s30+$0x11910] =	vst v51;
	v56 =	vadd.f32 v53, v52  }
0xef: {  	s1 =	sshll.u32 s1, $0x7;
	[tilespmem:s30+$0x11940] =	vst v3;
	v3 =	vadd.f32 v50, v49  }
0xf0: {  	s1 =	sadd.s32 s1, s28;
	[tilespmem:s30+$0x11970] =	vst v56  }
0xf1: {  	[tilespmem:s30+$0x11960] =	vst v3;
	s30 =	sor.u32 $0x1C00, s1  }
0xf2: {  	v3 =	vld [tilespmem:s30+$0x100]  }
0xf3: {  	v4 =	vld [tilespmem:s30+$0x8100];
	_ =	sdelay $0x4  }
0xf4: {  	v3 =	vadd.f32 v4, v3;
	_ =	sdelay $0x1  }
0xf5: {  	[tilespmem:s30+$0x10100] =	vst v3;
	s30 =	sor.u32 $0x1C10, s1  }
0xf6: {  	v3 =	vld [tilespmem:s30+$0x100]  }
0xf7: {  	v57 =	vld [tilespmem:s30+$0x8100];
	_ =	sdelay $0x4  }
0xf8: {  	v3 =	vadd.f32 v57, v3;
	_ =	sdelay $0x1  }
0xf9: {  	[tilespmem:s30+$0x10100] =	vst v3;
	s30 =	sor.u32 $0x1C20, s1  }
0xfa: {  	v3 =	vld [tilespmem:s30+$0x100]  }
0xfb: {  	v58 =	vld [tilespmem:s30+$0x8100];
	_ =	sdelay $0x4  }
0xfc: {  	v3 =	vadd.f32 v58, v3;
	_ =	sdelay $0x1  }
0xfd: {  	[tilespmem:s30+$0x10100] =	vst v3;
	s30 =	sor.u32 $0x1C30, s1  }
0xfe: {  	v3 =	vld [tilespmem:s30+$0x100]  }
0xff: {  	v59 =	vld [tilespmem:s30+$0x8100];
	_ =	sdelay $0x4  }
0x100: {  	v3 =	vadd.f32 v59, v3;
	_ =	sdelay $0x1  }
0x101: {  	[tilespmem:s30+$0x10100] =	vst v3;
	s30 =	sor.u32 $0x1C40, s1  }
0x102: {  	v3 =	vld [tilespmem:s30+$0x100]  }
0x103: {  	v60 =	vld [tilespmem:s30+$0x8100];
	_ =	sdelay $0x4  }
0x104: {  	v3 =	vadd.f32 v60, v3;
	_ =	sdelay $0x1  }
0x105: {  	[tilespmem:s30+$0x10100] =	vst v3;
	s30 =	sor.u32 $0x1C50, s1  }
0x106: {  	v3 =	vld [tilespmem:s30+$0x100]  }
0x107: {  	v61 =	vld [tilespmem:s30+$0x8100];
	_ =	sdelay $0x4  }
0x108: {  	v3 =	vadd.f32 v61, v3;
	_ =	sdelay $0x1  }
0x109: {  	[tilespmem:s30+$0x10100] =	vst v3;
	s30 =	sor.u32 $0x1C60, s1  }
0x10a: {  	v3 =	vld [tilespmem:s30+$0x100]  }
0x10b: {  	v62 =	vld [tilespmem:s30+$0x8100];
	_ =	sdelay $0x4  }
0x10c: {  	v3 =	vadd.f32 v62, v3;
	_ =	sdelay $0x1  }
0x10d: {  	s1 =	sor.u32 $0x1C70, s1;
	[tilespmem:s30+$0x10100] =	vst v3  }
0x10e: {  	v3 =	vld [tilespmem:s1+$0x100]  }
0x10f: {  	v63 =	vld [tilespmem:s1+$0x8100];
	_ =	sdelay $0x1  }
0x110: {  	p0 =	sne.s32 s29, $0xF80  }
.Ltmp0:
0x111: {  	_ = 	snop;
	(pc) =	sbr.rel @p0 .LBB2_2-.Ltmp0, $4  }
0x112: {  	_ = 	snop  }
0x113: {  	v3 =	vadd.f32 v63, v3  }
0x114: {  	s25 =	sadd.s32 $0x400, s25  }
0x115: {  	s29 =	sadd.s32 $0x80, s29;
	s26 =	sadd.s32 $0x1, s26;
	s28 =	sadd.s32 $0x400, s28;
	[tilespmem:s1+$0x10100] =	vst v3  }
0x116: {  	s25 =	simm.s32 $0x0  }
0x117: {  	[hbm4b:s9+s25] =	stream.linear.scatter [tilespmem:s11], [sflag:$0x2], $0x8000, $0x38;
	[tilespmem:$0x18100] =	vst v63  }
0x118: {  	_ =	swait.ge [sflag:s12], $0x8000  }
0x119: {  	[sflag:s12] =	ssyncset.done $0x0  }
0x11a: {  	[sflag:s12] =	ssyncadd.s32 $0xFFFF8000  }
0x11b: {  	v3 =	vld [tilespmem:$0x20];
	_ =	sdelay $0x4  }
0x11c: {  	v4 =	vshll.u32 v3, $0x3  }
0x11d: {  	v3 =	vand.u32 $0x7, v3;
	v4 =	vand.u32 $0xFFFFFFC0, v4  }
0x11e: {  	v3 =	vor.u32 v3, v4  }
0x11f: {  	v4 =	vperm.xlane v3, v0;
	_ =	sdelay $0x1  }
0x120: {  	v4 =	vadd.s32 v1, v4;
	_ =	sdelay $0x3  }
0x121: {  	s1 =	simm.s32 $0x100  }
0x122: {  	[tilespmem:s1], [sflag:$0x1] =	stream.indirect_vreg.gather [hbm4b:s2+s25], $0x80, v4, vm0, $0xb8;
	[tilespmem:$0x18100] =	vst v63  }
0x123: {  	s26 =	simm.s32 $0x900;
	v3 =	vperm.xlane v3, v2  }
0x124: {  	[tilespmem:s26], [sflag:$0x1] =	stream.indirect_vreg.gather [hbm4b:s6+s25], $0x80, v4, vm0, $0xb8;
	[tilespmem:$0x18100] =	vst v63  }
0x125: {  	s30 =	simm.s32 $0x1100;
	v3 =	vadd.s32 v1, v3  }
0x126: {  	[tilespmem:s30], [sflag:$0x1] =	stream.indirect_vreg.gather [hbm4b:s7+s25], $0x80, v4, vm0, $0xb8;
	[tilespmem:$0x18100] =	vst v63  }
0x127: {  	s26 =	simm.s32 $0x1900  }
0x128: {  	[tilespmem:s26], [sflag:$0x1] =	stream.indirect_vreg.gather [hbm4b:s8+s25], $0x80, v4, vm0, $0xb8;
	[tilespmem:$0x18100] =	vst v63  }
0x129: {  	s30 =	simm.s32 $0x2100  }
0x12a: {  	[tilespmem:s30], [sflag:$0x1] =	stream.indirect_vreg.gather [hbm4b:s2+s25], $0x80, v3, vm0, $0xb8;
	[tilespmem:$0x18100] =	vst v63  }
0x12b: {  	s26 =	simm.s32 $0x2900  }
0x12c: {  	[tilespmem:s26], [sflag:$0x1] =	stream.indirect_vreg.gather [hbm4b:s6+s25], $0x80, v3, vm0, $0xb8;
	[tilespmem:$0x18100] =	vst v63  }
0x12d: {  	s30 =	simm.s32 $0x3100  }
0x12e: {  	[tilespmem:s30], [sflag:$0x1] =	stream.indirect_vreg.gather [hbm4b:s7+s25], $0x80, v3, vm0, $0xb8;
	[tilespmem:$0x18100] =	vst v63  }
0x12f: {  	s26 =	simm.s32 $0x3900  }
0x130: {  	[tilespmem:s26], [sflag:$0x1] =	stream.indirect_vreg.gather [hbm4b:s8+s25], $0x80, v3, vm0, $0xb8;
	[tilespmem:$0x18100] =	vst v63  }
0x131: {  	v3 =	vld [tilespmem:$0x30];
	_ =	sdelay $0x4  }
0x132: {  	v61 =	vshll.u32 v3, $0x3  }
0x133: {  	v3 =	vand.u32 $0x7, v3;
	v4 =	vand.u32 $0xFFFFFFC0, v61  }
0x134: {  	v3 =	vor.u32 v3, v4  }
0x135: {  	v4 =	vperm.xlane v3, v0;
	_ =	sdelay $0x1  }
0x136: {  	v4 =	vadd.s32 v1, v4;
	_ =	sdelay $0x3  }
0x137: {  	s30 =	simm.s32 $0x4100  }
0x138: {  	[tilespmem:s30], [sflag:$0x1] =	stream.indirect_vreg.gather [hbm4b:s2+s25], $0x80, v4, vm0, $0xb8;
	[tilespmem:$0x18100] =	vst v63  }
0x139: {  	s26 =	simm.s32 $0x4900;
	v3 =	vperm.xlane v3, v2  }
0x13a: {  	[tilespmem:s26], [sflag:$0x1] =	stream.indirect_vreg.gather [hbm4b:s6+s25], $0x80, v4, vm0, $0xb8;
	[tilespmem:$0x18100] =	vst v63  }
0x13b: {  	v3 =	vadd.s32 v1, v3;
	s30 =	simm.s32 $0x5100  }
0x13c: {  	[tilespmem:s30], [sflag:$0x1] =	stream.indirect_vreg.gather [hbm4b:s7+s25], $0x80, v4, vm0, $0xb8;
	[tilespmem:$0x18100] =	vst v63  }
0x13d: {  	s26 =	simm.s32 $0x5900  }
0x13e: {  	[tilespmem:s26], [sflag:$0x1] =	stream.indirect_vreg.gather [hbm4b:s8+s25], $0x80, v4, vm0, $0xb8;
	[tilespmem:$0x18100] =	vst v63  }
0x13f: {  	s30 =	simm.s32 $0x6100  }
0x140: {  	[tilespmem:s30], [sflag:$0x1] =	stream.indirect_vreg.gather [hbm4b:s2+s25], $0x80, v3, vm0, $0xb8;
	[tilespmem:$0x18100] =	vst v63  }
0x141: {  	s26 =	simm.s32 $0x6900  }
0x142: {  	[tilespmem:s26], [sflag:$0x1] =	stream.indirect_vreg.gather [hbm4b:s6+s25], $0x80, v3, vm0, $0xb8;
	[tilespmem:$0x18100] =	vst v63  }
0x143: {  	s30 =	simm.s32 $0x7100  }
0x144: {  	[tilespmem:s30], [sflag:$0x1] =	stream.indirect_vreg.gather [hbm4b:s7+s25], $0x80, v3, vm0, $0xb8;
	[tilespmem:$0x18100] =	vst v63  }
0x145: {  	s26 =	simm.s32 $0x7900  }
0x146: {  	[tilespmem:s26], [sflag:$0x1] =	stream.indirect_vreg.gather [hbm4b:s8+s25], $0x80, v3, vm0, $0xb8;
	[tilespmem:$0x18100] =	vst v63  }
0x147: {  	_ =	swait.ge [sflag:s31], $0x8000  }
0x148: {  	[sflag:s31] =	ssyncset.done $0x0  }
0x149: {  	[sflag:s31] =	ssyncadd.s32 $0xFFFF8000  }
0x14a: {  	v3 =	vld [tilespmem:$0xA0];
	_ =	sdelay $0x4  }
0x14b: {  	v62 =	vshll.u32 v3, $0x3  }
0x14c: {  	v3 =	vand.u32 $0x7, v3;
	v4 =	vand.u32 $0xFFFFFFC0, v62  }
0x14d: {  	v3 =	vor.u32 v3, v4  }
0x14e: {  	v4 =	vperm.xlane v3, v0;
	_ =	sdelay $0x1  }
0x14f: {  	v4 =	vadd.s32 v1, v4;
	_ =	sdelay $0x3  }
0x150: {  	s30 =	simm.s32 $0x8100  }
0x151: {  	[tilespmem:s30], [sflag:$0x1] =	stream.indirect_vreg.gather [hbm4b:s2+s25], $0x80, v4, vm0, $0xb8;
	[tilespmem:$0x18100] =	vst v63  }
0x152: {  	v3 =	vperm.xlane v3, v2  }
0x153: {  	[tilespmem:s0], [sflag:$0x1] =	stream.indirect_vreg.gather [hbm4b:s6+s25], $0x80, v4, vm0, $0xb8;
	[tilespmem:$0x18100] =	vst v63  }
0x154: {  	v3 =	vadd.s32 v1, v3  }
0x155: {  	[tilespmem:s13], [sflag:$0x1] =	stream.indirect_vreg.gather [hbm4b:s7+s25], $0x80, v4, vm0, $0xb8;
	[tilespmem:$0x18100] =	vst v63  }
0x156: {  	_ = 	snop  }
0x157: {  	[tilespmem:s14], [sflag:$0x1] =	stream.indirect_vreg.gather [hbm4b:s8+s25], $0x80, v4, vm0, $0xb8;
	[tilespmem:$0x18100] =	vst v63  }
0x158: {  	_ = 	snop  }
0x159: {  	[tilespmem:s15], [sflag:$0x1] =	stream.indirect_vreg.gather [hbm4b:s2+s25], $0x80, v3, vm0, $0xb8;
	[tilespmem:$0x18100] =	vst v63  }
0x15a: {  	_ = 	snop  }
0x15b: {  	[tilespmem:s4], [sflag:$0x1] =	stream.indirect_vreg.gather [hbm4b:s6+s25], $0x80, v3, vm0, $0xb8;
	[tilespmem:$0x18100] =	vst v63  }
0x15c: {  	_ = 	snop  }
0x15d: {  	[tilespmem:s16], [sflag:$0x1] =	stream.indirect_vreg.gather [hbm4b:s7+s25], $0x80, v3, vm0, $0xb8;
	[tilespmem:$0x18100] =	vst v63  }
0x15e: {  	_ = 	snop  }
0x15f: {  	[tilespmem:s5], [sflag:$0x1] =	stream.indirect_vreg.gather [hbm4b:s8+s25], $0x80, v3, vm0, $0xb8;
	[tilespmem:$0x18100] =	vst v63  }
0x160: {  	v3 =	vld [tilespmem:$0xB0];
	_ =	sdelay $0x4  }
0x161: {  	v63 =	vshll.u32 v3, $0x3  }
0x162: {  	v3 =	vand.u32 $0x7, v3;
	v4 =	vand.u32 $0xFFFFFFC0, v63  }
0x163: {  	v3 =	vor.u32 v3, v4  }
0x164: {  	v4 =	vperm.xlane v3, v0;
	_ =	sdelay $0x1  }
0x165: {  	v4 =	vadd.s32 v1, v4;
	_ =	sdelay $0x4  }
0x166: {  	[tilespmem:s17], [sflag:$0x1] =	stream.indirect_vreg.gather [hbm4b:s2+s25], $0x80, v4, vm0, $0xb8;
	[tilespmem:$0x18100] =	vst v63  }
0x167: {  	v3 =	vperm.xlane v3, v2  }
0x168: {  	[tilespmem:s18], [sflag:$0x1] =	stream.indirect_vreg.gather [hbm4b:s6+s25], $0x80, v4, vm0, $0xb8;
	[tilespmem:$0x18100] =	vst v63  }
0x169: {  	v3 =	vadd.s32 v1, v3  }
0x16a: {  	[tilespmem:s19], [sflag:$0x1] =	stream.indirect_vreg.gather [hbm4b:s7+s25], $0x80, v4, vm0, $0xb8;
	[tilespmem:$0x18100] =	vst v63  }
0x16b: {  	_ = 	snop  }
0x16c: {  	[tilespmem:s20], [sflag:$0x1] =	stream.indirect_vreg.gather [hbm4b:s8+s25], $0x80, v4, vm0, $0xb8;
	[tilespmem:$0x18100] =	vst v63  }
0x16d: {  	_ = 	snop  }
0x16e: {  	[tilespmem:s21], [sflag:$0x1] =	stream.indirect_vreg.gather [hbm4b:s2+s25], $0x80, v3, vm0, $0xb8;
	[tilespmem:$0x18100] =	vst v63  }
0x16f: {  	_ = 	snop  }
0x170: {  	[tilespmem:s22], [sflag:$0x1] =	stream.indirect_vreg.gather [hbm4b:s6+s25], $0x80, v3, vm0, $0xb8;
	[tilespmem:$0x18100] =	vst v63  }
0x171: {  	_ = 	snop  }
0x172: {  	[tilespmem:s10], [sflag:$0x1] =	stream.indirect_vreg.gather [hbm4b:s7+s25], $0x80, v3, vm0, $0xb8;
	[tilespmem:$0x18100] =	vst v63  }
0x173: {  	_ = 	snop  }
0x174: {  	[tilespmem:s23], [sflag:$0x1] =	stream.indirect_vreg.gather [hbm4b:s8+s25], $0x80, v3, vm0, $0xb8;
	[tilespmem:$0x18100] =	vst v63  }
0x175: {  	_ =	swait.ge [sflag:s31], $0x8000  }
0x176: {  	s28 =	simm.s32 $0x0;
	[sflag:s31] =	ssyncset.done $0x0  }
0x177: {  	s29 =	simm.s32 $0x0;
	s26 =	simm.s32 $0xFFFF8000;
	[sflag:s31] =	ssyncadd.s32 $0xFFFF8000  }
.LBB2_4:
0x178: {  	s1 =	sadd.s32 $0x8000, s26  }
0x179: {  	s30 =	sand.u32 $0x380, s29;
	s1 =	sand.u32 $0x6000, s1  }
0x17a: {  	s30 =	sor.u32 s30, s1  }
0x17b: {  	v3 =	vld [tilespmem:s30+$0x100]  }
0x17c: {  	v4 =	vld [tilespmem:s30+$0x8100]  }
0x17d: {  	v5 =	vld [tilespmem:s30+$0x110]  }
0x17e: {  	v6 =	vld [tilespmem:s30+$0x8110]  }
0x17f: {  	v7 =	vld [tilespmem:s30+$0x120]  }
0x180: {  	v8 =	vld [tilespmem:s30+$0x8120]  }
0x181: {  	v9 =	vld [tilespmem:s30+$0x130]  }
0x182: {  	v10 =	vld [tilespmem:s30+$0x8130]  }
0x183: {  	v11 =	vld [tilespmem:s30+$0x140]  }
0x184: {  	v12 =	vld [tilespmem:s30+$0x8140]  }
0x185: {  	v13 =	vld [tilespmem:s30+$0x150]  }
0x186: {  	v14 =	vld [tilespmem:s30+$0x8150]  }
0x187: {  	v15 =	vld [tilespmem:s30+$0x160]  }
0x188: {  	v16 =	vld [tilespmem:s30+$0x8160]  }
0x189: {  	v17 =	vld [tilespmem:s30+$0x170]  }
0x18a: {  	v18 =	vld [tilespmem:s30+$0x8170]  }
0x18b: {  	v19 =	vld [tilespmem:s30+$0x500]  }
0x18c: {  	v20 =	vld [tilespmem:s30+$0x8500]  }
0x18d: {  	v21 =	vld [tilespmem:s30+$0x510]  }
0x18e: {  	v22 =	vld [tilespmem:s30+$0x8510]  }
0x18f: {  	v23 =	vld [tilespmem:s30+$0x520]  }
0x190: {  	v24 =	vld [tilespmem:s30+$0x8520]  }
0x191: {  	v25 =	vld [tilespmem:s30+$0x530]  }
0x192: {  	v26 =	vld [tilespmem:s30+$0x8530]  }
0x193: {  	v27 =	vld [tilespmem:s30+$0x540]  }
0x194: {  	v28 =	vld [tilespmem:s30+$0x8540]  }
0x195: {  	v29 =	vld [tilespmem:s30+$0x550]  }
0x196: {  	v30 =	vld [tilespmem:s30+$0x8550]  }
0x197: {  	v31 =	vld [tilespmem:s30+$0x560]  }
0x198: {  	v32 =	vld [tilespmem:s30+$0x8560]  }
0x199: {  	v33 =	vld [tilespmem:s30+$0x570]  }
0x19a: {  	v34 =	vld [tilespmem:s30+$0x8570]  }
0x19b: {  	v35 =	vld [tilespmem:s30+$0x900]  }
0x19c: {  	v36 =	vld [tilespmem:s30+$0x8900]  }
0x19d: {  	v37 =	vld [tilespmem:s30+$0x910]  }
0x19e: {  	v38 =	vld [tilespmem:s30+$0x8910]  }
0x19f: {  	v39 =	vld [tilespmem:s30+$0x920]  }
0x1a0: {  	v40 =	vld [tilespmem:s30+$0x8920]  }
0x1a1: {  	v41 =	vld [tilespmem:s30+$0x930]  }
0x1a2: {  	v42 =	vld [tilespmem:s30+$0x8930]  }
0x1a3: {  	v43 =	vld [tilespmem:s30+$0x940]  }
0x1a4: {  	v44 =	vld [tilespmem:s30+$0x8940]  }
0x1a5: {  	v45 =	vld [tilespmem:s30+$0x950]  }
0x1a6: {  	v46 =	vld [tilespmem:s30+$0x8950]  }
0x1a7: {  	v47 =	vld [tilespmem:s30+$0x960]  }
0x1a8: {  	v48 =	vld [tilespmem:s30+$0x8960]  }
0x1a9: {  	v49 =	vld [tilespmem:s30+$0x970]  }
0x1aa: {  	v50 =	vld [tilespmem:s30+$0x8970]  }
0x1ab: {  	v51 =	vld [tilespmem:s30+$0xD00]  }
0x1ac: {  	v52 =	vld [tilespmem:s30+$0x8D00]  }
0x1ad: {  	v53 =	vld [tilespmem:s30+$0xD10]  }
0x1ae: {  	v54 =	vld [tilespmem:s30+$0x8D10]  }
0x1af: {  	v55 =	vld [tilespmem:s30+$0xD20]  }
0x1b0: {  	v56 =	vld [tilespmem:s30+$0x8D20]  }
0x1b1: {  	v57 =	vld [tilespmem:s30+$0xD30]  }
0x1b2: {  	v58 =	vld [tilespmem:s30+$0x8D30]  }
0x1b3: {  	v59 =	vld [tilespmem:s30+$0xD40]  }
0x1b4: {  	v60 =	vld [tilespmem:s30+$0x8D40]  }
0x1b5: {  	v61 =	vld [tilespmem:s30+$0xD50]  }
0x1b6: {  	v62 =	vld [tilespmem:s30+$0x8D50]  }
0x1b7: {  	v63 =	vld [tilespmem:s30+$0xD60]  }
0x1b8: {  	v3 =	vadd.f32 v4, v3;
	v4 =	vld [tilespmem:s30+$0x8D60]  }
0x1b9: {  	v5 =	vadd.f32 v6, v5;
	v6 =	vld [tilespmem:s30+$0xD70]  }
0x1ba: {  	v14 =	vadd.f32 v14, v13;
	v13 =	vld [tilespmem:s30+$0x9120];
	[tilespmem:s30+$0x10100] =	vst v3  }
0x1bb: {  	v18 =	vadd.f32 v18, v17;
	v17 =	vld [tilespmem:s30+$0x9140];
	v3 =	vadd.f32 v8, v7;
	[tilespmem:s30+$0x10110] =	vst v5  }
0x1bc: {  	v22 =	vadd.f32 v22, v21;
	v21 =	vld [tilespmem:s30+$0x9160];
	[tilespmem:s30+$0x10150] =	vst v14  }
0x1bd: {  	v7 =	vld [tilespmem:s30+$0x8D70];
	[tilespmem:s30+$0x10120] =	vst v3;
	v3 =	vadd.f32 v12, v11  }
0x1be: {  	v8 =	vld [tilespmem:s30+$0x1100];
	[tilespmem:s30+$0x10170] =	vst v18  }
0x1bf: {  	v5 =	vadd.f32 v10, v9;
	v9 =	vld [tilespmem:s30+$0x9100];
	[tilespmem:s30+$0x10140] =	vst v3;
	v3 =	vadd.f32 v16, v15  }
0x1c0: {  	v26 =	vadd.f32 v26, v25;
	v10 =	vld [tilespmem:s30+$0x1110];
	[tilespmem:s30+$0x10510] =	vst v22  }
0x1c1: {  	v14 =	vld [tilespmem:s30+$0x1130];
	[tilespmem:s30+$0x10160] =	vst v3;
	v3 =	vadd.f32 v20, v19  }
0x1c2: {  	v30 =	vadd.f32 v30, v29;
	[tilespmem:s30+$0x10530] =	vst v26;
	v18 =	vld [tilespmem:s30+$0x1150]  }
0x1c3: {  	v19 =	vld [tilespmem:s30+$0x9150];
	[tilespmem:s30+$0x10500] =	vst v3;
	v3 =	vadd.f32 v24, v23  }
0x1c4: {  	v34 =	vadd.f32 v34, v33;
	[tilespmem:s30+$0x10550] =	vst v30;
	v22 =	vld [tilespmem:s30+$0x1170]  }
0x1c5: {  	v11 =	vld [tilespmem:s30+$0x9110];
	[tilespmem:s30+$0x10520] =	vst v3;
	v3 =	vadd.f32 v28, v27  }
0x1c6: {  	[tilespmem:s30+$0x10570] =	vst v34;
	v12 =	vld [tilespmem:s30+$0x1120]  }
0x1c7: {  	v15 =	vld [tilespmem:s30+$0x9130];
	[tilespmem:s30+$0x10540] =	vst v3;
	v3 =	vadd.f32 v32, v31  }
0x1c8: {  	[tilespmem:s30+$0x10130] =	vst v5;
	v16 =	vld [tilespmem:s30+$0x1140];
	v19 =	vadd.f32 v19, v18  }
0x1c9: {  	v20 =	vld [tilespmem:s30+$0x1160];
	[tilespmem:s30+$0x10560] =	vst v3;
	v3 =	vadd.f32 v36, v35  }
0x1ca: {  	v24 =	vld [tilespmem:s30+$0x1500];
	[tilespmem:s30+$0x11150] =	vst v19;
	v36 =	vadd.f32 v38, v37  }
0x1cb: {  	v37 =	vld [tilespmem:s30+$0x9170];
	[tilespmem:s30+$0x10900] =	vst v3;
	v3 =	vadd.f32 v40, v39  }
0x1cc: {  	v38 =	vadd.f32 v42, v41;
	v41 =	vld [tilespmem:s30+$0x1510];
	[tilespmem:s30+$0x10910] =	vst v36  }
0x1cd: {  	v42 =	vld [tilespmem:s30+$0x9510];
	[tilespmem:s30+$0x10920] =	vst v3;
	v3 =	vadd.f32 v44, v43  }
0x1ce: {  	v35 =	vld [tilespmem:s30+$0x1910];
	[tilespmem:s30+$0x10930] =	vst v38;
	v40 =	vadd.f32 v46, v45  }
0x1cf: {  	v39 =	vld [tilespmem:s30+$0x9500];
	[tilespmem:s30+$0x10940] =	vst v3;
	v3 =	vadd.f32 v48, v47  }
0x1d0: {  	v45 =	vld [tilespmem:s30+$0x9520];
	v46 =	vadd.f32 v54, v53;
	[tilespmem:s30+$0x10950] =	vst v40  }
0x1d1: {  	v53 =	vld [tilespmem:s30+$0x1550];
	[tilespmem:s30+$0x10960] =	vst v3;
	v3 =	vadd.f32 v52, v51  }
0x1d2: {  	v54 =	vld [tilespmem:s30+$0x9550];
	v43 =	vadd.f32 v50, v49;
	[tilespmem:s30+$0x10D10] =	vst v46  }
0x1d3: {  	v36 =	vld [tilespmem:s30+$0x9910];
	[tilespmem:s30+$0x10D00] =	vst v3;
	v3 =	vadd.f32 v56, v55  }
0x1d4: {  	v38 =	vld [tilespmem:s30+$0x1920];
	v49 =	vadd.f32 v58, v57;
	[tilespmem:s30+$0x10970] =	vst v43  }
0x1d5: {  	v44 =	vld [tilespmem:s30+$0x1520];
	[tilespmem:s30+$0x10D20] =	vst v3;
	v3 =	vadd.f32 v60, v59  }
0x1d6: {  	v50 =	vld [tilespmem:s30+$0x1540];
	v58 =	vadd.f32 v11, v10;
	[tilespmem:s30+$0x10D30] =	vst v49  }
0x1d7: {  	v57 =	vld [tilespmem:s30+$0x9560];
	[tilespmem:s30+$0x10D40] =	vst v3;
	v3 =	vadd.f32 v4, v63  }
0x1d8: {  	v46 =	vld [tilespmem:s30+$0x1950];
	v37 =	vadd.f32 v37, v22;
	[tilespmem:s30+$0x11110] =	vst v58  }
0x1d9: {  	v40 =	vadd.f32 v42, v41;
	v41 =	vld [tilespmem:s30+$0x1930];
	[tilespmem:s30+$0x10D60] =	vst v3;
	v3 =	vadd.f32 v9, v8  }
0x1da: {  	v42 =	vld [tilespmem:s30+$0x9930];
	[tilespmem:s30+$0x11170] =	vst v37  }
0x1db: {  	v47 =	vld [tilespmem:s30+$0x1530];
	[tilespmem:s30+$0x11100] =	vst v3;
	v3 =	vadd.f32 v13, v12  }
0x1dc: {  	v48 =	vld [tilespmem:s30+$0x9530];
	[tilespmem:s30+$0x11510] =	vst v40;
	v52 =	vadd.f32 v62, v61  }
0x1dd: {  	v49 =	vld [tilespmem:s30+$0x1960];
	[tilespmem:s30+$0x11120] =	vst v3;
	v3 =	vadd.f32 v17, v16  }
0x1de: {  	v51 =	vld [tilespmem:s30+$0x9540];
	v61 =	vadd.f32 v15, v14;
	[tilespmem:s30+$0x10D50] =	vst v52  }
0x1df: {  	v62 =	vld [tilespmem:s30+$0x1900];
	[tilespmem:s30+$0x11140] =	vst v3;
	v3 =	vadd.f32 v21, v20  }
0x1e0: {  	v55 =	vadd.f32 v7, v6;
	v56 =	vld [tilespmem:s30+$0x1560];
	[tilespmem:s30+$0x11130] =	vst v61  }
0x1e1: {  	v52 =	vld [tilespmem:s30+$0x1970];
	[tilespmem:s30+$0x11160] =	vst v3;
	v3 =	vadd.f32 v39, v24  }
0x1e2: {  	v43 =	vadd.f32 v48, v47;
	v47 =	vld [tilespmem:s30+$0x9950];
	[tilespmem:s30+$0x10D70] =	vst v55  }
0x1e3: {  	v59 =	vld [tilespmem:s30+$0x1570];
	[tilespmem:s30+$0x11500] =	vst v3;
	v3 =	vadd.f32 v45, v44  }
0x1e4: {  	[tilespmem:s30+$0x11530] =	vst v43;
	v63 =	vld [tilespmem:s30+$0x9900];
	v4 =	vadd.f32 v54, v53  }
0x1e5: {  	v60 =	vld [tilespmem:s30+$0x9570];
	[tilespmem:s30+$0x11520] =	vst v3;
	v3 =	vadd.f32 v51, v50  }
0x1e6: {  	v54 =	vadd.f32 v42, v41;
	[tilespmem:s30+$0x11550] =	vst v4;
	v39 =	vld [tilespmem:s30+$0x9920]  }
0x1e7: {  	v44 =	vld [tilespmem:s30+$0x1940];
	[tilespmem:s30+$0x11540] =	vst v3;
	v3 =	vadd.f32 v57, v56  }
0x1e8: {  	[tilespmem:s30+$0x11930] =	vst v54;
	v55 =	vadd.f32 v47, v46;
	v45 =	vld [tilespmem:s30+$0x9940]  }
0x1e9: {  	v53 =	vld [tilespmem:s30+$0x9970];
	[tilespmem:s30+$0x11560] =	vst v3;
	v3 =	vadd.f32 v63, v62  }
0x1ea: {  	v48 =	vadd.f32 v60, v59;
	[tilespmem:s30+$0x11950] =	vst v55;
	v50 =	vld [tilespmem:s30+$0x9960]  }
0x1eb: {  	[tilespmem:s30+$0x11900] =	vst v3;
	v3 =	vadd.f32 v39, v38  }
0x1ec: {  	[tilespmem:s30+$0x11570] =	vst v48;
	v51 =	vadd.f32 v36, v35  }
0x1ed: {  	[tilespmem:s30+$0x11920] =	vst v3;
	v3 =	vadd.f32 v45, v44  }
0x1ee: {  	s1 =	sand.u32 $0x7, s25;
	[tilespmem:s30+$0x11910] =	vst v51;
	v56 =	vadd.f32 v53, v52  }
0x1ef: {  	s1 =	sshll.u32 s1, $0x7;
	[tilespmem:s30+$0x11940] =	vst v3;
	v3 =	vadd.f32 v50, v49  }
0x1f0: {  	s1 =	sadd.s32 s1, s28;
	[tilespmem:s30+$0x11970] =	vst v56  }
0x1f1: {  	[tilespmem:s30+$0x11960] =	vst v3;
	s30 =	sor.u32 $0x1C00, s1  }
0x1f2: {  	v3 =	vld [tilespmem:s30+$0x100]  }
0x1f3: {  	v4 =	vld [tilespmem:s30+$0x8100];
	_ =	sdelay $0x4  }
0x1f4: {  	v3 =	vadd.f32 v4, v3;
	_ =	sdelay $0x1  }
0x1f5: {  	[tilespmem:s30+$0x10100] =	vst v3;
	s30 =	sor.u32 $0x1C10, s1  }
0x1f6: {  	v3 =	vld [tilespmem:s30+$0x100]  }
0x1f7: {  	v57 =	vld [tilespmem:s30+$0x8100];
	_ =	sdelay $0x4  }
0x1f8: {  	v3 =	vadd.f32 v57, v3;
	_ =	sdelay $0x1  }
0x1f9: {  	[tilespmem:s30+$0x10100] =	vst v3;
	s30 =	sor.u32 $0x1C20, s1  }
0x1fa: {  	v3 =	vld [tilespmem:s30+$0x100]  }
0x1fb: {  	v58 =	vld [tilespmem:s30+$0x8100];
	_ =	sdelay $0x4  }
0x1fc: {  	v3 =	vadd.f32 v58, v3;
	_ =	sdelay $0x1  }
0x1fd: {  	[tilespmem:s30+$0x10100] =	vst v3;
	s30 =	sor.u32 $0x1C30, s1  }
0x1fe: {  	v3 =	vld [tilespmem:s30+$0x100]  }
0x1ff: {  	v59 =	vld [tilespmem:s30+$0x8100];
	_ =	sdelay $0x4  }
0x200: {  	v3 =	vadd.f32 v59, v3;
	_ =	sdelay $0x1  }
0x201: {  	[tilespmem:s30+$0x10100] =	vst v3;
	s30 =	sor.u32 $0x1C40, s1  }
0x202: {  	v3 =	vld [tilespmem:s30+$0x100]  }
0x203: {  	v60 =	vld [tilespmem:s30+$0x8100];
	_ =	sdelay $0x4  }
0x204: {  	v3 =	vadd.f32 v60, v3;
	_ =	sdelay $0x1  }
0x205: {  	[tilespmem:s30+$0x10100] =	vst v3;
	s30 =	sor.u32 $0x1C50, s1  }
0x206: {  	v3 =	vld [tilespmem:s30+$0x100]  }
0x207: {  	v61 =	vld [tilespmem:s30+$0x8100];
	_ =	sdelay $0x4  }
0x208: {  	v3 =	vadd.f32 v61, v3;
	_ =	sdelay $0x1  }
0x209: {  	[tilespmem:s30+$0x10100] =	vst v3;
	s30 =	sor.u32 $0x1C60, s1  }
0x20a: {  	v3 =	vld [tilespmem:s30+$0x100]  }
0x20b: {  	v62 =	vld [tilespmem:s30+$0x8100];
	_ =	sdelay $0x4  }
0x20c: {  	v3 =	vadd.f32 v62, v3;
	_ =	sdelay $0x1  }
0x20d: {  	s1 =	sor.u32 $0x1C70, s1;
	[tilespmem:s30+$0x10100] =	vst v3  }
0x20e: {  	v3 =	vld [tilespmem:s1+$0x100]  }
0x20f: {  	v63 =	vld [tilespmem:s1+$0x8100];
	_ =	sdelay $0x1  }
0x210: {  	p0 =	sne.s32 s29, $0xF80  }
.Ltmp1:
0x211: {  	_ = 	snop;
	(pc) =	sbr.rel @p0 .LBB2_4-.Ltmp1, $4  }
0x212: {  	_ = 	snop  }
0x213: {  	v3 =	vadd.f32 v63, v3  }
0x214: {  	s26 =	sadd.s32 $0x400, s26  }
0x215: {  	s29 =	sadd.s32 $0x80, s29;
	s25 =	sadd.s32 $0x1, s25;
	s28 =	sadd.s32 $0x400, s28;
	[tilespmem:s1+$0x10100] =	vst v3  }
0x216: {  	s1 =	rddreg [dreg:$0x5]  }
0x217: {  	[hbm4b:s1+s3] =	stream.linear.scatter [tilespmem:s11], [sflag:$0x2], $0x8000, $0x38;
	[tilespmem:$0x18100] =	vst v63  }
0x218: {  	_ =	swait.ge [sflag:s12], $0x8000  }
0x219: {  	s24 =	sadd.s32 $0x1, s24;
	s30 =	rddreg [dreg:$0x6]  }
0x21a: {  	p0 =	sne.s32 s24, s30  }
.Ltmp2:
0x21b: {  	_ = 	snop;
	(pc) =	sbr.rel @p0 .LBB2_1-.Ltmp2, $3  }
0x21c: {  	_ =	sdelay $0x1  }
0x21d: {  	[sflag:s12] =	ssyncset.done $0x0  }
0x21e: {  	[sflag:s12] =	ssyncadd.s32 $0xFFFF8000  }
0x21f: {  	_ =	sfence.sel $0x180000  }
0x220: {  	[bflag:$0x0] =	sbarrier.arrive $0xFFFF  }
0x221: {  	_ =	strace $0x90000047  }
0x222: {  	s0 =	stileid.u32;
	[bflag:$0x2] =	sbarrier.arrive $0xFFFF  }
0x223: {  	p0 =	sne.s32 s0, $0x0;
	s0 =	rddreg [dreg:$0x2]  }
0x224: {  	s0 =	sadd.s32 @!p0 $0x100000, s0  }
0x225: {  	[sflag:s0] =	ssyncadd.tile.s32 @!p0 $0x1;
	_ =	shalt  }
.Lfunc_end2:
_tile_overlayer_lowered:
.L_overlay_start_2:
0x226: {  	(tag) =	ssettag $0x2  }
0x227: {  	s0 =	rddreg [dreg:$0x0];
	s2 =	stileid.u32  }
0x228: {  	s1 =	rddreg [dreg:$0x1];
	p0 =	sne.s32 s2, $0x0  }
0x229: {  	s3 =	rddreg [dreg:$0x2];
	[bflag:$0x3] =	sbarrier.arrive $0xFFFF;
	s2 =	simm.s32 @!p0 $0x1C02  }
0x22a: {  	[timem:s3], [sflag:s2] =	dma.local @!p0 [hbm:s0], s1  }
0x22b: {  	s0 =	simm.s32 @!p0 $0x2  }
0x22c: {  	_ =	swait.ge @!p0 [sflag:s0], s1  }
0x22d: {  	s1 =	ssub.s32 @!p0 $0x0, s1;
	[sflag:s0] =	ssyncset.done @!p0 $0x0  }
0x22e: {  	[sflag:s0] =	ssyncadd.s32 @!p0 s1  }
0x22f: {  	[bflag:$0x3] =	sbarrier.arrive $0xFFFF  }
0x230: {  	_ =	shalt  }

</sc_bundles>
